<compile_context>
chip_gen: v7x
topology: tpu7x:2x2x1
jax: 0.10.2.dev20260603
libtpu: 0.0.44.dev20260713+nightly
codegen_flags: <defaults>
</compile_context>

<pallas_src>
import functools

import jax
import jax.numpy as jnp
from jax import lax
from jax.experimental import pallas as pl
from jax.experimental.pallas import tpu as pltpu
from jax.experimental.pallas import tpu_sc as plsc

N = 10000
E = 320000
NS, NV, ES, EV = 128, 16, 16, 4
V48 = NV * 3

NC, NSUB = 2, 16
NW = NC * NSUB
CH = 128
EPW = 10112
E_PAD = EPW * NW
NCHUNK = EPW // CH
HALF = 5056
HROWS = 5120
ROWS_T = HROWS // NSUB
ET = E_PAD // NSUB
NCH2 = ET // CH
BE = 2048
BN = 1000

_f32 = jnp.float32



def _k1_body(x_ref, v_ref, w1_ref, w2_ref, w3_ref, w4_ref,
             o1_ref, o2_ref):
    x = x_ref[...]
    v = v_ref[...]
    o1_ref[...] = jnp.concatenate(
        [jnp.dot(x, w1_ref[...], preferred_element_type=_f32),
         jnp.dot(v, w3_ref[...], preferred_element_type=_f32)], axis=1)
    o2_ref[...] = jnp.concatenate(
        [jnp.dot(x, w2_ref[...], preferred_element_type=_f32),
         jnp.dot(v, w4_ref[...], preferred_element_type=_f32)], axis=1)


def _run_k1(node_s, node_v48, w1t, w2t, a1p, a3p):
    full = lambda a: pl.BlockSpec(a.shape, lambda i: (0,) * a.ndim)
    return pl.pallas_call(
        _k1_body,
        grid=(N // BN,),
        in_specs=[
            pl.BlockSpec((BN, NS), lambda i: (i, 0)),
            pl.BlockSpec((BN, V48), lambda i: (i, 0)),
            full(w1t), full(w2t), full(a1p), full(a3p),
        ],
        out_specs=[pl.BlockSpec((BN, 2 * NS), lambda i: (i, 0))] * 2,
        out_shape=[jax.ShapeDtypeStruct((N, 2 * NS), _f32)] * 2,
    )(node_s, node_v48, w1t, w2t, a1p, a3p)


def _k3_body(gsv_ref, es_ref, ev_ref,
             a2_ref, b1_ref, s108_ref, s48_ref, g3_ref,
             wet_ref, wvnt_ref, b8_ref,
             ms_ref, mvc_ref):
    gsv = gsv_ref[...]
    gs = gsv[:, :NS]
    vh = gsv[:, NS:] + jnp.dot(ev_ref[...], a2_ref[...],
                               preferred_element_type=_f32)
    vn = jnp.sqrt(jnp.dot(vh * vh, s108_ref[...], preferred_element_type=_f32))
    vo = jnp.dot(vh, b1_ref[...], preferred_element_type=_f32)
    gn = jnp.sqrt(jnp.dot(vo * vo, s48_ref[...], preferred_element_type=_f32))
    g = jax.nn.sigmoid(gn)
    m_v = vo * jnp.dot(g, g3_ref[...], preferred_element_type=_f32)
    nrow = m_v.shape[0]
    ms_ref[...] = jax.nn.relu(
        gs
        + jnp.dot(es_ref[...], wet_ref[...], preferred_element_type=_f32)
        + jnp.dot(vn, wvnt_ref[...], preferred_element_type=_f32)
        + b8_ref[...][0:1, :])
    mvc_ref[...] = jnp.concatenate(
        [m_v, jnp.ones((nrow, 16), _f32), jnp.zeros((nrow, 64), _f32)],
        axis=1)


def _run_k3(gsv, es, ev, a2, b1, s108, s48, g3, wet, wvnt, b8):
    full = lambda a: pl.BlockSpec(a.shape, lambda i: (0,) * a.ndim)
    return pl.pallas_call(
        _k3_body,
        grid=(E_PAD // BE,),
        in_specs=[
            pl.BlockSpec((BE, 2 * NS), lambda i: (i, 0)),
            pl.BlockSpec((BE, ES), lambda i: (i, 0)),
            pl.BlockSpec((BE, EV * 3), lambda i: (i, 0)),
            full(a2), full(b1), full(s108), full(s48),
            full(g3), full(wet), full(wvnt), full(b8),
        ],
        out_specs=[
            pl.BlockSpec((BE, NS), lambda i: (i, 0)),
            pl.BlockSpec((BE, NS), lambda i: (i, 0)),
        ],
        out_shape=[
            jax.ShapeDtypeStruct((E_PAD, NS), _f32),
            jax.ShapeDtypeStruct((E_PAD, NS), _f32),
        ],
    )(gsv, es, ev, a2, b1, s108, s48, g3, wet, wvnt, b8)


def _k5_body(ps_ref, pvc_ref, ns_ref, nv_ref,
             au_ref, bu_ref, s48_ref, g3_ref, wus_ref, wuvn_ref,
             ub8_ref, lng8_ref, lnb8_ref,
             os_ref, ov_ref):
    pvc = pvc_ref[...]
    cnt = pvc[:, 48:49]
    rcnt = 1.0 / jnp.maximum(cnt, 1.0)
    agg_s = ps_ref[...] * rcnt
    agg_v = pvc[:, :V48] * rcnt
    vh = jnp.dot(agg_v, au_ref[...], preferred_element_type=_f32)
    vn = jnp.sqrt(jnp.dot(vh * vh, s48_ref[...], preferred_element_type=_f32))
    vo = jnp.dot(vh, bu_ref[...], preferred_element_type=_f32)
    gn = jnp.sqrt(jnp.dot(vo * vo, s48_ref[...], preferred_element_type=_f32))
    g = jax.nn.sigmoid(gn)
    ov_ref[...] = nv_ref[...] + vo * jnp.dot(g, g3_ref[...],
                                             preferred_element_type=_f32)
    d_s = jax.nn.relu(
        jnp.dot(agg_s, wus_ref[...], preferred_element_type=_f32)
        + jnp.dot(vn, wuvn_ref[...], preferred_element_type=_f32)
        + ub8_ref[...][0:1, :])
    h = ns_ref[...] + d_s
    mu = jnp.mean(h, axis=-1, keepdims=True)
    var = jnp.mean((h - mu) ** 2, axis=-1, keepdims=True)
    os_ref[...] = ((h - mu) * jax.lax.rsqrt(var + 1e-5)
                   * lng8_ref[...][0:1, :] + lnb8_ref[...][0:1, :])


def _run_k5(ps, pvc, node_s, node_v48,
            au, bu, s48, g3, wus, wuvn, ub8, lng8, lnb8):
    full = lambda a: pl.BlockSpec(a.shape, lambda i: (0,) * a.ndim)
    return pl.pallas_call(
        _k5_body,
        grid=(N // BN,),
        in_specs=[
            pl.BlockSpec((BN, NS), lambda i: (i, 0)),
            pl.BlockSpec((BN, NS), lambda i: (i, 0)),
            pl.BlockSpec((BN, NS), lambda i: (i, 0)),
            pl.BlockSpec((BN, V48), lambda i: (i, 0)),
            full(au), full(bu), full(s48), full(g3), full(wus), full(wuvn),
            full(ub8), full(lng8), full(lnb8),
        ],
        out_specs=[
            pl.BlockSpec((BN, NS), lambda i: (i, 0)),
            pl.BlockSpec((BN, V48), lambda i: (i, 0)),
        ],
        out_shape=[
            jax.ShapeDtypeStruct((N, NS), _f32),
            jax.ShapeDtypeStruct((N, V48), _f32),
        ],
    )(ps, pvc, node_s, node_v48,
      au, bu, s48, g3, wus, wuvn, ub8, lng8, lnb8)



_SC_MESH = plsc.VectorSubcoreMesh(core_axis_name="c", subcore_axis_name="s")


@functools.partial(
    pl.kernel,
    mesh=_SC_MESH,
    out_type=jax.ShapeDtypeStruct((E_PAD, 2 * NS), _f32),
    scratch_types=[
        pltpu.VMEM((CH,), jnp.int32),
        pltpu.VMEM((CH,), jnp.int32),
        pltpu.VMEM((CH, 2 * NS), _f32),
        pltpu.VMEM((CH, 2 * NS), _f32),
        pltpu.SemaphoreType.DMA,
        pltpu.SemaphoreType.DMA,
    ],
)
def _sc_gather(src_hbm, dst_hbm, rs_hbm, rd_hbm,
               gsv_out,
               src_v, dst_v, a_v, b_v, sem, sem2):
    wid = lax.axis_index("s") * NC + lax.axis_index("c")
    base0 = wid * EPW

    def chunk_body(k, carry):
        base = base0 + k * CH
        pltpu.sync_copy(src_hbm.at[pl.ds(base, CH)], src_v)
        pltpu.sync_copy(dst_hbm.at[pl.ds(base, CH)], dst_v)
        cp1 = pltpu.async_copy(rs_hbm.at[src_v], a_v, sem)
        cp2 = pltpu.async_copy(rd_hbm.at[dst_v], b_v, sem2)
        cp1.wait()
        cp2.wait()

        def row_body(i, rcarry):
            for j in range(2 * NS // 16):
                sl = pl.ds(j * 16, 16)
                a_v[i, sl] = a_v[i, sl] + b_v[i, sl]
            return rcarry

        lax.fori_loop(0, CH, row_body, 0)
        pltpu.sync_copy(a_v, gsv_out.at[pl.ds(base, CH)])
        return carry

    lax.fori_loop(0, NCHUNK, chunk_body, 0)


@functools.partial(
    pl.kernel,
    mesh=_SC_MESH,
    out_type=[
        jax.ShapeDtypeStruct((NC, HROWS, NS), _f32),
        jax.ShapeDtypeStruct((NC, HROWS, NS), _f32),
    ],
    scratch_types=[
        pltpu.VMEM((CH,), jnp.int32),
        pltpu.VMEM((CH,), jnp.int32),
        pltpu.VMEM((CH, NS), _f32),
        pltpu.VMEM((CH, NS), _f32),
        pltpu.VMEM_SHARED((HROWS, NS), _f32),
        pltpu.VMEM_SHARED((HROWS, NS), _f32),
    ],
)
def _sc_scatter(dst_hbm, ms_hbm, mvc_hbm,
                aggs_out, aggvc_out,
                dst_v, idx2_v, ms_v, mvc_v,
                sh_s, sh_v):
    cid = lax.axis_index("c")
    sid = lax.axis_index("s")
    node0 = cid * HALF

    def zero_body(i, carry):
        z = jnp.zeros((16,), _f32)
        for j in range(NS // 16):
            ms_v[i, pl.ds(j * 16, 16)] = z
        return carry

    lax.fori_loop(0, CH, zero_body, 0)

    r0 = sid * ROWS_T
    for g in range(ROWS_T // 64):
        pltpu.sync_copy(ms_v.at[pl.ds(0, 64)],
                        sh_s.at[pl.ds(r0 + g * 64, 64)])
        pltpu.sync_copy(ms_v.at[pl.ds(0, 64)],
                        sh_v.at[pl.ds(r0 + g * 64, 64)])
    plsc.subcore_barrier()

    base0 = sid * ET

    def chunk_body(k, carry):
        base = base0 + k * CH
        pltpu.sync_copy(dst_hbm.at[pl.ds(base, CH)], dst_v)
        pltpu.sync_copy(ms_hbm.at[pl.ds(base, CH)], ms_v)
        pltpu.sync_copy(mvc_hbm.at[pl.ds(base, CH)], mvc_v)
        for j in range(CH // 16):
            sl = pl.ds(j * 16, 16)
            d = dst_v[sl] - node0
            ok = (d >= 0) & (d < HALF)
            idx2_v[sl] = jnp.where(ok, d, HALF)
        pltpu.sync_copy(ms_v, sh_s.at[idx2_v], add=True)
        pltpu.sync_copy(mvc_v, sh_v.at[idx2_v], add=True)
        return carry

    lax.fori_loop(0, NCH2, chunk_body, 0)
    plsc.subcore_barrier()

    for g in range(ROWS_T // 64):
        rr = r0 + g * 64
        pltpu.sync_copy(sh_s.at[pl.ds(rr, 64)], ms_v.at[pl.ds(0, 64)])
        pltpu.sync_copy(ms_v.at[pl.ds(0, 64)],
                        aggs_out.at[cid, pl.ds(rr, 64)])
        pltpu.sync_copy(sh_v.at[pl.ds(rr, 64)], mvc_v.at[pl.ds(0, 64)])
        pltpu.sync_copy(mvc_v.at[pl.ds(0, 64)],
                        aggvc_out.at[cid, pl.ds(rr, 64)])



def kernel(node_s, node_v, edge_s, edge_v, edge_index, msg_Wv, msg_Wv2,
           msg_Ws_w, msg_Ws_b, upd_Wv, upd_Wv2, upd_Ws_w, upd_Ws_b,
           ln_g, ln_b):
    i3 = jnp.eye(3, dtype=_f32)
    e16 = jnp.eye(16, dtype=_f32)
    w1t = msg_Ws_w[:, :NS].T
    w2t = msg_Ws_w[:, NS + ES:2 * NS + ES].T
    wet = msg_Ws_w[:, NS:NS + ES].T
    wvnt = msg_Ws_w[:, 2 * NS + ES:].T
    pad_r = lambda a, r: jnp.pad(a, ((0, r - a.shape[0]), (0, 0)))
    pad_c = lambda a, c: jnp.pad(a, ((0, 0), (0, c - a.shape[1])))
    a1p = pad_c(jnp.kron(msg_Wv[:, :NV], i3).T, NS)
    a2p = pad_c(jnp.kron(msg_Wv[:, NV:NV + EV], i3).T, NS)
    a3p = pad_c(jnp.kron(msg_Wv[:, NV + EV:], i3).T, NS)
    b1p = pad_r(jnp.kron(msg_Wv2, i3).T, NS)
    s108p = pad_r(jnp.kron(jnp.eye(36, dtype=_f32),
                           jnp.ones((3, 1), _f32)), NS)
    s48 = jnp.kron(e16, jnp.ones((3, 1), _f32))
    g3 = jnp.kron(e16, jnp.ones((1, 3), _f32))
    b8 = jnp.broadcast_to(msg_Ws_b[None, :], (8, NS))
    au = jnp.kron(upd_Wv, i3).T
    bu = jnp.kron(upd_Wv2, i3).T
    wus = upd_Ws_w[:, :NS].T
    wuvn = upd_Ws_w[:, NS:].T
    ub8 = jnp.broadcast_to(upd_Ws_b[None, :], (8, NS))
    lng8 = jnp.broadcast_to(ln_g[None, :], (8, NS))
    lnb8 = jnp.broadcast_to(ln_b[None, :], (8, NS))

    node_v48 = node_v.reshape(N, V48)
    src = edge_index[0]
    dst = edge_index[1]
    pad = E_PAD - E
    zi = jnp.zeros((pad,), jnp.int32)
    src_g = jnp.concatenate([src, zi])
    dst_g = jnp.concatenate([dst, zi])
    dst_sc = jnp.concatenate([dst, jnp.full((pad,), N, jnp.int32)])
    es_p = jnp.pad(edge_s, ((0, pad), (0, 0)))
    ev_p = jnp.pad(edge_v.reshape(E, EV * 3), ((0, pad), (0, 0)))

    r_src, r_dst = _run_k1(node_s, node_v48, w1t, w2t, a1p, a3p)
    gsv = _sc_gather(src_g, dst_g, r_src, r_dst)
    m_s, m_vc = _run_k3(gsv, es_p, ev_p,
                        a2p, b1p, s108p, s48, g3, wet, wvnt, b8)
    aggs, aggvc = _sc_scatter(dst_sc, m_s, m_vc)
    cat = lambda a: jnp.concatenate([a[0, :HALF], a[1, :N - HALF]], axis=0)
    out_s, out_v48 = _run_k5(
        cat(aggs), cat(aggvc), node_s, node_v48,
        au, bu, s48, g3, wus, wuvn, ub8, lng8, lnb8)
    return (out_s, out_v48.reshape(N, NV, 3))

# --- scband reference (transcript-rebuilt; emitter-appended) ---
"""Pipeline reference for scband-gvpconv-layer-12034498363922 (READ-ONLY COPY).

The authoritative reference and input builder live on the scoring server;
editing this copy changes nothing except your own understanding.
"""

import jax, jax.numpy as jnp
import numpy as np

N = 10000
E = 320000
NS, NV = 128, 16
ES, EV = 16, 4

def setup_inputs(seed: int = 0):
    key = jax.random.key(seed)
    k = lambda i: jax.random.fold_in(key, i)
    inp = {}
    inp["node_s"] = jax.random.normal(k(0), (N, NS), dtype=jnp.float32)
    inp["node_v"] = jax.random.normal(k(1), (N, NV, 3), dtype=jnp.float32)
    inp["edge_s"] = jax.random.normal(k(2), (E, ES), dtype=jnp.float32)
    inp["edge_v"] = jax.random.normal(k(3), (E, EV, 3), dtype=jnp.float32)
    inp["edge_index"] = jax.random.randint(k(4), (2, E), 0, N, dtype=jnp.int32)
    si_m, vi_m = 2 * NS + ES, 2 * NV + EV
    h_m = max(vi_m, NV)
    inp["msg_Wv"] = jax.random.normal(k(5), (h_m, vi_m), dtype=jnp.float32) / np.sqrt(vi_m)
    inp["msg_Wv2"] = jax.random.normal(k(6), (NV, h_m), dtype=jnp.float32) / np.sqrt(h_m)
    inp["msg_Ws_w"] = jax.random.normal(k(7), (NS, si_m + h_m), dtype=jnp.float32) / np.sqrt(si_m + h_m)
    inp["msg_Ws_b"] = jnp.zeros((NS,), dtype=jnp.float32)
    h_u = max(NV, NV)
    inp["upd_Wv"] = jax.random.normal(k(8), (h_u, NV), dtype=jnp.float32) / np.sqrt(NV)
    inp["upd_Wv2"] = jax.random.normal(k(9), (NV, h_u), dtype=jnp.float32) / np.sqrt(h_u)
    inp["upd_Ws_w"] = jax.random.normal(k(10), (NS, NS + h_u), dtype=jnp.float32) / np.sqrt(NS + h_u)
    inp["upd_Ws_b"] = jnp.zeros((NS,), dtype=jnp.float32)
    inp["ln_g"] = jnp.ones((NS,), dtype=jnp.float32)
    inp["ln_b"] = jnp.zeros((NS,), dtype=jnp.float32)
    return inp

def _gvp(x_s, x_v, Wv, Wv2, Ws_w, Ws_b):
    # vectors stored as (*, channels, 3); linear maps mix channels, preserve 3D coords
    v_h = jnp.einsum('kc,ncd->nkd', Wv, x_v)
    v_norms = jnp.sqrt(jnp.sum(v_h * v_h, axis=-1))
    v_out = jnp.einsum('kc,ncd->nkd', Wv2, v_h)
    gate = jax.nn.sigmoid(jnp.sqrt(jnp.sum(v_out * v_out, axis=-1, keepdims=True)))
    v_out = v_out * gate
    s_in = jnp.concatenate([x_s, v_norms], axis=-1)
    s_out = jax.nn.relu(s_in @ Ws_w.T + Ws_b)
    return s_out, v_out

def reference(node_s, node_v, edge_s, edge_v, edge_index, msg_Wv, msg_Wv2, msg_Ws_w, msg_Ws_b, upd_Wv, upd_Wv2, upd_Ws_w, upd_Ws_b, ln_g, ln_b):
    src, dst = edge_index[0], edge_index[1]
    msg_s = jnp.concatenate([node_s[src], edge_s, node_s[dst]], axis=-1)
    msg_v = jnp.concatenate([node_v[src], edge_v, node_v[dst]], axis=1)
    m_s, m_v = _gvp(msg_s, msg_v, msg_Wv, msg_Wv2, msg_Ws_w, msg_Ws_b)
    n = node_s.shape[0]
    agg_s = jnp.zeros((n, m_s.shape[-1]), dtype=m_s.dtype).at[dst].add(m_s)
    agg_v = jnp.zeros((n, m_v.shape[1], 3), dtype=m_v.dtype).at[dst].add(m_v)
    count = jnp.zeros((n, 1), dtype=m_s.dtype).at[dst].add(1.0)
    count = jnp.clip(count, 1.0, None)
    agg_s = agg_s / count
    agg_v = agg_v / count[..., None]
    d_s, d_v = _gvp(agg_s, agg_v, upd_Wv, upd_Wv2, upd_Ws_w, upd_Ws_b)
    h = node_s + d_s
    mu = jnp.mean(h, axis=-1, keepdims=True)
    var = jnp.mean((h - mu) ** 2, axis=-1, keepdims=True)
    out_s = (h - mu) / jnp.sqrt(var + 1e-5) * ln_g + ln_b
    out_v = node_v + d_v
    return (out_s, out_v)

if __name__ == "__main__":
    import jax
    _d = setup_inputs()
    print(jax.jit(kernel)(*tuple(_d.values())))

</pallas_src>

<mosaic_0001>
#map = affine_map<(d0, d1) -> (0)>
#map1 = affine_map<(d0, d1) -> (0, 0)>
module attributes {stable_mosaic.version = 14 : i64} {
  func.func @_sc_gather(%arg0: i32, %arg1: i32, %arg2: memref<323584xi32, #tpu.memory_space<hbm>>, %arg3: memref<323584xi32, #tpu.memory_space<hbm>>, %arg4: memref<10000x256xf32, #tpu.memory_space<hbm>>, %arg5: memref<10000x256xf32, #tpu.memory_space<hbm>>, %arg6: memref<323584x256xf32, #tpu.memory_space<hbm>>, %arg7: memref<128xi32, #tpu.memory_space<vmem>>, %arg8: memref<128xi32, #tpu.memory_space<vmem>>, %arg9: memref<128x256xf32, #tpu.memory_space<vmem>>, %arg10: memref<128x256xf32, #tpu.memory_space<vmem>>, %arg11: memref<!tpu.dma_semaphore, #tpu.memory_space<semaphore_mem>>, %arg12: memref<!tpu.dma_semaphore, #tpu.memory_space<semaphore_mem>>) attributes {dimension_semantics = [#tpu.dimension_semantics<core_parallel>, #tpu.dimension_semantics<subcore_parallel>], iteration_bounds = array<i64: 2, 16>, scalar_prefetch = 0 : i64, scratch_operands = 6 : i64, tpu.core_type = #tpu.core_type<sc_vector_subcore>, window_params = [{transform_indices = #map}, {transform_indices = #map}, {transform_indices = #map1}, {transform_indices = #map1}, {transform_indices = #map1}]} {
    %mul3A = arith.constant 2 : i32
    %mul3A_0 = arith.muli %arg1, %mul3A : i32
    %add3A = arith.addi %mul3A_0, %arg0 : i32
    %mul3A_1 = arith.constant 10112 : i32
    %mul3A_2 = arith.muli %add3A, %mul3A_1 : i32
    %scan3A = arith.constant 0 : i32
    %scan3A_3 = arith.constant 0 : i32
    %scan3A_4 = arith.constant 79 : i32
    %scan3A_5 = arith.addi %scan3A_3, %scan3A_4 : i32
    %scan3A_6 = arith.constant 1 : i32
    scf.for %scan3A_8 = %scan3A_3 to %scan3A_5 step %scan3A_6  : i32 {
      %mul3A_9 = arith.constant 128 : i32
      %mul3A_10 = arith.muli %scan3A_8, %mul3A_9 : i32
      %add3A_11 = arith.addi %mul3A_2, %mul3A_10 : i32
      "tpu.region"() ({
        %run_scoped3A = tpu.sem_alloc : memref<!tpu.dma_semaphore, #tpu.memory_space<semaphore_mem>>
        %dma_start3A_28 = tpu.memref_slice %arg2[%add3A_11] : memref<323584xi32, #tpu.memory_space<hbm>> -> memref<128xi32, #tpu.memory_space<hbm>>
        %dma_start3A_29 = tpu.memref_slice %arg2[%add3A_11] : memref<323584xi32, #tpu.memory_space<hbm>> -> memref<128xi32, #tpu.memory_space<hbm>>
        tpu.enqueue_dma source(%dma_start3A_29 : memref<128xi32, #tpu.memory_space<hbm>>) target(%arg7 : memref<128xi32, #tpu.memory_space<vmem>>) target_semaphore(%run_scoped3A : memref<!tpu.dma_semaphore, #tpu.memory_space<semaphore_mem>>)
        %dma_wait3A_30 = tpu.memref_slice %arg2[%add3A_11] : memref<323584xi32, #tpu.memory_space<hbm>> -> memref<128xi32, #tpu.memory_space<hbm>>
        %dma_wait3A_31 = tpu.memref_slice %arg2[%add3A_11] : memref<323584xi32, #tpu.memory_space<hbm>> -> memref<128xi32, #tpu.memory_space<hbm>>
        tpu.wait_dma2 semaphore(%run_scoped3A : memref<!tpu.dma_semaphore, #tpu.memory_space<semaphore_mem>>) src(%dma_wait3A_31 : memref<128xi32, #tpu.memory_space<hbm>>) dst(%arg7 : memref<128xi32, #tpu.memory_space<vmem>>)
        tpu.yield
      }) : () -> ()
      "tpu.region"() ({
        %run_scoped3A = tpu.sem_alloc : memref<!tpu.dma_semaphore, #tpu.memory_space<semaphore_mem>>
        %dma_start3A_28 = tpu.memref_slice %arg3[%add3A_11] : memref<323584xi32, #tpu.memory_space<hbm>> -> memref<128xi32, #tpu.memory_space<hbm>>
        %dma_start3A_29 = tpu.memref_slice %arg3[%add3A_11] : memref<323584xi32, #tpu.memory_space<hbm>> -> memref<128xi32, #tpu.memory_space<hbm>>
        tpu.enqueue_dma source(%dma_start3A_29 : memref<128xi32, #tpu.memory_space<hbm>>) target(%arg8 : memref<128xi32, #tpu.memory_space<vmem>>) target_semaphore(%run_scoped3A : memref<!tpu.dma_semaphore, #tpu.memory_space<semaphore_mem>>)
        %dma_wait3A_30 = tpu.memref_slice %arg3[%add3A_11] : memref<323584xi32, #tpu.memory_space<hbm>> -> memref<128xi32, #tpu.memory_space<hbm>>
        %dma_wait3A_31 = tpu.memref_slice %arg3[%add3A_11] : memref<323584xi32, #tpu.memory_space<hbm>> -> memref<128xi32, #tpu.memory_space<hbm>>
        tpu.wait_dma2 semaphore(%run_scoped3A : memref<!tpu.dma_semaphore, #tpu.memory_space<semaphore_mem>>) src(%dma_wait3A_31 : memref<128xi32, #tpu.memory_space<hbm>>) dst(%arg8 : memref<128xi32, #tpu.memory_space<vmem>>)
        tpu.yield
      }) : () -> ()
      %dma_start3A = arith.constant 0 : i32
      %dma_start3A_12 = arith.constant 0 : i32
      %dma_start3A_13 = tpu.memref_slice %arg4[%dma_start3A, %dma_start3A_12] : memref<10000x256xf32, #tpu.memory_space<hbm>> -> memref<10000x256xf32, #tpu.memory_space<hbm>>
      tpu.enqueue_indirect_dma source(%dma_start3A_13 : memref<10000x256xf32, #tpu.memory_space<hbm>>) target(%arg9 : memref<128x256xf32, #tpu.memory_space<vmem>>) offsets(%arg7 : memref<128xi32, #tpu.memory_space<vmem>>) semaphore(%arg11 : memref<!tpu.dma_semaphore, #tpu.memory_space<semaphore_mem>>)
      %dma_start3A_14 = arith.constant 0 : i32
      %dma_start3A_15 = arith.constant 0 : i32
      %dma_start3A_16 = tpu.memref_slice %arg5[%dma_start3A_14, %dma_start3A_15] : memref<10000x256xf32, #tpu.memory_space<hbm>> -> memref<10000x256xf32, #tpu.memory_space<hbm>>
      tpu.enqueue_indirect_dma source(%dma_start3A_16 : memref<10000x256xf32, #tpu.memory_space<hbm>>) target(%arg10 : memref<128x256xf32, #tpu.memory_space<vmem>>) offsets(%arg8 : memref<128xi32, #tpu.memory_space<vmem>>) semaphore(%arg12 : memref<!tpu.dma_semaphore, #tpu.memory_space<semaphore_mem>>)
      %dma_wait3A = arith.constant 0 : i32
      %dma_wait3A_17 = arith.constant 0 : i32
      %dma_wait3A_18 = tpu.memref_slice %arg4[%dma_wait3A, %dma_wait3A_17] : memref<10000x256xf32, #tpu.memory_space<hbm>> -> memref<10000x256xf32, #tpu.memory_space<hbm>>
      tpu.wait_indirect_dma semaphore(%arg11 : memref<!tpu.dma_semaphore, #tpu.memory_space<semaphore_mem>>) src(%dma_wait3A_18 : memref<10000x256xf32, #tpu.memory_space<hbm>>) dst(%arg9 : memref<128x256xf32, #tpu.memory_space<vmem>>)
      %dma_wait3A_19 = arith.constant 0 : i32
      %dma_wait3A_20 = arith.constant 0 : i32
      %dma_wait3A_21 = tpu.memref_slice %arg5[%dma_wait3A_19, %dma_wait3A_20] : memref<10000x256xf32, #tpu.memory_space<hbm>> -> memref<10000x256xf32, #tpu.memory_space<hbm>>
      tpu.wait_indirect_dma semaphore(%arg12 : memref<!tpu.dma_semaphore, #tpu.memory_space<semaphore_mem>>) src(%dma_wait3A_21 : memref<10000x256xf32, #tpu.memory_space<hbm>>) dst(%arg10 : memref<128x256xf32, #tpu.memory_space<vmem>>)
      %scan3A_22 = arith.constant 0 : i32
      %scan3A_23 = arith.constant 0 : i32
      %scan3A_24 = arith.constant 128 : i32
      %scan3A_25 = arith.addi %scan3A_23, %scan3A_24 : i32
      %scan3A_26 = arith.constant 1 : i32
      scf.for %scan3A_28 = %scan3A_23 to %scan3A_25 step %scan3A_26  : i32 {
        %get3A = arith.index_cast %scan3A_28 : i32 to index
        %get3A_29 = arith.constant 0 : index
        %get3A_30 = tpu.vector_load %arg9[%get3A, %get3A_29] {strides = array<i32>} : memref<128x256xf32, #tpu.memory_space<vmem>>, vector<1x16xf32>,
        %get3A_31 = vector.shape_cast %get3A_30 : vector<1x16xf32> to vector<16xf32>
        %get3A_32 = arith.index_cast %scan3A_28 : i32 to index
        %get3A_33 = arith.constant 0 : index
        %get3A_34 = tpu.vector_load %arg10[%get3A_32, %get3A_33] {strides = array<i32>} : memref<128x256xf32, #tpu.memory_space<vmem>>, vector<1x16xf32>,
        %get3A_35 = vector.shape_cast %get3A_34 : vector<1x16xf32> to vector<16xf32>
        %add3A_36 = arith.addf %get3A_31, %get3A_35 : vector<16xf32>
        %swap3A = arith.index_cast %scan3A_28 : i32 to index
        %swap3A_37 = arith.constant 0 : index
        %swap3A_38 = tpu.vector_load %arg9[%swap3A, %swap3A_37] {strides = array<i32>} : memref<128x256xf32, #tpu.memory_space<vmem>>, vector<1x16xf32>,
        %swap3A_39 = vector.shape_cast %swap3A_38 : vector<1x16xf32> to vector<16xf32>
        %swap3A_40 = vector.shape_cast %add3A_36 : vector<16xf32> to vector<1x16xf32>
        tpu.vector_store %arg9[%swap3A, %swap3A_37], %swap3A_40 {strides = array<i32>} : memref<128x256xf32, #tpu.memory_space<vmem>>, vector<1x16xf32>,
        %get3A_41 = arith.index_cast %scan3A_28 : i32 to index
        %get3A_42 = arith.constant 16 : index
        %get3A_43 = tpu.vector_load %arg9[%get3A_41, %get3A_42] {strides = array<i32>} : memref<128x256xf32, #tpu.memory_space<vmem>>, vector<1x16xf32>,
        %get3A_44 = vector.shape_cast %get3A_43 : vector<1x16xf32> to vector<16xf32>
        %get3A_45 = arith.index_cast %scan3A_28 : i32 to index
        %get3A_46 = arith.constant 16 : index
        %get3A_47 = tpu.vector_load %arg10[%get3A_45, %get3A_46] {strides = array<i32>} : memref<128x256xf32, #tpu.memory_space<vmem>>, vector<1x16xf32>,
        %get3A_48 = vector.shape_cast %get3A_47 : vector<1x16xf32> to vector<16xf32>
        %add3A_49 = arith.addf %get3A_44, %get3A_48 : vector<16xf32>
        %swap3A_50 = arith.index_cast %scan3A_28 : i32 to index
        %swap3A_51 = arith.constant 16 : index
        %swap3A_52 = tpu.vector_load %arg9[%swap3A_50, %swap3A_51] {strides = array<i32>} : memref<128x256xf32, #tpu.memory_space<vmem>>, vector<1x16xf32>,
        %swap3A_53 = vector.shape_cast %swap3A_52 : vector<1x16xf32> to vector<16xf32>
        %swap3A_54 = vector.shape_cast %add3A_49 : vector<16xf32> to vector<1x16xf32>
        tpu.vector_store %arg9[%swap3A_50, %swap3A_51], %swap3A_54 {strides = array<i32>} : memref<128x256xf32, #tpu.memory_space<vmem>>, vector<1x16xf32>,
        %get3A_55 = arith.index_cast %scan3A_28 : i32 to index
        %get3A_56 = arith.constant 32 : index
        %get3A_57 = tpu.vector_load %arg9[%get3A_55, %get3A_56] {strides = array<i32>} : memref<128x256xf32, #tpu.memory_space<vmem>>, vector<1x16xf32>,
        %get3A_58 = vector.shape_cast %get3A_57 : vector<1x16xf32> to vector<16xf32>
        %get3A_59 = arith.index_cast %scan3A_28 : i32 to index
        %get3A_60 = arith.constant 32 : index
        %get3A_61 = tpu.vector_load %arg10[%get3A_59, %get3A_60] {strides = array<i32>} : memref<128x256xf32, #tpu.memory_space<vmem>>, vector<1x16xf32>,
        %get3A_62 = vector.shape_cast %get3A_61 : vector<1x16xf32> to vector<16xf32>
        %add3A_63 = arith.addf %get3A_58, %get3A_62 : vector<16xf32>
        %swap3A_64 = arith.index_cast %scan3A_28 : i32 to index
        %swap3A_65 = arith.constant 32 : index
        %swap3A_66 = tpu.vector_load %arg9[%swap3A_64, %swap3A_65] {strides = array<i32>} : memref<128x256xf32, #tpu.memory_space<vmem>>, vector<1x16xf32>,
        %swap3A_67 = vector.shape_cast %swap3A_66 : vector<1x16xf32> to vector<16xf32>
        %swap3A_68 = vector.shape_cast %add3A_63 : vector<16xf32> to vector<1x16xf32>
        tpu.vector_store %arg9[%swap3A_64, %swap3A_65], %swap3A_68 {strides = array<i32>} : memref<128x256xf32, #tpu.memory_space<vmem>>, vector<1x16xf32>,
        %get3A_69 = arith.index_cast %scan3A_28 : i32 to index
        %get3A_70 = arith.constant 48 : index
        %get3A_71 = tpu.vector_load %arg9[%get3A_69, %get3A_70] {strides = array<i32>} : memref<128x256xf32, #tpu.memory_space<vmem>>, vector<1x16xf32>,
        %get3A_72 = vector.shape_cast %get3A_71 : vector<1x16xf32> to vector<16xf32>
        %get3A_73 = arith.index_cast %scan3A_28 : i32 to index
        %get3A_74 = arith.constant 48 : index
        %get3A_75 = tpu.vector_load %arg10[%get3A_73, %get3A_74] {strides = array<i32>} : memref<128x256xf32, #tpu.memory_space<vmem>>, vector<1x16xf32>,
        %get3A_76 = vector.shape_cast %get3A_75 : vector<1x16xf32> to vector<16xf32>
        %add3A_77 = arith.addf %get3A_72, %get3A_76 : vector<16xf32>
        %swap3A_78 = arith.index_cast %scan3A_28 : i32 to index
        %swap3A_79 = arith.constant 48 : index
        %swap3A_80 = tpu.vector_load %arg9[%swap3A_78, %swap3A_79] {strides = array<i32>} : memref<128x256xf32, #tpu.memory_space<vmem>>, vector<1x16xf32>,
        %swap3A_81 = vector.shape_cast %swap3A_80 : vector<1x16xf32> to vector<16xf32>
        %swap3A_82 = vector.shape_cast %add3A_77 : vector<16xf32> to vector<1x16xf32>
        tpu.vector_store %arg9[%swap3A_78, %swap3A_79], %swap3A_82 {strides = array<i32>} : memref<128x256xf32, #tpu.memory_space<vmem>>, vector<1x16xf32>,
        %get3A_83 = arith.index_cast %scan3A_28 : i32 to index
        %get3A_84 = arith.constant 64 : index
        %get3A_85 = tpu.vector_load %arg9[%get3A_83, %get3A_84] {strides = array<i32>} : memref<128x256xf32, #tpu.memory_space<vmem>>, vector<1x16xf32>,
        %get3A_86 = vector.shape_cast %get3A_85 : vector<1x16xf32> to vector<16xf32>
        %get3A_87 = arith.index_cast %scan3A_28 : i32 to index
        %get3A_88 = arith.constant 64 : index
        %get3A_89 = tpu.vector_load %arg10[%get3A_87, %get3A_88] {strides = array<i32>} : memref<128x256xf32, #tpu.memory_space<vmem>>, vector<1x16xf32>,
        %get3A_90 = vector.shape_cast %get3A_89 : vector<1x16xf32> to vector<16xf32>
        %add3A_91 = arith.addf %get3A_86, %get3A_90 : vector<16xf32>
        %swap3A_92 = arith.index_cast %scan3A_28 : i32 to index
        %swap3A_93 = arith.constant 64 : index
        %swap3A_94 = tpu.vector_load %arg9[%swap3A_92, %swap3A_93] {strides = array<i32>} : memref<128x256xf32, #tpu.memory_space<vmem>>, vector<1x16xf32>,
        %swap3A_95 = vector.shape_cast %swap3A_94 : vector<1x16xf32> to vector<16xf32>
        %swap3A_96 = vector.shape_cast %add3A_91 : vector<16xf32> to vector<1x16xf32>
        tpu.vector_store %arg9[%swap3A_92, %swap3A_93], %swap3A_96 {strides = array<i32>} : memref<128x256xf32, #tpu.memory_space<vmem>>, vector<1x16xf32>,
        %get3A_97 = arith.index_cast %scan3A_28 : i32 to index
        %get3A_98 = arith.constant 80 : index
        %get3A_99 = tpu.vector_load %arg9[%get3A_97, %get3A_98] {strides = array<i32>} : memref<128x256xf32, #tpu.memory_space<vmem>>, vector<1x16xf32>,
        %get3A_100 = vector.shape_cast %get3A_99 : vector<1x16xf32> to vector<16xf32>
        %get3A_101 = arith.index_cast %scan3A_28 : i32 to index
        %get3A_102 = arith.constant 80 : index
        %get3A_103 = tpu.vector_load %arg10[%get3A_101, %get3A_102] {strides = array<i32>} : memref<128x256xf32, #tpu.memory_space<vmem>>, vector<1x16xf32>,
        %get3A_104 = vector.shape_cast %get3A_103 : vector<1x16xf32> to vector<16xf32>
        %add3A_105 = arith.addf %get3A_100, %get3A_104 : vector<16xf32>
        %swap3A_106 = arith.index_cast %scan3A_28 : i32 to index
        %swap3A_107 = arith.constant 80 : index
        %swap3A_108 = tpu.vector_load %arg9[%swap3A_106, %swap3A_107] {strides = array<i32>} : memref<128x256xf32, #tpu.memory_space<vmem>>, vector<1x16xf32>,
        %swap3A_109 = vector.shape_cast %swap3A_108 : vector<1x16xf32> to vector<16xf32>
        %swap3A_110 = vector.shape_cast %add3A_105 : vector<16xf32> to vector<1x16xf32>
        tpu.vector_store %arg9[%swap3A_106, %swap3A_107], %swap3A_110 {strides = array<i32>} : memref<128x256xf32, #tpu.memory_space<vmem>>, vector<1x16xf32>,
        %get3A_111 = arith.index_cast %scan3A_28 : i32 to index
        %get3A_112 = arith.constant 96 : index
        %get3A_113 = tpu.vector_load %arg9[%get3A_111, %get3A_112] {strides = array<i32>} : memref<128x256xf32, #tpu.memory_space<vmem>>, vector<1x16xf32>,
        %get3A_114 = vector.shape_cast %get3A_113 : vector<1x16xf32> to vector<16xf32>
        %get3A_115 = arith.index_cast %scan3A_28 : i32 to index
        %get3A_116 = arith.constant 96 : index
        %get3A_117 = tpu.vector_load %arg10[%get3A_115, %get3A_116] {strides = array<i32>} : memref<128x256xf32, #tpu.memory_space<vmem>>, vector<1x16xf32>,
        %get3A_118 = vector.shape_cast %get3A_117 : vector<1x16xf32> to vector<16xf32>
        %add3A_119 = arith.addf %get3A_114, %get3A_118 : vector<16xf32>
        %swap3A_120 = arith.index_cast %scan3A_28 : i32 to index
        %swap3A_121 = arith.constant 96 : index
        %swap3A_122 = tpu.vector_load %arg9[%swap3A_120, %swap3A_121] {strides = array<i32>} : memref<128x256xf32, #tpu.memory_space<vmem>>, vector<1x16xf32>,
        %swap3A_123 = vector.shape_cast %swap3A_122 : vector<1x16xf32> to vector<16xf32>
        %swap3A_124 = vector.shape_cast %add3A_119 : vector<16xf32> to vector<1x16xf32>
        tpu.vector_store %arg9[%swap3A_120, %swap3A_121], %swap3A_124 {strides = array<i32>} : memref<128x256xf32, #tpu.memory_space<vmem>>, vector<1x16xf32>,
        %get3A_125 = arith.index_cast %scan3A_28 : i32 to index
        %get3A_126 = arith.constant 112 : index
        %get3A_127 = tpu.vector_load %arg9[%get3A_125, %get3A_126] {strides = array<i32>} : memref<128x256xf32, #tpu.memory_space<vmem>>, vector<1x16xf32>,
        %get3A_128 = vector.shape_cast %get3A_127 : vector<1x16xf32> to vector<16xf32>
        %get3A_129 = arith.index_cast %scan3A_28 : i32 to index
        %get3A_130 = arith.constant 112 : index
        %get3A_131 = tpu.vector_load %arg10[%get3A_129, %get3A_130] {strides = array<i32>} : memref<128x256xf32, #tpu.memory_space<vmem>>, vector<1x16xf32>,
        %get3A_132 = vector.shape_cast %get3A_131 : vector<1x16xf32> to vector<16xf32>
        %add3A_133 = arith.addf %get3A_128, %get3A_132 : vector<16xf32>
        %swap3A_134 = arith.index_cast %scan3A_28 : i32 to index
        %swap3A_135 = arith.constant 112 : index
        %swap3A_136 = tpu.vector_load %arg9[%swap3A_134, %swap3A_135] {strides = array<i32>} : memref<128x256xf32, #tpu.memory_space<vmem>>, vector<1x16xf32>,
        %swap3A_137 = vector.shape_cast %swap3A_136 : vector<1x16xf32> to vector<16xf32>
        %swap3A_138 = vector.shape_cast %add3A_133 : vector<16xf32> to vector<1x16xf32>
        tpu.vector_store %arg9[%swap3A_134, %swap3A_135], %swap3A_138 {strides = array<i32>} : memref<128x256xf32, #tpu.memory_space<vmem>>, vector<1x16xf32>,
        %get3A_139 = arith.index_cast %scan3A_28 : i32 to index
        %get3A_140 = arith.constant 128 : index
        %get3A_141 = tpu.vector_load %arg9[%get3A_139, %get3A_140] {strides = array<i32>} : memref<128x256xf32, #tpu.memory_space<vmem>>, vector<1x16xf32>,
        %get3A_142 = vector.shape_cast %get3A_141 : vector<1x16xf32> to vector<16xf32>
        %get3A_143 = arith.index_cast %scan3A_28 : i32 to index
        %get3A_144 = arith.constant 128 : index
        %get3A_145 = tpu.vector_load %arg10[%get3A_143, %get3A_144] {strides = array<i32>} : memref<128x256xf32, #tpu.memory_space<vmem>>, vector<1x16xf32>,
        %get3A_146 = vector.shape_cast %get3A_145 : vector<1x16xf32> to vector<16xf32>
        %add3A_147 = arith.addf %get3A_142, %get3A_146 : vector<16xf32>
        %swap3A_148 = arith.index_cast %scan3A_28 : i32 to index
        %swap3A_149 = arith.constant 128 : index
        %swap3A_150 = tpu.vector_load %arg9[%swap3A_148, %swap3A_149] {strides = array<i32>} : memref<128x256xf32, #tpu.memory_space<vmem>>, vector<1x16xf32>,
        %swap3A_151 = vector.shape_cast %swap3A_150 : vector<1x16xf32> to vector<16xf32>
        %swap3A_152 = vector.shape_cast %add3A_147 : vector<16xf32> to vector<1x16xf32>
        tpu.vector_store %arg9[%swap3A_148, %swap3A_149], %swap3A_152 {strides = array<i32>} : memref<128x256xf32, #tpu.memory_space<vmem>>, vector<1x16xf32>,
        %get3A_153 = arith.index_cast %scan3A_28 : i32 to index
        %get3A_154 = arith.constant 144 : index
        %get3A_155 = tpu.vector_load %arg9[%get3A_153, %get3A_154] {strides = array<i32>} : memref<128x256xf32, #tpu.memory_space<vmem>>, vector<1x16xf32>,
        %get3A_156 = vector.shape_cast %get3A_155 : vector<1x16xf32> to vector<16xf32>
        %get3A_157 = arith.index_cast %scan3A_28 : i32 to index
        %get3A_158 = arith.constant 144 : index
        %get3A_159 = tpu.vector_load %arg10[%get3A_157, %get3A_158] {strides = array<i32>} : memref<128x256xf32, #tpu.memory_space<vmem>>, vector<1x16xf32>,
        %get3A_160 = vector.shape_cast %get3A_159 : vector<1x16xf32> to vector<16xf32>
        %add3A_161 = arith.addf %get3A_156, %get3A_160 : vector<16xf32>
        %swap3A_162 = arith.index_cast %scan3A_28 : i32 to index
        %swap3A_163 = arith.constant 144 : index
        %swap3A_164 = tpu.vector_load %arg9[%swap3A_162, %swap3A_163] {strides = array<i32>} : memref<128x256xf32, #tpu.memory_space<vmem>>, vector<1x16xf32>,
        %swap3A_165 = vector.shape_cast %swap3A_164 : vector<1x16xf32> to vector<16xf32>
        %swap3A_166 = vector.shape_cast %add3A_161 : vector<16xf32> to vector<1x16xf32>
        tpu.vector_store %arg9[%swap3A_162, %swap3A_163], %swap3A_166 {strides = array<i32>} : memref<128x256xf32, #tpu.memory_space<vmem>>, vector<1x16xf32>,
        %get3A_167 = arith.index_cast %scan3A_28 : i32 to index
        %get3A_168 = arith.constant 160 : index
        %get3A_169 = tpu.vector_load %arg9[%get3A_167, %get3A_168] {strides = array<i32>} : memref<128x256xf32, #tpu.memory_space<vmem>>, vector<1x16xf32>,
        %get3A_170 = vector.shape_cast %get3A_169 : vector<1x16xf32> to vector<16xf32>
        %get3A_171 = arith.index_cast %scan3A_28 : i32 to index
        %get3A_172 = arith.constant 160 : index
        %get3A_173 = tpu.vector_load %arg10[%get3A_171, %get3A_172] {strides = array<i32>} : memref<128x256xf32, #tpu.memory_space<vmem>>, vector<1x16xf32>,
        %get3A_174 = vector.shape_cast %get3A_173 : vector<1x16xf32> to vector<16xf32>
        %add3A_175 = arith.addf %get3A_170, %get3A_174 : vector<16xf32>
        %swap3A_176 = arith.index_cast %scan3A_28 : i32 to index
        %swap3A_177 = arith.constant 160 : index
        %swap3A_178 = tpu.vector_load %arg9[%swap3A_176, %swap3A_177] {strides = array<i32>} : memref<128x256xf32, #tpu.memory_space<vmem>>, vector<1x16xf32>,
        %swap3A_179 = vector.shape_cast %swap3A_178 : vector<1x16xf32> to vector<16xf32>
        %swap3A_180 = vector.shape_cast %add3A_175 : vector<16xf32> to vector<1x16xf32>
        tpu.vector_store %arg9[%swap3A_176, %swap3A_177], %swap3A_180 {strides = array<i32>} : memref<128x256xf32, #tpu.memory_space<vmem>>, vector<1x16xf32>,
        %get3A_181 = arith.index_cast %scan3A_28 : i32 to index
        %get3A_182 = arith.constant 176 : index
        %get3A_183 = tpu.vector_load %arg9[%get3A_181, %get3A_182] {strides = array<i32>} : memref<128x256xf32, #tpu.memory_space<vmem>>, vector<1x16xf32>,
        %get3A_184 = vector.shape_cast %get3A_183 : vector<1x16xf32> to vector<16xf32>
        %get3A_185 = arith.index_cast %scan3A_28 : i32 to index
        %get3A_186 = arith.constant 176 : index
        %get3A_187 = tpu.vector_load %arg10[%get3A_185, %get3A_186] {strides = array<i32>} : memref<128x256xf32, #tpu.memory_space<vmem>>, vector<1x16xf32>,
        %get3A_188 = vector.shape_cast %get3A_187 : vector<1x16xf32> to vector<16xf32>
        %add3A_189 = arith.addf %get3A_184, %get3A_188 : vector<16xf32>
        %swap3A_190 = arith.index_cast %scan3A_28 : i32 to index
        %swap3A_191 = arith.constant 176 : index
        %swap3A_192 = tpu.vector_load %arg9[%swap3A_190, %swap3A_191] {strides = array<i32>} : memref<128x256xf32, #tpu.memory_space<vmem>>, vector<1x16xf32>,
        %swap3A_193 = vector.shape_cast %swap3A_192 : vector<1x16xf32> to vector<16xf32>
        %swap3A_194 = vector.shape_cast %add3A_189 : vector<16xf32> to vector<1x16xf32>
        tpu.vector_store %arg9[%swap3A_190, %swap3A_191], %swap3A_194 {strides = array<i32>} : memref<128x256xf32, #tpu.memory_space<vmem>>, vector<1x16xf32>,
        %get3A_195 = arith.index_cast %scan3A_28 : i32 to index
        %get3A_196 = arith.constant 192 : index
        %get3A_197 = tpu.vector_load %arg9[%get3A_195, %get3A_196] {strides = array<i32>} : memref<128x256xf32, #tpu.memory_space<vmem>>, vector<1x16xf32>,
        %get3A_198 = vector.shape_cast %get3A_197 : vector<1x16xf32> to vector<16xf32>
        %get3A_199 = arith.index_cast %scan3A_28 : i32 to index
        %get3A_200 = arith.constant 192 : index
        %get3A_201 = tpu.vector_load %arg10[%get3A_199, %get3A_200] {strides = array<i32>} : memref<128x256xf32, #tpu.memory_space<vmem>>, vector<1x16xf32>,
        %get3A_202 = vector.shape_cast %get3A_201 : vector<1x16xf32> to vector<16xf32>
        %add3A_203 = arith.addf %get3A_198, %get3A_202 : vector<16xf32>
        %swap3A_204 = arith.index_cast %scan3A_28 : i32 to index
        %swap3A_205 = arith.constant 192 : index
        %swap3A_206 = tpu.vector_load %arg9[%swap3A_204, %swap3A_205] {strides = array<i32>} : memref<128x256xf32, #tpu.memory_space<vmem>>, vector<1x16xf32>,
        %swap3A_207 = vector.shape_cast %swap3A_206 : vector<1x16xf32> to vector<16xf32>
        %swap3A_208 = vector.shape_cast %add3A_203 : vector<16xf32> to vector<1x16xf32>
        tpu.vector_store %arg9[%swap3A_204, %swap3A_205], %swap3A_208 {strides = array<i32>} : memref<128x256xf32, #tpu.memory_space<vmem>>, vector<1x16xf32>,
        %get3A_209 = arith.index_cast %scan3A_28 : i32 to index
        %get3A_210 = arith.constant 208 : index
        %get3A_211 = tpu.vector_load %arg9[%get3A_209, %get3A_210] {strides = array<i32>} : memref<128x256xf32, #tpu.memory_space<vmem>>, vector<1x16xf32>,
        %get3A_212 = vector.shape_cast %get3A_211 : vector<1x16xf32> to vector<16xf32>
        %get3A_213 = arith.index_cast %scan3A_28 : i32 to index
        %get3A_214 = arith.constant 208 : index
        %get3A_215 = tpu.vector_load %arg10[%get3A_213, %get3A_214] {strides = array<i32>} : memref<128x256xf32, #tpu.memory_space<vmem>>, vector<1x16xf32>,
        %get3A_216 = vector.shape_cast %get3A_215 : vector<1x16xf32> to vector<16xf32>
        %add3A_217 = arith.addf %get3A_212, %get3A_216 : vector<16xf32>
        %swap3A_218 = arith.index_cast %scan3A_28 : i32 to index
        %swap3A_219 = arith.constant 208 : index
        %swap3A_220 = tpu.vector_load %arg9[%swap3A_218, %swap3A_219] {strides = array<i32>} : memref<128x256xf32, #tpu.memory_space<vmem>>, vector<1x16xf32>,
        %swap3A_221 = vector.shape_cast %swap3A_220 : vector<1x16xf32> to vector<16xf32>
        %swap3A_222 = vector.shape_cast %add3A_217 : vector<16xf32> to vector<1x16xf32>
        tpu.vector_store %arg9[%swap3A_218, %swap3A_219], %swap3A_222 {strides = array<i32>} : memref<128x256xf32, #tpu.memory_space<vmem>>, vector<1x16xf32>,
        %get3A_223 = arith.index_cast %scan3A_28 : i32 to index
        %get3A_224 = arith.constant 224 : index
        %get3A_225 = tpu.vector_load %arg9[%get3A_223, %get3A_224] {strides = array<i32>} : memref<128x256xf32, #tpu.memory_space<vmem>>, vector<1x16xf32>,
        %get3A_226 = vector.shape_cast %get3A_225 : vector<1x16xf32> to vector<16xf32>
        %get3A_227 = arith.index_cast %scan3A_28 : i32 to index
        %get3A_228 = arith.constant 224 : index
        %get3A_229 = tpu.vector_load %arg10[%get3A_227, %get3A_228] {strides = array<i32>} : memref<128x256xf32, #tpu.memory_space<vmem>>, vector<1x16xf32>,
        %get3A_230 = vector.shape_cast %get3A_229 : vector<1x16xf32> to vector<16xf32>
        %add3A_231 = arith.addf %get3A_226, %get3A_230 : vector<16xf32>
        %swap3A_232 = arith.index_cast %scan3A_28 : i32 to index
        %swap3A_233 = arith.constant 224 : index
        %swap3A_234 = tpu.vector_load %arg9[%swap3A_232, %swap3A_233] {strides = array<i32>} : memref<128x256xf32, #tpu.memory_space<vmem>>, vector<1x16xf32>,
        %swap3A_235 = vector.shape_cast %swap3A_234 : vector<1x16xf32> to vector<16xf32>
        %swap3A_236 = vector.shape_cast %add3A_231 : vector<16xf32> to vector<1x16xf32>
        tpu.vector_store %arg9[%swap3A_232, %swap3A_233], %swap3A_236 {strides = array<i32>} : memref<128x256xf32, #tpu.memory_space<vmem>>, vector<1x16xf32>,
        %get3A_237 = arith.index_cast %scan3A_28 : i32 to index
        %get3A_238 = arith.constant 240 : index
        %get3A_239 = tpu.vector_load %arg9[%get3A_237, %get3A_238] {strides = array<i32>} : memref<128x256xf32, #tpu.memory_space<vmem>>, vector<1x16xf32>,
        %get3A_240 = vector.shape_cast %get3A_239 : vector<1x16xf32> to vector<16xf32>
        %get3A_241 = arith.index_cast %scan3A_28 : i32 to index
        %get3A_242 = arith.constant 240 : index
        %get3A_243 = tpu.vector_load %arg10[%get3A_241, %get3A_242] {strides = array<i32>} : memref<128x256xf32, #tpu.memory_space<vmem>>, vector<1x16xf32>,
        %get3A_244 = vector.shape_cast %get3A_243 : vector<1x16xf32> to vector<16xf32>
        %add3A_245 = arith.addf %get3A_240, %get3A_244 : vector<16xf32>
        %swap3A_246 = arith.index_cast %scan3A_28 : i32 to index
        %swap3A_247 = arith.constant 240 : index
        %swap3A_248 = tpu.vector_load %arg9[%swap3A_246, %swap3A_247] {strides = array<i32>} : memref<128x256xf32, #tpu.memory_space<vmem>>, vector<1x16xf32>,
        %swap3A_249 = vector.shape_cast %swap3A_248 : vector<1x16xf32> to vector<16xf32>
        %swap3A_250 = vector.shape_cast %add3A_245 : vector<16xf32> to vector<1x16xf32>
        tpu.vector_store %arg9[%swap3A_246, %swap3A_247], %swap3A_250 {strides = array<i32>} : memref<128x256xf32, #tpu.memory_space<vmem>>, vector<1x16xf32>,
      }
      %scan3A_27 = arith.constant 128 : i32
      "tpu.region"() ({
        %run_scoped3A = tpu.sem_alloc : memref<!tpu.dma_semaphore, #tpu.memory_space<semaphore_mem>>
        %dma_start3A_28 = arith.constant 0 : i32
        %dma_start3A_29 = tpu.memref_slice %arg6[%add3A_11, %dma_start3A_28] : memref<323584x256xf32, #tpu.memory_space<hbm>> -> memref<128x256xf32, #tpu.memory_space<hbm>>
        %dma_start3A_30 = arith.constant 0 : i32
        %dma_start3A_31 = tpu.memref_slice %arg6[%add3A_11, %dma_start3A_30] : memref<323584x256xf32, #tpu.memory_space<hbm>> -> memref<128x256xf32, #tpu.memory_space<hbm>>
        tpu.enqueue_dma source(%arg9 : memref<128x256xf32, #tpu.memory_space<vmem>>) target(%dma_start3A_31 : memref<128x256xf32, #tpu.memory_space<hbm>>) target_semaphore(%run_scoped3A : memref<!tpu.dma_semaphore, #tpu.memory_space<semaphore_mem>>)
        %dma_wait3A_32 = arith.constant 0 : i32
        %dma_wait3A_33 = tpu.memref_slice %arg6[%add3A_11, %dma_wait3A_32] : memref<323584x256xf32, #tpu.memory_space<hbm>> -> memref<128x256xf32, #tpu.memory_space<hbm>>
        %dma_wait3A_34 = arith.constant 0 : i32
        %dma_wait3A_35 = tpu.memref_slice %arg6[%add3A_11, %dma_wait3A_34] : memref<323584x256xf32, #tpu.memory_space<hbm>> -> memref<128x256xf32, #tpu.memory_space<hbm>>
        tpu.wait_dma2 semaphore(%run_scoped3A : memref<!tpu.dma_semaphore, #tpu.memory_space<semaphore_mem>>) src(%arg9 : memref<128x256xf32, #tpu.memory_space<vmem>>) dst(%dma_wait3A_35 : memref<128x256xf32, #tpu.memory_space<hbm>>)
        tpu.yield
      }) : () -> ()
    }
    %scan3A_7 = arith.constant 79 : i32
    return
  }
}

#map = affine_map<(d0, d1) -> (0)>
#map1 = affine_map<(d0, d1) -> (0, 0)>
#map2 = affine_map<(d0, d1) -> (0, 0, 0)>
module attributes {stable_mosaic.version = 14 : i64} {
  func.func @_sc_scatter(%arg0: i32, %arg1: i32, %arg2: memref<323584xi32, #tpu.memory_space<hbm>>, %arg3: memref<323584x128xf32, #tpu.memory_space<hbm>>, %arg4: memref<323584x128xf32, #tpu.memory_space<hbm>>, %arg5: memref<2x5120x128xf32, #tpu.memory_space<hbm>>, %arg6: memref<2x5120x128xf32, #tpu.memory_space<hbm>>, %arg7: memref<128xi32, #tpu.memory_space<vmem>>, %arg8: memref<128xi32, #tpu.memory_space<vmem>>, %arg9: memref<128x128xf32, #tpu.memory_space<vmem>>, %arg10: memref<128x128xf32, #tpu.memory_space<vmem>>, %arg11: memref<5120x128xf32, #tpu.memory_space<vmem_shared>>, %arg12: memref<5120x128xf32, #tpu.memory_space<vmem_shared>>) attributes {dimension_semantics = [#tpu.dimension_semantics<core_parallel>, #tpu.dimension_semantics<subcore_parallel>], iteration_bounds = array<i64: 2, 16>, scalar_prefetch = 0 : i64, scratch_operands = 6 : i64, tpu.core_type = #tpu.core_type<sc_vector_subcore>, window_params = [{transform_indices = #map}, {transform_indices = #map1}, {transform_indices = #map1}, {transform_indices = #map2}, {transform_indices = #map2}]} {
    %mul3A = arith.constant 5056 : i32
    %mul3A_0 = arith.muli %arg0, %mul3A : i32
    %scan3A = arith.constant 0 : i32
    %scan3A_1 = arith.constant 0 : i32
    %scan3A_2 = arith.constant 128 : i32
    %scan3A_3 = arith.addi %scan3A_1, %scan3A_2 : i32
    %scan3A_4 = arith.constant 1 : i32
    scf.for %scan3A_46 = %scan3A_1 to %scan3A_3 step %scan3A_4  : i32 {
      %broadcast_in_dim3A = arith.constant 0.000000e+00 : f32
      %broadcast_in_dim3A_47 = vector.broadcast %broadcast_in_dim3A : f32 to vector<16xf32>
      %swap3A = arith.index_cast %scan3A_46 : i32 to index
      %swap3A_48 = arith.constant 0 : index
      %swap3A_49 = tpu.vector_load %arg9[%swap3A, %swap3A_48] {strides = array<i32>} : memref<128x128xf32, #tpu.memory_space<vmem>>, vector<1x16xf32>,
      %swap3A_50 = vector.shape_cast %swap3A_49 : vector<1x16xf32> to vector<16xf32>
      %swap3A_51 = vector.shape_cast %broadcast_in_dim3A_47 : vector<16xf32> to vector<1x16xf32>
      tpu.vector_store %arg9[%swap3A, %swap3A_48], %swap3A_51 {strides = array<i32>} : memref<128x128xf32, #tpu.memory_space<vmem>>, vector<1x16xf32>,
      %swap3A_52 = arith.index_cast %scan3A_46 : i32 to index
      %swap3A_53 = arith.constant 16 : index
      %swap3A_54 = tpu.vector_load %arg9[%swap3A_52, %swap3A_53] {strides = array<i32>} : memref<128x128xf32, #tpu.memory_space<vmem>>, vector<1x16xf32>,
      %swap3A_55 = vector.shape_cast %swap3A_54 : vector<1x16xf32> to vector<16xf32>
      %swap3A_56 = vector.shape_cast %broadcast_in_dim3A_47 : vector<16xf32> to vector<1x16xf32>
      tpu.vector_store %arg9[%swap3A_52, %swap3A_53], %swap3A_56 {strides = array<i32>} : memref<128x128xf32, #tpu.memory_space<vmem>>, vector<1x16xf32>,
      %swap3A_57 = arith.index_cast %scan3A_46 : i32 to index
      %swap3A_58 = arith.constant 32 : index
      %swap3A_59 = tpu.vector_load %arg9[%swap3A_57, %swap3A_58] {strides = array<i32>} : memref<128x128xf32, #tpu.memory_space<vmem>>, vector<1x16xf32>,
      %swap3A_60 = vector.shape_cast %swap3A_59 : vector<1x16xf32> to vector<16xf32>
      %swap3A_61 = vector.shape_cast %broadcast_in_dim3A_47 : vector<16xf32> to vector<1x16xf32>
      tpu.vector_store %arg9[%swap3A_57, %swap3A_58], %swap3A_61 {strides = array<i32>} : memref<128x128xf32, #tpu.memory_space<vmem>>, vector<1x16xf32>,
      %swap3A_62 = arith.index_cast %scan3A_46 : i32 to index
      %swap3A_63 = arith.constant 48 : index
      %swap3A_64 = tpu.vector_load %arg9[%swap3A_62, %swap3A_63] {strides = array<i32>} : memref<128x128xf32, #tpu.memory_space<vmem>>, vector<1x16xf32>,
      %swap3A_65 = vector.shape_cast %swap3A_64 : vector<1x16xf32> to vector<16xf32>
      %swap3A_66 = vector.shape_cast %broadcast_in_dim3A_47 : vector<16xf32> to vector<1x16xf32>
      tpu.vector_store %arg9[%swap3A_62, %swap3A_63], %swap3A_66 {strides = array<i32>} : memref<128x128xf32, #tpu.memory_space<vmem>>, vector<1x16xf32>,
      %swap3A_67 = arith.index_cast %scan3A_46 : i32 to index
      %swap3A_68 = arith.constant 64 : index
      %swap3A_69 = tpu.vector_load %arg9[%swap3A_67, %swap3A_68] {strides = array<i32>} : memref<128x128xf32, #tpu.memory_space<vmem>>, vector<1x16xf32>,
      %swap3A_70 = vector.shape_cast %swap3A_69 : vector<1x16xf32> to vector<16xf32>
      %swap3A_71 = vector.shape_cast %broadcast_in_dim3A_47 : vector<16xf32> to vector<1x16xf32>
      tpu.vector_store %arg9[%swap3A_67, %swap3A_68], %swap3A_71 {strides = array<i32>} : memref<128x128xf32, #tpu.memory_space<vmem>>, vector<1x16xf32>,
      %swap3A_72 = arith.index_cast %scan3A_46 : i32 to index
      %swap3A_73 = arith.constant 80 : index
      %swap3A_74 = tpu.vector_load %arg9[%swap3A_72, %swap3A_73] {strides = array<i32>} : memref<128x128xf32, #tpu.memory_space<vmem>>, vector<1x16xf32>,
      %swap3A_75 = vector.shape_cast %swap3A_74 : vector<1x16xf32> to vector<16xf32>
      %swap3A_76 = vector.shape_cast %broadcast_in_dim3A_47 : vector<16xf32> to vector<1x16xf32>
      tpu.vector_store %arg9[%swap3A_72, %swap3A_73], %swap3A_76 {strides = array<i32>} : memref<128x128xf32, #tpu.memory_space<vmem>>, vector<1x16xf32>,
      %swap3A_77 = arith.index_cast %scan3A_46 : i32 to index
      %swap3A_78 = arith.constant 96 : index
      %swap3A_79 = tpu.vector_load %arg9[%swap3A_77, %swap3A_78] {strides = array<i32>} : memref<128x128xf32, #tpu.memory_space<vmem>>, vector<1x16xf32>,
      %swap3A_80 = vector.shape_cast %swap3A_79 : vector<1x16xf32> to vector<16xf32>
      %swap3A_81 = vector.shape_cast %broadcast_in_dim3A_47 : vector<16xf32> to vector<1x16xf32>
      tpu.vector_store %arg9[%swap3A_77, %swap3A_78], %swap3A_81 {strides = array<i32>} : memref<128x128xf32, #tpu.memory_space<vmem>>, vector<1x16xf32>,
      %swap3A_82 = arith.index_cast %scan3A_46 : i32 to index
      %swap3A_83 = arith.constant 112 : index
      %swap3A_84 = tpu.vector_load %arg9[%swap3A_82, %swap3A_83] {strides = array<i32>} : memref<128x128xf32, #tpu.memory_space<vmem>>, vector<1x16xf32>,
      %swap3A_85 = vector.shape_cast %swap3A_84 : vector<1x16xf32> to vector<16xf32>
      %swap3A_86 = vector.shape_cast %broadcast_in_dim3A_47 : vector<16xf32> to vector<1x16xf32>
      tpu.vector_store %arg9[%swap3A_82, %swap3A_83], %swap3A_86 {strides = array<i32>} : memref<128x128xf32, #tpu.memory_space<vmem>>, vector<1x16xf32>,
    }
    %scan3A_5 = arith.constant 128 : i32
    %mul3A_6 = arith.constant 320 : i32
    %mul3A_7 = arith.muli %arg1, %mul3A_6 : i32
    %add3A = arith.constant 0 : i32
    %add3A_8 = arith.addi %mul3A_7, %add3A : i32
    "tpu.region"() ({
      %run_scoped3A = tpu.sem_alloc : memref<!tpu.dma_semaphore, #tpu.memory_space<semaphore_mem>>
      %dma_start3A = arith.constant 0 : i32
      %dma_start3A_46 = arith.constant 0 : i32
      %dma_start3A_47 = tpu.memref_slice %arg9[%dma_start3A, %dma_start3A_46] : memref<128x128xf32, #tpu.memory_space<vmem>> -> memref<64x128xf32, #tpu.memory_space<vmem>>
      %dma_start3A_48 = arith.constant 0 : i32
      %dma_start3A_49 = tpu.memref_slice %arg11[%add3A_8, %dma_start3A_48] : memref<5120x128xf32, #tpu.memory_space<vmem_shared>> -> memref<64x128xf32, #tpu.memory_space<vmem_shared>>
      %dma_start3A_50 = arith.constant 0 : i32
      %dma_start3A_51 = tpu.memref_slice %arg11[%add3A_8, %dma_start3A_50] : memref<5120x128xf32, #tpu.memory_space<vmem_shared>> -> memref<64x128xf32, #tpu.memory_space<vmem_shared>>
      %dma_start3A_52 = arith.constant 0 : i32
      %dma_start3A_53 = arith.constant 0 : i32
      %dma_start3A_54 = tpu.memref_slice %arg9[%dma_start3A_52, %dma_start3A_53] : memref<128x128xf32, #tpu.memory_space<vmem>> -> memref<64x128xf32, #tpu.memory_space<vmem>>
      tpu.enqueue_dma source(%dma_start3A_54 : memref<64x128xf32, #tpu.memory_space<vmem>>) target(%dma_start3A_51 : memref<64x128xf32, #tpu.memory_space<vmem_shared>>) target_semaphore(%run_scoped3A : memref<!tpu.dma_semaphore, #tpu.memory_space<semaphore_mem>>)
      %dma_wait3A = arith.constant 0 : i32
      %dma_wait3A_55 = arith.constant 0 : i32
      %dma_wait3A_56 = tpu.memref_slice %arg9[%dma_wait3A, %dma_wait3A_55] : memref<128x128xf32, #tpu.memory_space<vmem>> -> memref<64x128xf32, #tpu.memory_space<vmem>>
      %dma_wait3A_57 = arith.constant 0 : i32
      %dma_wait3A_58 = tpu.memref_slice %arg11[%add3A_8, %dma_wait3A_57] : memref<5120x128xf32, #tpu.memory_space<vmem_shared>> -> memref<64x128xf32, #tpu.memory_space<vmem_shared>>
      %dma_wait3A_59 = arith.constant 0 : i32
      %dma_wait3A_60 = tpu.memref_slice %arg11[%add3A_8, %dma_wait3A_59] : memref<5120x128xf32, #tpu.memory_space<vmem_shared>> -> memref<64x128xf32, #tpu.memory_space<vmem_shared>>
      %dma_wait3A_61 = arith.constant 0 : i32
      %dma_wait3A_62 = arith.constant 0 : i32
      %dma_wait3A_63 = tpu.memref_slice %arg9[%dma_wait3A_61, %dma_wait3A_62] : memref<128x128xf32, #tpu.memory_space<vmem>> -> memref<64x128xf32, #tpu.memory_space<vmem>>
      tpu.wait_dma2 semaphore(%run_scoped3A : memref<!tpu.dma_semaphore, #tpu.memory_space<semaphore_mem>>) src(%dma_wait3A_63 : memref<64x128xf32, #tpu.memory_space<vmem>>) dst(%dma_wait3A_60 : memref<64x128xf32, #tpu.memory_space<vmem_shared>>)
      tpu.yield
    }) : () -> ()
    %add3A_9 = arith.constant 0 : i32
    %add3A_10 = arith.addi %mul3A_7, %add3A_9 : i32
    "tpu.region"() ({
      %run_scoped3A = tpu.sem_alloc : memref<!tpu.dma_semaphore, #tpu.memory_space<semaphore_mem>>
      %dma_start3A = arith.constant 0 : i32
      %dma_start3A_46 = arith.constant 0 : i32
      %dma_start3A_47 = tpu.memref_slice %arg9[%dma_start3A, %dma_start3A_46] : memref<128x128xf32, #tpu.memory_space<vmem>> -> memref<64x128xf32, #tpu.memory_space<vmem>>
      %dma_start3A_48 = arith.constant 0 : i32
      %dma_start3A_49 = tpu.memref_slice %arg12[%add3A_10, %dma_start3A_48] : memref<5120x128xf32, #tpu.memory_space<vmem_shared>> -> memref<64x128xf32, #tpu.memory_space<vmem_shared>>
      %dma_start3A_50 = arith.constant 0 : i32
      %dma_start3A_51 = tpu.memref_slice %arg12[%add3A_10, %dma_start3A_50] : memref<5120x128xf32, #tpu.memory_space<vmem_shared>> -> memref<64x128xf32, #tpu.memory_space<vmem_shared>>
      %dma_start3A_52 = arith.constant 0 : i32
      %dma_start3A_53 = arith.constant 0 : i32
      %dma_start3A_54 = tpu.memref_slice %arg9[%dma_start3A_52, %dma_start3A_53] : memref<128x128xf32, #tpu.memory_space<vmem>> -> memref<64x128xf32, #tpu.memory_space<vmem>>
      tpu.enqueue_dma source(%dma_start3A_54 : memref<64x128xf32, #tpu.memory_space<vmem>>) target(%dma_start3A_51 : memref<64x128xf32, #tpu.memory_space<vmem_shared>>) target_semaphore(%run_scoped3A : memref<!tpu.dma_semaphore, #tpu.memory_space<semaphore_mem>>)
      %dma_wait3A = arith.constant 0 : i32
      %dma_wait3A_55 = arith.constant 0 : i32
      %dma_wait3A_56 = tpu.memref_slice %arg9[%dma_wait3A, %dma_wait3A_55] : memref<128x128xf32, #tpu.memory_space<vmem>> -> memref<64x128xf32, #tpu.memory_space<vmem>>
      %dma_wait3A_57 = arith.constant 0 : i32
      %dma_wait3A_58 = tpu.memref_slice %arg12[%add3A_10, %dma_wait3A_57] : memref<5120x128xf32, #tpu.memory_space<vmem_shared>> -> memref<64x128xf32, #tpu.memory_space<vmem_shared>>
      %dma_wait3A_59 = arith.constant 0 : i32
      %dma_wait3A_60 = tpu.memref_slice %arg12[%add3A_10, %dma_wait3A_59] : memref<5120x128xf32, #tpu.memory_space<vmem_shared>> -> memref<64x128xf32, #tpu.memory_space<vmem_shared>>
      %dma_wait3A_61 = arith.constant 0 : i32
      %dma_wait3A_62 = arith.constant 0 : i32
      %dma_wait3A_63 = tpu.memref_slice %arg9[%dma_wait3A_61, %dma_wait3A_62] : memref<128x128xf32, #tpu.memory_space<vmem>> -> memref<64x128xf32, #tpu.memory_space<vmem>>
      tpu.wait_dma2 semaphore(%run_scoped3A : memref<!tpu.dma_semaphore, #tpu.memory_space<semaphore_mem>>) src(%dma_wait3A_63 : memref<64x128xf32, #tpu.memory_space<vmem>>) dst(%dma_wait3A_60 : memref<64x128xf32, #tpu.memory_space<vmem_shared>>)
      tpu.yield
    }) : () -> ()
    %add3A_11 = arith.constant 64 : i32
    %add3A_12 = arith.addi %mul3A_7, %add3A_11 : i32
    "tpu.region"() ({
      %run_scoped3A = tpu.sem_alloc : memref<!tpu.dma_semaphore, #tpu.memory_space<semaphore_mem>>
      %dma_start3A = arith.constant 0 : i32
      %dma_start3A_46 = arith.constant 0 : i32
      %dma_start3A_47 = tpu.memref_slice %arg9[%dma_start3A, %dma_start3A_46] : memref<128x128xf32, #tpu.memory_space<vmem>> -> memref<64x128xf32, #tpu.memory_space<vmem>>
      %dma_start3A_48 = arith.constant 0 : i32
      %dma_start3A_49 = tpu.memref_slice %arg11[%add3A_12, %dma_start3A_48] : memref<5120x128xf32, #tpu.memory_space<vmem_shared>> -> memref<64x128xf32, #tpu.memory_space<vmem_shared>>
      %dma_start3A_50 = arith.constant 0 : i32
      %dma_start3A_51 = tpu.memref_slice %arg11[%add3A_12, %dma_start3A_50] : memref<5120x128xf32, #tpu.memory_space<vmem_shared>> -> memref<64x128xf32, #tpu.memory_space<vmem_shared>>
      %dma_start3A_52 = arith.constant 0 : i32
      %dma_start3A_53 = arith.constant 0 : i32
      %dma_start3A_54 = tpu.memref_slice %arg9[%dma_start3A_52, %dma_start3A_53] : memref<128x128xf32, #tpu.memory_space<vmem>> -> memref<64x128xf32, #tpu.memory_space<vmem>>
      tpu.enqueue_dma source(%dma_start3A_54 : memref<64x128xf32, #tpu.memory_space<vmem>>) target(%dma_start3A_51 : memref<64x128xf32, #tpu.memory_space<vmem_shared>>) target_semaphore(%run_scoped3A : memref<!tpu.dma_semaphore, #tpu.memory_space<semaphore_mem>>)
      %dma_wait3A = arith.constant 0 : i32
      %dma_wait3A_55 = arith.constant 0 : i32
      %dma_wait3A_56 = tpu.memref_slice %arg9[%dma_wait3A, %dma_wait3A_55] : memref<128x128xf32, #tpu.memory_space<vmem>> -> memref<64x128xf32, #tpu.memory_space<vmem>>
      %dma_wait3A_57 = arith.constant 0 : i32
      %dma_wait3A_58 = tpu.memref_slice %arg11[%add3A_12, %dma_wait3A_57] : memref<5120x128xf32, #tpu.memory_space<vmem_shared>> -> memref<64x128xf32, #tpu.memory_space<vmem_shared>>
      %dma_wait3A_59 = arith.constant 0 : i32
      %dma_wait3A_60 = tpu.memref_slice %arg11[%add3A_12, %dma_wait3A_59] : memref<5120x128xf32, #tpu.memory_space<vmem_shared>> -> memref<64x128xf32, #tpu.memory_space<vmem_shared>>
      %dma_wait3A_61 = arith.constant 0 : i32
      %dma_wait3A_62 = arith.constant 0 : i32
      %dma_wait3A_63 = tpu.memref_slice %arg9[%dma_wait3A_61, %dma_wait3A_62] : memref<128x128xf32, #tpu.memory_space<vmem>> -> memref<64x128xf32, #tpu.memory_space<vmem>>
      tpu.wait_dma2 semaphore(%run_scoped3A : memref<!tpu.dma_semaphore, #tpu.memory_space<semaphore_mem>>) src(%dma_wait3A_63 : memref<64x128xf32, #tpu.memory_space<vmem>>) dst(%dma_wait3A_60 : memref<64x128xf32, #tpu.memory_space<vmem_shared>>)
      tpu.yield
    }) : () -> ()
    %add3A_13 = arith.constant 64 : i32
    %add3A_14 = arith.addi %mul3A_7, %add3A_13 : i32
    "tpu.region"() ({
      %run_scoped3A = tpu.sem_alloc : memref<!tpu.dma_semaphore, #tpu.memory_space<semaphore_mem>>
      %dma_start3A = arith.constant 0 : i32
      %dma_start3A_46 = arith.constant 0 : i32
      %dma_start3A_47 = tpu.memref_slice %arg9[%dma_start3A, %dma_start3A_46] : memref<128x128xf32, #tpu.memory_space<vmem>> -> memref<64x128xf32, #tpu.memory_space<vmem>>
      %dma_start3A_48 = arith.constant 0 : i32
      %dma_start3A_49 = tpu.memref_slice %arg12[%add3A_14, %dma_start3A_48] : memref<5120x128xf32, #tpu.memory_space<vmem_shared>> -> memref<64x128xf32, #tpu.memory_space<vmem_shared>>
      %dma_start3A_50 = arith.constant 0 : i32
      %dma_start3A_51 = tpu.memref_slice %arg12[%add3A_14, %dma_start3A_50] : memref<5120x128xf32, #tpu.memory_space<vmem_shared>> -> memref<64x128xf32, #tpu.memory_space<vmem_shared>>
      %dma_start3A_52 = arith.constant 0 : i32
      %dma_start3A_53 = arith.constant 0 : i32
      %dma_start3A_54 = tpu.memref_slice %arg9[%dma_start3A_52, %dma_start3A_53] : memref<128x128xf32, #tpu.memory_space<vmem>> -> memref<64x128xf32, #tpu.memory_space<vmem>>
      tpu.enqueue_dma source(%dma_start3A_54 : memref<64x128xf32, #tpu.memory_space<vmem>>) target(%dma_start3A_51 : memref<64x128xf32, #tpu.memory_space<vmem_shared>>) target_semaphore(%run_scoped3A : memref<!tpu.dma_semaphore, #tpu.memory_space<semaphore_mem>>)
      %dma_wait3A = arith.constant 0 : i32
      %dma_wait3A_55 = arith.constant 0 : i32
      %dma_wait3A_56 = tpu.memref_slice %arg9[%dma_wait3A, %dma_wait3A_55] : memref<128x128xf32, #tpu.memory_space<vmem>> -> memref<64x128xf32, #tpu.memory_space<vmem>>
      %dma_wait3A_57 = arith.constant 0 : i32
      %dma_wait3A_58 = tpu.memref_slice %arg12[%add3A_14, %dma_wait3A_57] : memref<5120x128xf32, #tpu.memory_space<vmem_shared>> -> memref<64x128xf32, #tpu.memory_space<vmem_shared>>
      %dma_wait3A_59 = arith.constant 0 : i32
      %dma_wait3A_60 = tpu.memref_slice %arg12[%add3A_14, %dma_wait3A_59] : memref<5120x128xf32, #tpu.memory_space<vmem_shared>> -> memref<64x128xf32, #tpu.memory_space<vmem_shared>>
      %dma_wait3A_61 = arith.constant 0 : i32
      %dma_wait3A_62 = arith.constant 0 : i32
      %dma_wait3A_63 = tpu.memref_slice %arg9[%dma_wait3A_61, %dma_wait3A_62] : memref<128x128xf32, #tpu.memory_space<vmem>> -> memref<64x128xf32, #tpu.memory_space<vmem>>
      tpu.wait_dma2 semaphore(%run_scoped3A : memref<!tpu.dma_semaphore, #tpu.memory_space<semaphore_mem>>) src(%dma_wait3A_63 : memref<64x128xf32, #tpu.memory_space<vmem>>) dst(%dma_wait3A_60 : memref<64x128xf32, #tpu.memory_space<vmem_shared>>)
      tpu.yield
    }) : () -> ()
    %add3A_15 = arith.constant 128 : i32
    %add3A_16 = arith.addi %mul3A_7, %add3A_15 : i32
    "tpu.region"() ({
      %run_scoped3A = tpu.sem_alloc : memref<!tpu.dma_semaphore, #tpu.memory_space<semaphore_mem>>
      %dma_start3A = arith.constant 0 : i32
      %dma_start3A_46 = arith.constant 0 : i32
      %dma_start3A_47 = tpu.memref_slice %arg9[%dma_start3A, %dma_start3A_46] : memref<128x128xf32, #tpu.memory_space<vmem>> -> memref<64x128xf32, #tpu.memory_space<vmem>>
      %dma_start3A_48 = arith.constant 0 : i32
      %dma_start3A_49 = tpu.memref_slice %arg11[%add3A_16, %dma_start3A_48] : memref<5120x128xf32, #tpu.memory_space<vmem_shared>> -> memref<64x128xf32, #tpu.memory_space<vmem_shared>>
      %dma_start3A_50 = arith.constant 0 : i32
      %dma_start3A_51 = tpu.memref_slice %arg11[%add3A_16, %dma_start3A_50] : memref<5120x128xf32, #tpu.memory_space<vmem_shared>> -> memref<64x128xf32, #tpu.memory_space<vmem_shared>>
      %dma_start3A_52 = arith.constant 0 : i32
      %dma_start3A_53 = arith.constant 0 : i32
      %dma_start3A_54 = tpu.memref_slice %arg9[%dma_start3A_52, %dma_start3A_53] : memref<128x128xf32, #tpu.memory_space<vmem>> -> memref<64x128xf32, #tpu.memory_space<vmem>>
      tpu.enqueue_dma source(%dma_start3A_54 : memref<64x128xf32, #tpu.memory_space<vmem>>) target(%dma_start3A_51 : memref<64x128xf32, #tpu.memory_space<vmem_shared>>) target_semaphore(%run_scoped3A : memref<!tpu.dma_semaphore, #tpu.memory_space<semaphore_mem>>)
      %dma_wait3A = arith.constant 0 : i32
      %dma_wait3A_55 = arith.constant 0 : i32
      %dma_wait3A_56 = tpu.memref_slice %arg9[%dma_wait3A, %dma_wait3A_55] : memref<128x128xf32, #tpu.memory_space<vmem>> -> memref<64x128xf32, #tpu.memory_space<vmem>>
      %dma_wait3A_57 = arith.constant 0 : i32
      %dma_wait3A_58 = tpu.memref_slice %arg11[%add3A_16, %dma_wait3A_57] : memref<5120x128xf32, #tpu.memory_space<vmem_shared>> -> memref<64x128xf32, #tpu.memory_space<vmem_shared>>
      %dma_wait3A_59 = arith.constant 0 : i32
      %dma_wait3A_60 = tpu.memref_slice %arg11[%add3A_16, %dma_wait3A_59] : memref<5120x128xf32, #tpu.memory_space<vmem_shared>> -> memref<64x128xf32, #tpu.memory_space<vmem_shared>>
      %dma_wait3A_61 = arith.constant 0 : i32
      %dma_wait3A_62 = arith.constant 0 : i32
      %dma_wait3A_63 = tpu.memref_slice %arg9[%dma_wait3A_61, %dma_wait3A_62] : memref<128x128xf32, #tpu.memory_space<vmem>> -> memref<64x128xf32, #tpu.memory_space<vmem>>
      tpu.wait_dma2 semaphore(%run_scoped3A : memref<!tpu.dma_semaphore, #tpu.memory_space<semaphore_mem>>) src(%dma_wait3A_63 : memref<64x128xf32, #tpu.memory_space<vmem>>) dst(%dma_wait3A_60 : memref<64x128xf32, #tpu.memory_space<vmem_shared>>)
      tpu.yield
    }) : () -> ()
    %add3A_17 = arith.constant 128 : i32
    %add3A_18 = arith.addi %mul3A_7, %add3A_17 : i32
    "tpu.region"() ({
      %run_scoped3A = tpu.sem_alloc : memref<!tpu.dma_semaphore, #tpu.memory_space<semaphore_mem>>
      %dma_start3A = arith.constant 0 : i32
      %dma_start3A_46 = arith.constant 0 : i32
      %dma_start3A_47 = tpu.memref_slice %arg9[%dma_start3A, %dma_start3A_46] : memref<128x128xf32, #tpu.memory_space<vmem>> -> memref<64x128xf32, #tpu.memory_space<vmem>>
      %dma_start3A_48 = arith.constant 0 : i32
      %dma_start3A_49 = tpu.memref_slice %arg12[%add3A_18, %dma_start3A_48] : memref<5120x128xf32, #tpu.memory_space<vmem_shared>> -> memref<64x128xf32, #tpu.memory_space<vmem_shared>>
      %dma_start3A_50 = arith.constant 0 : i32
      %dma_start3A_51 = tpu.memref_slice %arg12[%add3A_18, %dma_start3A_50] : memref<5120x128xf32, #tpu.memory_space<vmem_shared>> -> memref<64x128xf32, #tpu.memory_space<vmem_shared>>
      %dma_start3A_52 = arith.constant 0 : i32
      %dma_start3A_53 = arith.constant 0 : i32
      %dma_start3A_54 = tpu.memref_slice %arg9[%dma_start3A_52, %dma_start3A_53] : memref<128x128xf32, #tpu.memory_space<vmem>> -> memref<64x128xf32, #tpu.memory_space<vmem>>
      tpu.enqueue_dma source(%dma_start3A_54 : memref<64x128xf32, #tpu.memory_space<vmem>>) target(%dma_start3A_51 : memref<64x128xf32, #tpu.memory_space<vmem_shared>>) target_semaphore(%run_scoped3A : memref<!tpu.dma_semaphore, #tpu.memory_space<semaphore_mem>>)
      %dma_wait3A = arith.constant 0 : i32
      %dma_wait3A_55 = arith.constant 0 : i32
      %dma_wait3A_56 = tpu.memref_slice %arg9[%dma_wait3A, %dma_wait3A_55] : memref<128x128xf32, #tpu.memory_space<vmem>> -> memref<64x128xf32, #tpu.memory_space<vmem>>
      %dma_wait3A_57 = arith.constant 0 : i32
      %dma_wait3A_58 = tpu.memref_slice %arg12[%add3A_18, %dma_wait3A_57] : memref<5120x128xf32, #tpu.memory_space<vmem_shared>> -> memref<64x128xf32, #tpu.memory_space<vmem_shared>>
      %dma_wait3A_59 = arith.constant 0 : i32
      %dma_wait3A_60 = tpu.memref_slice %arg12[%add3A_18, %dma_wait3A_59] : memref<5120x128xf32, #tpu.memory_space<vmem_shared>> -> memref<64x128xf32, #tpu.memory_space<vmem_shared>>
      %dma_wait3A_61 = arith.constant 0 : i32
      %dma_wait3A_62 = arith.constant 0 : i32
      %dma_wait3A_63 = tpu.memref_slice %arg9[%dma_wait3A_61, %dma_wait3A_62] : memref<128x128xf32, #tpu.memory_space<vmem>> -> memref<64x128xf32, #tpu.memory_space<vmem>>
      tpu.wait_dma2 semaphore(%run_scoped3A : memref<!tpu.dma_semaphore, #tpu.memory_space<semaphore_mem>>) src(%dma_wait3A_63 : memref<64x128xf32, #tpu.memory_space<vmem>>) dst(%dma_wait3A_60 : memref<64x128xf32, #tpu.memory_space<vmem_shared>>)
      tpu.yield
    }) : () -> ()
    %add3A_19 = arith.constant 192 : i32
    %add3A_20 = arith.addi %mul3A_7, %add3A_19 : i32
    "tpu.region"() ({
      %run_scoped3A = tpu.sem_alloc : memref<!tpu.dma_semaphore, #tpu.memory_space<semaphore_mem>>
      %dma_start3A = arith.constant 0 : i32
      %dma_start3A_46 = arith.constant 0 : i32
      %dma_start3A_47 = tpu.memref_slice %arg9[%dma_start3A, %dma_start3A_46] : memref<128x128xf32, #tpu.memory_space<vmem>> -> memref<64x128xf32, #tpu.memory_space<vmem>>
      %dma_start3A_48 = arith.constant 0 : i32
      %dma_start3A_49 = tpu.memref_slice %arg11[%add3A_20, %dma_start3A_48] : memref<5120x128xf32, #tpu.memory_space<vmem_shared>> -> memref<64x128xf32, #tpu.memory_space<vmem_shared>>
      %dma_start3A_50 = arith.constant 0 : i32
      %dma_start3A_51 = tpu.memref_slice %arg11[%add3A_20, %dma_start3A_50] : memref<5120x128xf32, #tpu.memory_space<vmem_shared>> -> memref<64x128xf32, #tpu.memory_space<vmem_shared>>
      %dma_start3A_52 = arith.constant 0 : i32
      %dma_start3A_53 = arith.constant 0 : i32
      %dma_start3A_54 = tpu.memref_slice %arg9[%dma_start3A_52, %dma_start3A_53] : memref<128x128xf32, #tpu.memory_space<vmem>> -> memref<64x128xf32, #tpu.memory_space<vmem>>
      tpu.enqueue_dma source(%dma_start3A_54 : memref<64x128xf32, #tpu.memory_space<vmem>>) target(%dma_start3A_51 : memref<64x128xf32, #tpu.memory_space<vmem_shared>>) target_semaphore(%run_scoped3A : memref<!tpu.dma_semaphore, #tpu.memory_space<semaphore_mem>>)
      %dma_wait3A = arith.constant 0 : i32
      %dma_wait3A_55 = arith.constant 0 : i32
      %dma_wait3A_56 = tpu.memref_slice %arg9[%dma_wait3A, %dma_wait3A_55] : memref<128x128xf32, #tpu.memory_space<vmem>> -> memref<64x128xf32, #tpu.memory_space<vmem>>
      %dma_wait3A_57 = arith.constant 0 : i32
      %dma_wait3A_58 = tpu.memref_slice %arg11[%add3A_20, %dma_wait3A_57] : memref<5120x128xf32, #tpu.memory_space<vmem_shared>> -> memref<64x128xf32, #tpu.memory_space<vmem_shared>>
      %dma_wait3A_59 = arith.constant 0 : i32
      %dma_wait3A_60 = tpu.memref_slice %arg11[%add3A_20, %dma_wait3A_59] : memref<5120x128xf32, #tpu.memory_space<vmem_shared>> -> memref<64x128xf32, #tpu.memory_space<vmem_shared>>
      %dma_wait3A_61 = arith.constant 0 : i32
      %dma_wait3A_62 = arith.constant 0 : i32
      %dma_wait3A_63 = tpu.memref_slice %arg9[%dma_wait3A_61, %dma_wait3A_62] : memref<128x128xf32, #tpu.memory_space<vmem>> -> memref<64x128xf32, #tpu.memory_space<vmem>>
      tpu.wait_dma2 semaphore(%run_scoped3A : memref<!tpu.dma_semaphore, #tpu.memory_space<semaphore_mem>>) src(%dma_wait3A_63 : memref<64x128xf32, #tpu.memory_space<vmem>>) dst(%dma_wait3A_60 : memref<64x128xf32, #tpu.memory_space<vmem_shared>>)
      tpu.yield
    }) : () -> ()
    %add3A_21 = arith.constant 192 : i32
    %add3A_22 = arith.addi %mul3A_7, %add3A_21 : i32
    "tpu.region"() ({
      %run_scoped3A = tpu.sem_alloc : memref<!tpu.dma_semaphore, #tpu.memory_space<semaphore_mem>>
      %dma_start3A = arith.constant 0 : i32
      %dma_start3A_46 = arith.constant 0 : i32
      %dma_start3A_47 = tpu.memref_slice %arg9[%dma_start3A, %dma_start3A_46] : memref<128x128xf32, #tpu.memory_space<vmem>> -> memref<64x128xf32, #tpu.memory_space<vmem>>
      %dma_start3A_48 = arith.constant 0 : i32
      %dma_start3A_49 = tpu.memref_slice %arg12[%add3A_22, %dma_start3A_48] : memref<5120x128xf32, #tpu.memory_space<vmem_shared>> -> memref<64x128xf32, #tpu.memory_space<vmem_shared>>
      %dma_start3A_50 = arith.constant 0 : i32
      %dma_start3A_51 = tpu.memref_slice %arg12[%add3A_22, %dma_start3A_50] : memref<5120x128xf32, #tpu.memory_space<vmem_shared>> -> memref<64x128xf32, #tpu.memory_space<vmem_shared>>
      %dma_start3A_52 = arith.constant 0 : i32
      %dma_start3A_53 = arith.constant 0 : i32
      %dma_start3A_54 = tpu.memref_slice %arg9[%dma_start3A_52, %dma_start3A_53] : memref<128x128xf32, #tpu.memory_space<vmem>> -> memref<64x128xf32, #tpu.memory_space<vmem>>
      tpu.enqueue_dma source(%dma_start3A_54 : memref<64x128xf32, #tpu.memory_space<vmem>>) target(%dma_start3A_51 : memref<64x128xf32, #tpu.memory_space<vmem_shared>>) target_semaphore(%run_scoped3A : memref<!tpu.dma_semaphore, #tpu.memory_space<semaphore_mem>>)
      %dma_wait3A = arith.constant 0 : i32
      %dma_wait3A_55 = arith.constant 0 : i32
      %dma_wait3A_56 = tpu.memref_slice %arg9[%dma_wait3A, %dma_wait3A_55] : memref<128x128xf32, #tpu.memory_space<vmem>> -> memref<64x128xf32, #tpu.memory_space<vmem>>
      %dma_wait3A_57 = arith.constant 0 : i32
      %dma_wait3A_58 = tpu.memref_slice %arg12[%add3A_22, %dma_wait3A_57] : memref<5120x128xf32, #tpu.memory_space<vmem_shared>> -> memref<64x128xf32, #tpu.memory_space<vmem_shared>>
      %dma_wait3A_59 = arith.constant 0 : i32
      %dma_wait3A_60 = tpu.memref_slice %arg12[%add3A_22, %dma_wait3A_59] : memref<5120x128xf32, #tpu.memory_space<vmem_shared>> -> memref<64x128xf32, #tpu.memory_space<vmem_shared>>
      %dma_wait3A_61 = arith.constant 0 : i32
      %dma_wait3A_62 = arith.constant 0 : i32
      %dma_wait3A_63 = tpu.memref_slice %arg9[%dma_wait3A_61, %dma_wait3A_62] : memref<128x128xf32, #tpu.memory_space<vmem>> -> memref<64x128xf32, #tpu.memory_space<vmem>>
      tpu.wait_dma2 semaphore(%run_scoped3A : memref<!tpu.dma_semaphore, #tpu.memory_space<semaphore_mem>>) src(%dma_wait3A_63 : memref<64x128xf32, #tpu.memory_space<vmem>>) dst(%dma_wait3A_60 : memref<64x128xf32, #tpu.memory_space<vmem_shared>>)
      tpu.yield
    }) : () -> ()
    %add3A_23 = arith.constant 256 : i32
    %add3A_24 = arith.addi %mul3A_7, %add3A_23 : i32
    "tpu.region"() ({
      %run_scoped3A = tpu.sem_alloc : memref<!tpu.dma_semaphore, #tpu.memory_space<semaphore_mem>>
      %dma_start3A = arith.constant 0 : i32
      %dma_start3A_46 = arith.constant 0 : i32
      %dma_start3A_47 = tpu.memref_slice %arg9[%dma_start3A, %dma_start3A_46] : memref<128x128xf32, #tpu.memory_space<vmem>> -> memref<64x128xf32, #tpu.memory_space<vmem>>
      %dma_start3A_48 = arith.constant 0 : i32
      %dma_start3A_49 = tpu.memref_slice %arg11[%add3A_24, %dma_start3A_48] : memref<5120x128xf32, #tpu.memory_space<vmem_shared>> -> memref<64x128xf32, #tpu.memory_space<vmem_shared>>
      %dma_start3A_50 = arith.constant 0 : i32
      %dma_start3A_51 = tpu.memref_slice %arg11[%add3A_24, %dma_start3A_50] : memref<5120x128xf32, #tpu.memory_space<vmem_shared>> -> memref<64x128xf32, #tpu.memory_space<vmem_shared>>
      %dma_start3A_52 = arith.constant 0 : i32
      %dma_start3A_53 = arith.constant 0 : i32
      %dma_start3A_54 = tpu.memref_slice %arg9[%dma_start3A_52, %dma_start3A_53] : memref<128x128xf32, #tpu.memory_space<vmem>> -> memref<64x128xf32, #tpu.memory_space<vmem>>
      tpu.enqueue_dma source(%dma_start3A_54 : memref<64x128xf32, #tpu.memory_space<vmem>>) target(%dma_start3A_51 : memref<64x128xf32, #tpu.memory_space<vmem_shared>>) target_semaphore(%run_scoped3A : memref<!tpu.dma_semaphore, #tpu.memory_space<semaphore_mem>>)
      %dma_wait3A = arith.constant 0 : i32
      %dma_wait3A_55 = arith.constant 0 : i32
      %dma_wait3A_56 = tpu.memref_slice %arg9[%dma_wait3A, %dma_wait3A_55] : memref<128x128xf32, #tpu.memory_space<vmem>> -> memref<64x128xf32, #tpu.memory_space<vmem>>
      %dma_wait3A_57 = arith.constant 0 : i32
      %dma_wait3A_58 = tpu.memref_slice %arg11[%add3A_24, %dma_wait3A_57] : memref<5120x128xf32, #tpu.memory_space<vmem_shared>> -> memref<64x128xf32, #tpu.memory_space<vmem_shared>>
      %dma_wait3A_59 = arith.constant 0 : i32
      %dma_wait3A_60 = tpu.memref_slice %arg11[%add3A_24, %dma_wait3A_59] : memref<5120x128xf32, #tpu.memory_space<vmem_shared>> -> memref<64x128xf32, #tpu.memory_space<vmem_shared>>
      %dma_wait3A_61 = arith.constant 0 : i32
      %dma_wait3A_62 = arith.constant 0 : i32
      %dma_wait3A_63 = tpu.memref_slice %arg9[%dma_wait3A_61, %dma_wait3A_62] : memref<128x128xf32, #tpu.memory_space<vmem>> -> memref<64x128xf32, #tpu.memory_space<vmem>>
      tpu.wait_dma2 semaphore(%run_scoped3A : memref<!tpu.dma_semaphore, #tpu.memory_space<semaphore_mem>>) src(%dma_wait3A_63 : memref<64x128xf32, #tpu.memory_space<vmem>>) dst(%dma_wait3A_60 : memref<64x128xf32, #tpu.memory_space<vmem_shared>>)
      tpu.yield
    }) : () -> ()
    %add3A_25 = arith.constant 256 : i32
    %add3A_26 = arith.addi %mul3A_7, %add3A_25 : i32
    "tpu.region"() ({
      %run_scoped3A = tpu.sem_alloc : memref<!tpu.dma_semaphore, #tpu.memory_space<semaphore_mem>>
      %dma_start3A = arith.constant 0 : i32
      %dma_start3A_46 = arith.constant 0 : i32
      %dma_start3A_47 = tpu.memref_slice %arg9[%dma_start3A, %dma_start3A_46] : memref<128x128xf32, #tpu.memory_space<vmem>> -> memref<64x128xf32, #tpu.memory_space<vmem>>
      %dma_start3A_48 = arith.constant 0 : i32
      %dma_start3A_49 = tpu.memref_slice %arg12[%add3A_26, %dma_start3A_48] : memref<5120x128xf32, #tpu.memory_space<vmem_shared>> -> memref<64x128xf32, #tpu.memory_space<vmem_shared>>
      %dma_start3A_50 = arith.constant 0 : i32
      %dma_start3A_51 = tpu.memref_slice %arg12[%add3A_26, %dma_start3A_50] : memref<5120x128xf32, #tpu.memory_space<vmem_shared>> -> memref<64x128xf32, #tpu.memory_space<vmem_shared>>
      %dma_start3A_52 = arith.constant 0 : i32
      %dma_start3A_53 = arith.constant 0 : i32
      %dma_start3A_54 = tpu.memref_slice %arg9[%dma_start3A_52, %dma_start3A_53] : memref<128x128xf32, #tpu.memory_space<vmem>> -> memref<64x128xf32, #tpu.memory_space<vmem>>
      tpu.enqueue_dma source(%dma_start3A_54 : memref<64x128xf32, #tpu.memory_space<vmem>>) target(%dma_start3A_51 : memref<64x128xf32, #tpu.memory_space<vmem_shared>>) target_semaphore(%run_scoped3A : memref<!tpu.dma_semaphore, #tpu.memory_space<semaphore_mem>>)
      %dma_wait3A = arith.constant 0 : i32
      %dma_wait3A_55 = arith.constant 0 : i32
      %dma_wait3A_56 = tpu.memref_slice %arg9[%dma_wait3A, %dma_wait3A_55] : memref<128x128xf32, #tpu.memory_space<vmem>> -> memref<64x128xf32, #tpu.memory_space<vmem>>
      %dma_wait3A_57 = arith.constant 0 : i32
      %dma_wait3A_58 = tpu.memref_slice %arg12[%add3A_26, %dma_wait3A_57] : memref<5120x128xf32, #tpu.memory_space<vmem_shared>> -> memref<64x128xf32, #tpu.memory_space<vmem_shared>>
      %dma_wait3A_59 = arith.constant 0 : i32
      %dma_wait3A_60 = tpu.memref_slice %arg12[%add3A_26, %dma_wait3A_59] : memref<5120x128xf32, #tpu.memory_space<vmem_shared>> -> memref<64x128xf32, #tpu.memory_space<vmem_shared>>
      %dma_wait3A_61 = arith.constant 0 : i32
      %dma_wait3A_62 = arith.constant 0 : i32
      %dma_wait3A_63 = tpu.memref_slice %arg9[%dma_wait3A_61, %dma_wait3A_62] : memref<128x128xf32, #tpu.memory_space<vmem>> -> memref<64x128xf32, #tpu.memory_space<vmem>>
      tpu.wait_dma2 semaphore(%run_scoped3A : memref<!tpu.dma_semaphore, #tpu.memory_space<semaphore_mem>>) src(%dma_wait3A_63 : memref<64x128xf32, #tpu.memory_space<vmem>>) dst(%dma_wait3A_60 : memref<64x128xf32, #tpu.memory_space<vmem_shared>>)
      tpu.yield
    }) : () -> ()
    %barrier3A = arith.constant 0 : index
    tpu.barrier barrier_id(%barrier3A)
    %mul3A_27 = arith.constant 20224 : i32
    %mul3A_28 = arith.muli %arg1, %mul3A_27 : i32
    %scan3A_29 = arith.constant 0 : i32
    %scan3A_30 = arith.constant 0 : i32
    %scan3A_31 = arith.constant 158 : i32
    %scan3A_32 = arith.addi %scan3A_30, %scan3A_31 : i32
    %scan3A_33 = arith.constant 1 : i32
    scf.for %scan3A_46 = %scan3A_30 to %scan3A_32 step %scan3A_33  : i32 {
      %mul3A_47 = arith.constant 128 : i32
      %mul3A_48 = arith.muli %scan3A_46, %mul3A_47 : i32
      %add3A_49 = arith.addi %mul3A_28, %mul3A_48 : i32
      "tpu.region"() ({
        %run_scoped3A = tpu.sem_alloc : memref<!tpu.dma_semaphore, #tpu.memory_space<semaphore_mem>>
        %dma_start3A = tpu.memref_slice %arg2[%add3A_49] : memref<323584xi32, #tpu.memory_space<hbm>> -> memref<128xi32, #tpu.memory_space<hbm>>
        %dma_start3A_193 = tpu.memref_slice %arg2[%add3A_49] : memref<323584xi32, #tpu.memory_space<hbm>> -> memref<128xi32, #tpu.memory_space<hbm>>
        tpu.enqueue_dma source(%dma_start3A_193 : memref<128xi32, #tpu.memory_space<hbm>>) target(%arg7 : memref<128xi32, #tpu.memory_space<vmem>>) target_semaphore(%run_scoped3A : memref<!tpu.dma_semaphore, #tpu.memory_space<semaphore_mem>>)
        %dma_wait3A = tpu.memref_slice %arg2[%add3A_49] : memref<323584xi32, #tpu.memory_space<hbm>> -> memref<128xi32, #tpu.memory_space<hbm>>
        %dma_wait3A_194 = tpu.memref_slice %arg2[%add3A_49] : memref<323584xi32, #tpu.memory_space<hbm>> -> memref<128xi32, #tpu.memory_space<hbm>>
        tpu.wait_dma2 semaphore(%run_scoped3A : memref<!tpu.dma_semaphore, #tpu.memory_space<semaphore_mem>>) src(%dma_wait3A_194 : memref<128xi32, #tpu.memory_space<hbm>>) dst(%arg7 : memref<128xi32, #tpu.memory_space<vmem>>)
        tpu.yield
      }) : () -> ()
      "tpu.region"() ({
        %run_scoped3A = tpu.sem_alloc : memref<!tpu.dma_semaphore, #tpu.memory_space<semaphore_mem>>
        %dma_start3A = arith.constant 0 : i32
        %dma_start3A_193 = tpu.memref_slice %arg3[%add3A_49, %dma_start3A] : memref<323584x128xf32, #tpu.memory_space<hbm>> -> memref<128x128xf32, #tpu.memory_space<hbm>>
        %dma_start3A_194 = arith.constant 0 : i32
        %dma_start3A_195 = tpu.memref_slice %arg3[%add3A_49, %dma_start3A_194] : memref<323584x128xf32, #tpu.memory_space<hbm>> -> memref<128x128xf32, #tpu.memory_space<hbm>>
        tpu.enqueue_dma source(%dma_start3A_195 : memref<128x128xf32, #tpu.memory_space<hbm>>) target(%arg9 : memref<128x128xf32, #tpu.memory_space<vmem>>) target_semaphore(%run_scoped3A : memref<!tpu.dma_semaphore, #tpu.memory_space<semaphore_mem>>)
        %dma_wait3A = arith.constant 0 : i32
        %dma_wait3A_196 = tpu.memref_slice %arg3[%add3A_49, %dma_wait3A] : memref<323584x128xf32, #tpu.memory_space<hbm>> -> memref<128x128xf32, #tpu.memory_space<hbm>>
        %dma_wait3A_197 = arith.constant 0 : i32
        %dma_wait3A_198 = tpu.memref_slice %arg3[%add3A_49, %dma_wait3A_197] : memref<323584x128xf32, #tpu.memory_space<hbm>> -> memref<128x128xf32, #tpu.memory_space<hbm>>
        tpu.wait_dma2 semaphore(%run_scoped3A : memref<!tpu.dma_semaphore, #tpu.memory_space<semaphore_mem>>) src(%dma_wait3A_198 : memref<128x128xf32, #tpu.memory_space<hbm>>) dst(%arg9 : memref<128x128xf32, #tpu.memory_space<vmem>>)
        tpu.yield
      }) : () -> ()
      "tpu.region"() ({
        %run_scoped3A = tpu.sem_alloc : memref<!tpu.dma_semaphore, #tpu.memory_space<semaphore_mem>>
        %dma_start3A = arith.constant 0 : i32
        %dma_start3A_193 = tpu.memref_slice %arg4[%add3A_49, %dma_start3A] : memref<323584x128xf32, #tpu.memory_space<hbm>> -> memref<128x128xf32, #tpu.memory_space<hbm>>
        %dma_start3A_194 = arith.constant 0 : i32
        %dma_start3A_195 = tpu.memref_slice %arg4[%add3A_49, %dma_start3A_194] : memref<323584x128xf32, #tpu.memory_space<hbm>> -> memref<128x128xf32, #tpu.memory_space<hbm>>
        tpu.enqueue_dma source(%dma_start3A_195 : memref<128x128xf32, #tpu.memory_space<hbm>>) target(%arg10 : memref<128x128xf32, #tpu.memory_space<vmem>>) target_semaphore(%run_scoped3A : memref<!tpu.dma_semaphore, #tpu.memory_space<semaphore_mem>>)
        %dma_wait3A = arith.constant 0 : i32
        %dma_wait3A_196 = tpu.memref_slice %arg4[%add3A_49, %dma_wait3A] : memref<323584x128xf32, #tpu.memory_space<hbm>> -> memref<128x128xf32, #tpu.memory_space<hbm>>
        %dma_wait3A_197 = arith.constant 0 : i32
        %dma_wait3A_198 = tpu.memref_slice %arg4[%add3A_49, %dma_wait3A_197] : memref<323584x128xf32, #tpu.memory_space<hbm>> -> memref<128x128xf32, #tpu.memory_space<hbm>>
        tpu.wait_dma2 semaphore(%run_scoped3A : memref<!tpu.dma_semaphore, #tpu.memory_space<semaphore_mem>>) src(%dma_wait3A_198 : memref<128x128xf32, #tpu.memory_space<hbm>>) dst(%arg10 : memref<128x128xf32, #tpu.memory_space<vmem>>)
        tpu.yield
      }) : () -> ()
      %get3A = arith.constant 0 : index
      %get3A_50 = tpu.vector_load %arg7[%get3A] {strides = array<i32>} : memref<128xi32, #tpu.memory_space<vmem>>, vector<16xi32>,
      %get3A_51 = vector.shape_cast %get3A_50 : vector<16xi32> to vector<16xi32>
      %sub3A = vector.broadcast %mul3A_0 : i32 to vector<16xi32>
      %sub3A_52 = arith.subi %get3A_51, %sub3A : vector<16xi32>
      %ge3A = arith.constant 0 : i32
      %ge3A_53 = vector.broadcast %ge3A : i32 to vector<16xi32>
      %ge3A_54 = arith.cmpi sge, %sub3A_52, %ge3A_53 : vector<16xi32>
      %lt3A = arith.constant 5056 : i32
      %lt3A_55 = vector.broadcast %lt3A : i32 to vector<16xi32>
      %lt3A_56 = arith.cmpi slt, %sub3A_52, %lt3A_55 : vector<16xi32>
      %and3A = arith.andi %ge3A_54, %lt3A_56 : vector<16xi1>
      %jit3A = arith.constant 5056 : i32
      %broadcast_in_dim3A = vector.broadcast %jit3A : i32 to vector<16xi32>
      %select_n3A = arith.select %and3A, %sub3A_52, %broadcast_in_dim3A : vector<16xi1>, vector<16xi32>
      %swap3A = arith.constant 0 : index
      %swap3A_57 = tpu.vector_load %arg8[%swap3A] {strides = array<i32>} : memref<128xi32, #tpu.memory_space<vmem>>, vector<16xi32>,
      %swap3A_58 = vector.shape_cast %swap3A_57 : vector<16xi32> to vector<16xi32>
      %swap3A_59 = vector.shape_cast %select_n3A : vector<16xi32> to vector<16xi32>
      tpu.vector_store %arg8[%swap3A], %swap3A_59 {strides = array<i32>} : memref<128xi32, #tpu.memory_space<vmem>>, vector<16xi32>,
      %get3A_60 = arith.constant 16 : index
      %get3A_61 = tpu.vector_load %arg7[%get3A_60] {strides = array<i32>} : memref<128xi32, #tpu.memory_space<vmem>>, vector<16xi32>,
      %get3A_62 = vector.shape_cast %get3A_61 : vector<16xi32> to vector<16xi32>
      %sub3A_63 = vector.broadcast %mul3A_0 : i32 to vector<16xi32>
      %sub3A_64 = arith.subi %get3A_62, %sub3A_63 : vector<16xi32>
      %ge3A_65 = arith.constant 0 : i32
      %ge3A_66 = vector.broadcast %ge3A_65 : i32 to vector<16xi32>
      %ge3A_67 = arith.cmpi sge, %sub3A_64, %ge3A_66 : vector<16xi32>
      %lt3A_68 = arith.constant 5056 : i32
      %lt3A_69 = vector.broadcast %lt3A_68 : i32 to vector<16xi32>
      %lt3A_70 = arith.cmpi slt, %sub3A_64, %lt3A_69 : vector<16xi32>
      %and3A_71 = arith.andi %ge3A_67, %lt3A_70 : vector<16xi1>
      %jit3A_72 = arith.constant 5056 : i32
      %broadcast_in_dim3A_73 = vector.broadcast %jit3A_72 : i32 to vector<16xi32>
      %select_n3A_74 = arith.select %and3A_71, %sub3A_64, %broadcast_in_dim3A_73 : vector<16xi1>, vector<16xi32>
      %swap3A_75 = arith.constant 16 : index
      %swap3A_76 = tpu.vector_load %arg8[%swap3A_75] {strides = array<i32>} : memref<128xi32, #tpu.memory_space<vmem>>, vector<16xi32>,
      %swap3A_77 = vector.shape_cast %swap3A_76 : vector<16xi32> to vector<16xi32>
      %swap3A_78 = vector.shape_cast %select_n3A_74 : vector<16xi32> to vector<16xi32>
      tpu.vector_store %arg8[%swap3A_75], %swap3A_78 {strides = array<i32>} : memref<128xi32, #tpu.memory_space<vmem>>, vector<16xi32>,
      %get3A_79 = arith.constant 32 : index
      %get3A_80 = tpu.vector_load %arg7[%get3A_79] {strides = array<i32>} : memref<128xi32, #tpu.memory_space<vmem>>, vector<16xi32>,
      %get3A_81 = vector.shape_cast %get3A_80 : vector<16xi32> to vector<16xi32>
      %sub3A_82 = vector.broadcast %mul3A_0 : i32 to vector<16xi32>
      %sub3A_83 = arith.subi %get3A_81, %sub3A_82 : vector<16xi32>
      %ge3A_84 = arith.constant 0 : i32
      %ge3A_85 = vector.broadcast %ge3A_84 : i32 to vector<16xi32>
      %ge3A_86 = arith.cmpi sge, %sub3A_83, %ge3A_85 : vector<16xi32>
      %lt3A_87 = arith.constant 5056 : i32
      %lt3A_88 = vector.broadcast %lt3A_87 : i32 to vector<16xi32>
      %lt3A_89 = arith.cmpi slt, %sub3A_83, %lt3A_88 : vector<16xi32>
      %and3A_90 = arith.andi %ge3A_86, %lt3A_89 : vector<16xi1>
      %jit3A_91 = arith.constant 5056 : i32
      %broadcast_in_dim3A_92 = vector.broadcast %jit3A_91 : i32 to vector<16xi32>
      %select_n3A_93 = arith.select %and3A_90, %sub3A_83, %broadcast_in_dim3A_92 : vector<16xi1>, vector<16xi32>
      %swap3A_94 = arith.constant 32 : index
      %swap3A_95 = tpu.vector_load %arg8[%swap3A_94] {strides = array<i32>} : memref<128xi32, #tpu.memory_space<vmem>>, vector<16xi32>,
      %swap3A_96 = vector.shape_cast %swap3A_95 : vector<16xi32> to vector<16xi32>
      %swap3A_97 = vector.shape_cast %select_n3A_93 : vector<16xi32> to vector<16xi32>
      tpu.vector_store %arg8[%swap3A_94], %swap3A_97 {strides = array<i32>} : memref<128xi32, #tpu.memory_space<vmem>>, vector<16xi32>,
      %get3A_98 = arith.constant 48 : index
      %get3A_99 = tpu.vector_load %arg7[%get3A_98] {strides = array<i32>} : memref<128xi32, #tpu.memory_space<vmem>>, vector<16xi32>,
      %get3A_100 = vector.shape_cast %get3A_99 : vector<16xi32> to vector<16xi32>
      %sub3A_101 = vector.broadcast %mul3A_0 : i32 to vector<16xi32>
      %sub3A_102 = arith.subi %get3A_100, %sub3A_101 : vector<16xi32>
      %ge3A_103 = arith.constant 0 : i32
      %ge3A_104 = vector.broadcast %ge3A_103 : i32 to vector<16xi32>
      %ge3A_105 = arith.cmpi sge, %sub3A_102, %ge3A_104 : vector<16xi32>
      %lt3A_106 = arith.constant 5056 : i32
      %lt3A_107 = vector.broadcast %lt3A_106 : i32 to vector<16xi32>
      %lt3A_108 = arith.cmpi slt, %sub3A_102, %lt3A_107 : vector<16xi32>
      %and3A_109 = arith.andi %ge3A_105, %lt3A_108 : vector<16xi1>
      %jit3A_110 = arith.constant 5056 : i32
      %broadcast_in_dim3A_111 = vector.broadcast %jit3A_110 : i32 to vector<16xi32>
      %select_n3A_112 = arith.select %and3A_109, %sub3A_102, %broadcast_in_dim3A_111 : vector<16xi1>, vector<16xi32>
      %swap3A_113 = arith.constant 48 : index
      %swap3A_114 = tpu.vector_load %arg8[%swap3A_113] {strides = array<i32>} : memref<128xi32, #tpu.memory_space<vmem>>, vector<16xi32>,
      %swap3A_115 = vector.shape_cast %swap3A_114 : vector<16xi32> to vector<16xi32>
      %swap3A_116 = vector.shape_cast %select_n3A_112 : vector<16xi32> to vector<16xi32>
      tpu.vector_store %arg8[%swap3A_113], %swap3A_116 {strides = array<i32>} : memref<128xi32, #tpu.memory_space<vmem>>, vector<16xi32>,
      %get3A_117 = arith.constant 64 : index
      %get3A_118 = tpu.vector_load %arg7[%get3A_117] {strides = array<i32>} : memref<128xi32, #tpu.memory_space<vmem>>, vector<16xi32>,
      %get3A_119 = vector.shape_cast %get3A_118 : vector<16xi32> to vector<16xi32>
      %sub3A_120 = vector.broadcast %mul3A_0 : i32 to vector<16xi32>
      %sub3A_121 = arith.subi %get3A_119, %sub3A_120 : vector<16xi32>
      %ge3A_122 = arith.constant 0 : i32
      %ge3A_123 = vector.broadcast %ge3A_122 : i32 to vector<16xi32>
      %ge3A_124 = arith.cmpi sge, %sub3A_121, %ge3A_123 : vector<16xi32>
      %lt3A_125 = arith.constant 5056 : i32
      %lt3A_126 = vector.broadcast %lt3A_125 : i32 to vector<16xi32>
      %lt3A_127 = arith.cmpi slt, %sub3A_121, %lt3A_126 : vector<16xi32>
      %and3A_128 = arith.andi %ge3A_124, %lt3A_127 : vector<16xi1>
      %jit3A_129 = arith.constant 5056 : i32
      %broadcast_in_dim3A_130 = vector.broadcast %jit3A_129 : i32 to vector<16xi32>
      %select_n3A_131 = arith.select %and3A_128, %sub3A_121, %broadcast_in_dim3A_130 : vector<16xi1>, vector<16xi32>
      %swap3A_132 = arith.constant 64 : index
      %swap3A_133 = tpu.vector_load %arg8[%swap3A_132] {strides = array<i32>} : memref<128xi32, #tpu.memory_space<vmem>>, vector<16xi32>,
      %swap3A_134 = vector.shape_cast %swap3A_133 : vector<16xi32> to vector<16xi32>
      %swap3A_135 = vector.shape_cast %select_n3A_131 : vector<16xi32> to vector<16xi32>
      tpu.vector_store %arg8[%swap3A_132], %swap3A_135 {strides = array<i32>} : memref<128xi32, #tpu.memory_space<vmem>>, vector<16xi32>,
      %get3A_136 = arith.constant 80 : index
      %get3A_137 = tpu.vector_load %arg7[%get3A_136] {strides = array<i32>} : memref<128xi32, #tpu.memory_space<vmem>>, vector<16xi32>,
      %get3A_138 = vector.shape_cast %get3A_137 : vector<16xi32> to vector<16xi32>
      %sub3A_139 = vector.broadcast %mul3A_0 : i32 to vector<16xi32>
      %sub3A_140 = arith.subi %get3A_138, %sub3A_139 : vector<16xi32>
      %ge3A_141 = arith.constant 0 : i32
      %ge3A_142 = vector.broadcast %ge3A_141 : i32 to vector<16xi32>
      %ge3A_143 = arith.cmpi sge, %sub3A_140, %ge3A_142 : vector<16xi32>
      %lt3A_144 = arith.constant 5056 : i32
      %lt3A_145 = vector.broadcast %lt3A_144 : i32 to vector<16xi32>
      %lt3A_146 = arith.cmpi slt, %sub3A_140, %lt3A_145 : vector<16xi32>
      %and3A_147 = arith.andi %ge3A_143, %lt3A_146 : vector<16xi1>
      %jit3A_148 = arith.constant 5056 : i32
      %broadcast_in_dim3A_149 = vector.broadcast %jit3A_148 : i32 to vector<16xi32>
      %select_n3A_150 = arith.select %and3A_147, %sub3A_140, %broadcast_in_dim3A_149 : vector<16xi1>, vector<16xi32>
      %swap3A_151 = arith.constant 80 : index
      %swap3A_152 = tpu.vector_load %arg8[%swap3A_151] {strides = array<i32>} : memref<128xi32, #tpu.memory_space<vmem>>, vector<16xi32>,
      %swap3A_153 = vector.shape_cast %swap3A_152 : vector<16xi32> to vector<16xi32>
      %swap3A_154 = vector.shape_cast %select_n3A_150 : vector<16xi32> to vector<16xi32>
      tpu.vector_store %arg8[%swap3A_151], %swap3A_154 {strides = array<i32>} : memref<128xi32, #tpu.memory_space<vmem>>, vector<16xi32>,
      %get3A_155 = arith.constant 96 : index
      %get3A_156 = tpu.vector_load %arg7[%get3A_155] {strides = array<i32>} : memref<128xi32, #tpu.memory_space<vmem>>, vector<16xi32>,
      %get3A_157 = vector.shape_cast %get3A_156 : vector<16xi32> to vector<16xi32>
      %sub3A_158 = vector.broadcast %mul3A_0 : i32 to vector<16xi32>
      %sub3A_159 = arith.subi %get3A_157, %sub3A_158 : vector<16xi32>
      %ge3A_160 = arith.constant 0 : i32
      %ge3A_161 = vector.broadcast %ge3A_160 : i32 to vector<16xi32>
      %ge3A_162 = arith.cmpi sge, %sub3A_159, %ge3A_161 : vector<16xi32>
      %lt3A_163 = arith.constant 5056 : i32
      %lt3A_164 = vector.broadcast %lt3A_163 : i32 to vector<16xi32>
      %lt3A_165 = arith.cmpi slt, %sub3A_159, %lt3A_164 : vector<16xi32>
      %and3A_166 = arith.andi %ge3A_162, %lt3A_165 : vector<16xi1>
      %jit3A_167 = arith.constant 5056 : i32
      %broadcast_in_dim3A_168 = vector.broadcast %jit3A_167 : i32 to vector<16xi32>
      %select_n3A_169 = arith.select %and3A_166, %sub3A_159, %broadcast_in_dim3A_168 : vector<16xi1>, vector<16xi32>
      %swap3A_170 = arith.constant 96 : index
      %swap3A_171 = tpu.vector_load %arg8[%swap3A_170] {strides = array<i32>} : memref<128xi32, #tpu.memory_space<vmem>>, vector<16xi32>,
      %swap3A_172 = vector.shape_cast %swap3A_171 : vector<16xi32> to vector<16xi32>
      %swap3A_173 = vector.shape_cast %select_n3A_169 : vector<16xi32> to vector<16xi32>
      tpu.vector_store %arg8[%swap3A_170], %swap3A_173 {strides = array<i32>} : memref<128xi32, #tpu.memory_space<vmem>>, vector<16xi32>,
      %get3A_174 = arith.constant 112 : index
      %get3A_175 = tpu.vector_load %arg7[%get3A_174] {strides = array<i32>} : memref<128xi32, #tpu.memory_space<vmem>>, vector<16xi32>,
      %get3A_176 = vector.shape_cast %get3A_175 : vector<16xi32> to vector<16xi32>
      %sub3A_177 = vector.broadcast %mul3A_0 : i32 to vector<16xi32>
      %sub3A_178 = arith.subi %get3A_176, %sub3A_177 : vector<16xi32>
      %ge3A_179 = arith.constant 0 : i32
      %ge3A_180 = vector.broadcast %ge3A_179 : i32 to vector<16xi32>
      %ge3A_181 = arith.cmpi sge, %sub3A_178, %ge3A_180 : vector<16xi32>
      %lt3A_182 = arith.constant 5056 : i32
      %lt3A_183 = vector.broadcast %lt3A_182 : i32 to vector<16xi32>
      %lt3A_184 = arith.cmpi slt, %sub3A_178, %lt3A_183 : vector<16xi32>
      %and3A_185 = arith.andi %ge3A_181, %lt3A_184 : vector<16xi1>
      %jit3A_186 = arith.constant 5056 : i32
      %broadcast_in_dim3A_187 = vector.broadcast %jit3A_186 : i32 to vector<16xi32>
      %select_n3A_188 = arith.select %and3A_185, %sub3A_178, %broadcast_in_dim3A_187 : vector<16xi1>, vector<16xi32>
      %swap3A_189 = arith.constant 112 : index
      %swap3A_190 = tpu.vector_load %arg8[%swap3A_189] {strides = array<i32>} : memref<128xi32, #tpu.memory_space<vmem>>, vector<16xi32>,
      %swap3A_191 = vector.shape_cast %swap3A_190 : vector<16xi32> to vector<16xi32>
      %swap3A_192 = vector.shape_cast %select_n3A_188 : vector<16xi32> to vector<16xi32>
      tpu.vector_store %arg8[%swap3A_189], %swap3A_192 {strides = array<i32>} : memref<128xi32, #tpu.memory_space<vmem>>, vector<16xi32>,
      "tpu.region"() ({
        %run_scoped3A = tpu.sem_alloc : memref<!tpu.dma_semaphore, #tpu.memory_space<semaphore_mem>>
        %dma_start3A = arith.constant 0 : i32
        %dma_start3A_193 = arith.constant 0 : i32
        %dma_start3A_194 = tpu.memref_slice %arg11[%dma_start3A, %dma_start3A_193] : memref<5120x128xf32, #tpu.memory_space<vmem_shared>> -> memref<5120x128xf32, #tpu.memory_space<vmem_shared>>
        tpu.enqueue_indirect_dma source(%arg9 : memref<128x128xf32, #tpu.memory_space<vmem>>) target(%dma_start3A_194 : memref<5120x128xf32, #tpu.memory_space<vmem_shared>>) offsets(%arg8 : memref<128xi32, #tpu.memory_space<vmem>>) semaphore(%run_scoped3A : memref<!tpu.dma_semaphore, #tpu.memory_space<semaphore_mem>>) {add = true}
        %dma_wait3A = arith.constant 0 : i32
        %dma_wait3A_195 = arith.constant 0 : i32
        %dma_wait3A_196 = tpu.memref_slice %arg11[%dma_wait3A, %dma_wait3A_195] : memref<5120x128xf32, #tpu.memory_space<vmem_shared>> -> memref<5120x128xf32, #tpu.memory_space<vmem_shared>>
        tpu.wait_indirect_dma semaphore(%run_scoped3A : memref<!tpu.dma_semaphore, #tpu.memory_space<semaphore_mem>>) src(%arg9 : memref<128x128xf32, #tpu.memory_space<vmem>>) dst(%dma_wait3A_196 : memref<5120x128xf32, #tpu.memory_space<vmem_shared>>)
        tpu.yield
      }) : () -> ()
      "tpu.region"() ({
        %run_scoped3A = tpu.sem_alloc : memref<!tpu.dma_semaphore, #tpu.memory_space<semaphore_mem>>
        %dma_start3A = arith.constant 0 : i32
        %dma_start3A_193 = arith.constant 0 : i32
        %dma_start3A_194 = tpu.memref_slice %arg12[%dma_start3A, %dma_start3A_193] : memref<5120x128xf32, #tpu.memory_space<vmem_shared>> -> memref<5120x128xf32, #tpu.memory_space<vmem_shared>>
        tpu.enqueue_indirect_dma source(%arg10 : memref<128x128xf32, #tpu.memory_space<vmem>>) target(%dma_start3A_194 : memref<5120x128xf32, #tpu.memory_space<vmem_shared>>) offsets(%arg8 : memref<128xi32, #tpu.memory_space<vmem>>) semaphore(%run_scoped3A : memref<!tpu.dma_semaphore, #tpu.memory_space<semaphore_mem>>) {add = true}
        %dma_wait3A = arith.constant 0 : i32
        %dma_wait3A_195 = arith.constant 0 : i32
        %dma_wait3A_196 = tpu.memref_slice %arg12[%dma_wait3A, %dma_wait3A_195] : memref<5120x128xf32, #tpu.memory_space<vmem_shared>> -> memref<5120x128xf32, #tpu.memory_space<vmem_shared>>
        tpu.wait_indirect_dma semaphore(%run_scoped3A : memref<!tpu.dma_semaphore, #tpu.memory_space<semaphore_mem>>) src(%arg10 : memref<128x128xf32, #tpu.memory_space<vmem>>) dst(%dma_wait3A_196 : memref<5120x128xf32, #tpu.memory_space<vmem_shared>>)
        tpu.yield
      }) : () -> ()
    }
    %scan3A_34 = arith.constant 158 : i32
    %barrier3A_35 = arith.constant 0 : index
    tpu.barrier barrier_id(%barrier3A_35)
    %add3A_36 = arith.constant 0 : i32
    %add3A_37 = arith.addi %mul3A_7, %add3A_36 : i32
    "tpu.region"() ({
      %run_scoped3A = tpu.sem_alloc : memref<!tpu.dma_semaphore, #tpu.memory_space<semaphore_mem>>
      %dma_start3A = arith.constant 0 : i32
      %dma_start3A_46 = arith.constant 0 : i32
      %dma_start3A_47 = tpu.memref_slice %arg9[%dma_start3A, %dma_start3A_46] : memref<128x128xf32, #tpu.memory_space<vmem>> -> memref<64x128xf32, #tpu.memory_space<vmem>>
      %dma_start3A_48 = arith.constant 0 : i32
      %dma_start3A_49 = tpu.memref_slice %arg11[%add3A_37, %dma_start3A_48] : memref<5120x128xf32, #tpu.memory_space<vmem_shared>> -> memref<64x128xf32, #tpu.memory_space<vmem_shared>>
      %dma_start3A_50 = arith.constant 0 : i32
      %dma_start3A_51 = arith.constant 0 : i32
      %dma_start3A_52 = tpu.memref_slice %arg9[%dma_start3A_50, %dma_start3A_51] : memref<128x128xf32, #tpu.memory_space<vmem>> -> memref<64x128xf32, #tpu.memory_space<vmem>>
      %dma_start3A_53 = arith.constant 0 : i32
      %dma_start3A_54 = tpu.memref_slice %arg11[%add3A_37, %dma_start3A_53] : memref<5120x128xf32, #tpu.memory_space<vmem_shared>> -> memref<64x128xf32, #tpu.memory_space<vmem_shared>>
      tpu.enqueue_dma source(%dma_start3A_54 : memref<64x128xf32, #tpu.memory_space<vmem_shared>>) target(%dma_start3A_52 : memref<64x128xf32, #tpu.memory_space<vmem>>) target_semaphore(%run_scoped3A : memref<!tpu.dma_semaphore, #tpu.memory_space<semaphore_mem>>)
      %dma_wait3A = arith.constant 0 : i32
      %dma_wait3A_55 = arith.constant 0 : i32
      %dma_wait3A_56 = tpu.memref_slice %arg9[%dma_wait3A, %dma_wait3A_55] : memref<128x128xf32, #tpu.memory_space<vmem>> -> memref<64x128xf32, #tpu.memory_space<vmem>>
      %dma_wait3A_57 = arith.constant 0 : i32
      %dma_wait3A_58 = tpu.memref_slice %arg11[%add3A_37, %dma_wait3A_57] : memref<5120x128xf32, #tpu.memory_space<vmem_shared>> -> memref<64x128xf32, #tpu.memory_space<vmem_shared>>
      %dma_wait3A_59 = arith.constant 0 : i32
      %dma_wait3A_60 = arith.constant 0 : i32
      %dma_wait3A_61 = tpu.memref_slice %arg9[%dma_wait3A_59, %dma_wait3A_60] : memref<128x128xf32, #tpu.memory_space<vmem>> -> memref<64x128xf32, #tpu.memory_space<vmem>>
      %dma_wait3A_62 = arith.constant 0 : i32
      %dma_wait3A_63 = tpu.memref_slice %arg11[%add3A_37, %dma_wait3A_62] : memref<5120x128xf32, #tpu.memory_space<vmem_shared>> -> memref<64x128xf32, #tpu.memory_space<vmem_shared>>
      tpu.wait_dma2 semaphore(%run_scoped3A : memref<!tpu.dma_semaphore, #tpu.memory_space<semaphore_mem>>) src(%dma_wait3A_63 : memref<64x128xf32, #tpu.memory_space<vmem_shared>>) dst(%dma_wait3A_61 : memref<64x128xf32, #tpu.memory_space<vmem>>)
      tpu.yield
    }) : () -> ()
    "tpu.region"() ({
      %run_scoped3A = tpu.sem_alloc : memref<!tpu.dma_semaphore, #tpu.memory_space<semaphore_mem>>
      %dma_start3A = arith.constant 0 : i32
      %dma_start3A_46 = arith.constant 0 : i32
      %dma_start3A_47 = tpu.memref_slice %arg9[%dma_start3A, %dma_start3A_46] : memref<128x128xf32, #tpu.memory_space<vmem>> -> memref<64x128xf32, #tpu.memory_space<vmem>>
      %dma_start3A_48 = arith.constant 0 : i32
      %dma_start3A_49 = tpu.memref_slice %arg5[%arg0, %add3A_37, %dma_start3A_48] : memref<2x5120x128xf32, #tpu.memory_space<hbm>> -> memref<1x64x128xf32, #tpu.memory_space<hbm>>
      %dma_start3A_50 = tpu.memref_squeeze %dma_start3A_49 : memref<1x64x128xf32, #tpu.memory_space<hbm>> -> memref<64x128xf32, #tpu.memory_space<hbm>>
      %dma_start3A_51 = arith.constant 0 : i32
      %dma_start3A_52 = tpu.memref_slice %arg5[%arg0, %add3A_37, %dma_start3A_51] : memref<2x5120x128xf32, #tpu.memory_space<hbm>> -> memref<1x64x128xf32, #tpu.memory_space<hbm>>
      %dma_start3A_53 = tpu.memref_squeeze %dma_start3A_52 : memref<1x64x128xf32, #tpu.memory_space<hbm>> -> memref<64x128xf32, #tpu.memory_space<hbm>>
      %dma_start3A_54 = arith.constant 0 : i32
      %dma_start3A_55 = arith.constant 0 : i32
      %dma_start3A_56 = tpu.memref_slice %arg9[%dma_start3A_54, %dma_start3A_55] : memref<128x128xf32, #tpu.memory_space<vmem>> -> memref<64x128xf32, #tpu.memory_space<vmem>>
      tpu.enqueue_dma source(%dma_start3A_56 : memref<64x128xf32, #tpu.memory_space<vmem>>) target(%dma_start3A_53 : memref<64x128xf32, #tpu.memory_space<hbm>>) target_semaphore(%run_scoped3A : memref<!tpu.dma_semaphore, #tpu.memory_space<semaphore_mem>>)
      %dma_wait3A = arith.constant 0 : i32
      %dma_wait3A_57 = arith.constant 0 : i32
      %dma_wait3A_58 = tpu.memref_slice %arg9[%dma_wait3A, %dma_wait3A_57] : memref<128x128xf32, #tpu.memory_space<vmem>> -> memref<64x128xf32, #tpu.memory_space<vmem>>
      %dma_wait3A_59 = arith.constant 0 : i32
      %dma_wait3A_60 = tpu.memref_slice %arg5[%arg0, %add3A_37, %dma_wait3A_59] : memref<2x5120x128xf32, #tpu.memory_space<hbm>> -> memref<1x64x128xf32, #tpu.memory_space<hbm>>
      %dma_wait3A_61 = tpu.memref_squeeze %dma_wait3A_60 : memref<1x64x128xf32, #tpu.memory_space<hbm>> -> memref<64x128xf32, #tpu.memory_space<hbm>>
      %dma_wait3A_62 = arith.constant 0 : i32
      %dma_wait3A_63 = tpu.memref_slice %arg5[%arg0, %add3A_37, %dma_wait3A_62] : memref<2x5120x128xf32, #tpu.memory_space<hbm>> -> memref<1x64x128xf32, #tpu.memory_space<hbm>>
      %dma_wait3A_64 = tpu.memref_squeeze %dma_wait3A_63 : memref<1x64x128xf32, #tpu.memory_space<hbm>> -> memref<64x128xf32, #tpu.memory_space<hbm>>
      %dma_wait3A_65 = arith.constant 0 : i32
      %dma_wait3A_66 = arith.constant 0 : i32
      %dma_wait3A_67 = tpu.memref_slice %arg9[%dma_wait3A_65, %dma_wait3A_66] : memref<128x128xf32, #tpu.memory_space<vmem>> -> memref<64x128xf32, #tpu.memory_space<vmem>>
      tpu.wait_dma2 semaphore(%run_scoped3A : memref<!tpu.dma_semaphore, #tpu.memory_space<semaphore_mem>>) src(%dma_wait3A_67 : memref<64x128xf32, #tpu.memory_space<vmem>>) dst(%dma_wait3A_64 : memref<64x128xf32, #tpu.memory_space<hbm>>)
      tpu.yield
    }) : () -> ()
    "tpu.region"() ({
      %run_scoped3A = tpu.sem_alloc : memref<!tpu.dma_semaphore, #tpu.memory_space<semaphore_mem>>
      %dma_start3A = arith.constant 0 : i32
      %dma_start3A_46 = arith.constant 0 : i32
      %dma_start3A_47 = tpu.memref_slice %arg10[%dma_start3A, %dma_start3A_46] : memref<128x128xf32, #tpu.memory_space<vmem>> -> memref<64x128xf32, #tpu.memory_space<vmem>>
      %dma_start3A_48 = arith.constant 0 : i32
      %dma_start3A_49 = tpu.memref_slice %arg12[%add3A_37, %dma_start3A_48] : memref<5120x128xf32, #tpu.memory_space<vmem_shared>> -> memref<64x128xf32, #tpu.memory_space<vmem_shared>>
      %dma_start3A_50 = arith.constant 0 : i32
      %dma_start3A_51 = arith.constant 0 : i32
      %dma_start3A_52 = tpu.memref_slice %arg10[%dma_start3A_50, %dma_start3A_51] : memref<128x128xf32, #tpu.memory_space<vmem>> -> memref<64x128xf32, #tpu.memory_space<vmem>>
      %dma_start3A_53 = arith.constant 0 : i32
      %dma_start3A_54 = tpu.memref_slice %arg12[%add3A_37, %dma_start3A_53] : memref<5120x128xf32, #tpu.memory_space<vmem_shared>> -> memref<64x128xf32, #tpu.memory_space<vmem_shared>>
      tpu.enqueue_dma source(%dma_start3A_54 : memref<64x128xf32, #tpu.memory_space<vmem_shared>>) target(%dma_start3A_52 : memref<64x128xf32, #tpu.memory_space<vmem>>) target_semaphore(%run_scoped3A : memref<!tpu.dma_semaphore, #tpu.memory_space<semaphore_mem>>)
      %dma_wait3A = arith.constant 0 : i32
      %dma_wait3A_55 = arith.constant 0 : i32
      %dma_wait3A_56 = tpu.memref_slice %arg10[%dma_wait3A, %dma_wait3A_55] : memref<128x128xf32, #tpu.memory_space<vmem>> -> memref<64x128xf32, #tpu.memory_space<vmem>>
      %dma_wait3A_57 = arith.constant 0 : i32
      %dma_wait3A_58 = tpu.memref_slice %arg12[%add3A_37, %dma_wait3A_57] : memref<5120x128xf32, #tpu.memory_space<vmem_shared>> -> memref<64x128xf32, #tpu.memory_space<vmem_shared>>
      %dma_wait3A_59 = arith.constant 0 : i32
      %dma_wait3A_60 = arith.constant 0 : i32
      %dma_wait3A_61 = tpu.memref_slice %arg10[%dma_wait3A_59, %dma_wait3A_60] : memref<128x128xf32, #tpu.memory_space<vmem>> -> memref<64x128xf32, #tpu.memory_space<vmem>>
      %dma_wait3A_62 = arith.constant 0 : i32
      %dma_wait3A_63 = tpu.memref_slice %arg12[%add3A_37, %dma_wait3A_62] : memref<5120x128xf32, #tpu.memory_space<vmem_shared>> -> memref<64x128xf32, #tpu.memory_space<vmem_shared>>
      tpu.wait_dma2 semaphore(%run_scoped3A : memref<!tpu.dma_semaphore, #tpu.memory_space<semaphore_mem>>) src(%dma_wait3A_63 : memref<64x128xf32, #tpu.memory_space<vmem_shared>>) dst(%dma_wait3A_61 : memref<64x128xf32, #tpu.memory_space<vmem>>)
      tpu.yield
    }) : () -> ()
    "tpu.region"() ({
      %run_scoped3A = tpu.sem_alloc : memref<!tpu.dma_semaphore, #tpu.memory_space<semaphore_mem>>
      %dma_start3A = arith.constant 0 : i32
      %dma_start3A_46 = arith.constant 0 : i32
      %dma_start3A_47 = tpu.memref_slice %arg10[%dma_start3A, %dma_start3A_46] : memref<128x128xf32, #tpu.memory_space<vmem>> -> memref<64x128xf32, #tpu.memory_space<vmem>>
      %dma_start3A_48 = arith.constant 0 : i32
      %dma_start3A_49 = tpu.memref_slice %arg6[%arg0, %add3A_37, %dma_start3A_48] : memref<2x5120x128xf32, #tpu.memory_space<hbm>> -> memref<1x64x128xf32, #tpu.memory_space<hbm>>
      %dma_start3A_50 = tpu.memref_squeeze %dma_start3A_49 : memref<1x64x128xf32, #tpu.memory_space<hbm>> -> memref<64x128xf32, #tpu.memory_space<hbm>>
      %dma_start3A_51 = arith.constant 0 : i32
      %dma_start3A_52 = tpu.memref_slice %arg6[%arg0, %add3A_37, %dma_start3A_51] : memref<2x5120x128xf32, #tpu.memory_space<hbm>> -> memref<1x64x128xf32, #tpu.memory_space<hbm>>
      %dma_start3A_53 = tpu.memref_squeeze %dma_start3A_52 : memref<1x64x128xf32, #tpu.memory_space<hbm>> -> memref<64x128xf32, #tpu.memory_space<hbm>>
      %dma_start3A_54 = arith.constant 0 : i32
      %dma_start3A_55 = arith.constant 0 : i32
      %dma_start3A_56 = tpu.memref_slice %arg10[%dma_start3A_54, %dma_start3A_55] : memref<128x128xf32, #tpu.memory_space<vmem>> -> memref<64x128xf32, #tpu.memory_space<vmem>>
      tpu.enqueue_dma source(%dma_start3A_56 : memref<64x128xf32, #tpu.memory_space<vmem>>) target(%dma_start3A_53 : memref<64x128xf32, #tpu.memory_space<hbm>>) target_semaphore(%run_scoped3A : memref<!tpu.dma_semaphore, #tpu.memory_space<semaphore_mem>>)
      %dma_wait3A = arith.constant 0 : i32
      %dma_wait3A_57 = arith.constant 0 : i32
      %dma_wait3A_58 = tpu.memref_slice %arg10[%dma_wait3A, %dma_wait3A_57] : memref<128x128xf32, #tpu.memory_space<vmem>> -> memref<64x128xf32, #tpu.memory_space<vmem>>
      %dma_wait3A_59 = arith.constant 0 : i32
      %dma_wait3A_60 = tpu.memref_slice %arg6[%arg0, %add3A_37, %dma_wait3A_59] : memref<2x5120x128xf32, #tpu.memory_space<hbm>> -> memref<1x64x128xf32, #tpu.memory_space<hbm>>
      %dma_wait3A_61 = tpu.memref_squeeze %dma_wait3A_60 : memref<1x64x128xf32, #tpu.memory_space<hbm>> -> memref<64x128xf32, #tpu.memory_space<hbm>>
      %dma_wait3A_62 = arith.constant 0 : i32
      %dma_wait3A_63 = tpu.memref_slice %arg6[%arg0, %add3A_37, %dma_wait3A_62] : memref<2x5120x128xf32, #tpu.memory_space<hbm>> -> memref<1x64x128xf32, #tpu.memory_space<hbm>>
      %dma_wait3A_64 = tpu.memref_squeeze %dma_wait3A_63 : memref<1x64x128xf32, #tpu.memory_space<hbm>> -> memref<64x128xf32, #tpu.memory_space<hbm>>
      %dma_wait3A_65 = arith.constant 0 : i32
      %dma_wait3A_66 = arith.constant 0 : i32
      %dma_wait3A_67 = tpu.memref_slice %arg10[%dma_wait3A_65, %dma_wait3A_66] : memref<128x128xf32, #tpu.memory_space<vmem>> -> memref<64x128xf32, #tpu.memory_space<vmem>>
      tpu.wait_dma2 semaphore(%run_scoped3A : memref<!tpu.dma_semaphore, #tpu.memory_space<semaphore_mem>>) src(%dma_wait3A_67 : memref<64x128xf32, #tpu.memory_space<vmem>>) dst(%dma_wait3A_64 : memref<64x128xf32, #tpu.memory_space<hbm>>)
      tpu.yield
    }) : () -> ()
    %add3A_38 = arith.constant 64 : i32
    %add3A_39 = arith.addi %mul3A_7, %add3A_38 : i32
    "tpu.region"() ({
      %run_scoped3A = tpu.sem_alloc : memref<!tpu.dma_semaphore, #tpu.memory_space<semaphore_mem>>
      %dma_start3A = arith.constant 0 : i32
      %dma_start3A_46 = arith.constant 0 : i32
      %dma_start3A_47 = tpu.memref_slice %arg9[%dma_start3A, %dma_start3A_46] : memref<128x128xf32, #tpu.memory_space<vmem>> -> memref<64x128xf32, #tpu.memory_space<vmem>>
      %dma_start3A_48 = arith.constant 0 : i32
      %dma_start3A_49 = tpu.memref_slice %arg11[%add3A_39, %dma_start3A_48] : memref<5120x128xf32, #tpu.memory_space<vmem_shared>> -> memref<64x128xf32, #tpu.memory_space<vmem_shared>>
      %dma_start3A_50 = arith.constant 0 : i32
      %dma_start3A_51 = arith.constant 0 : i32
      %dma_start3A_52 = tpu.memref_slice %arg9[%dma_start3A_50, %dma_start3A_51] : memref<128x128xf32, #tpu.memory_space<vmem>> -> memref<64x128xf32, #tpu.memory_space<vmem>>
      %dma_start3A_53 = arith.constant 0 : i32
      %dma_start3A_54 = tpu.memref_slice %arg11[%add3A_39, %dma_start3A_53] : memref<5120x128xf32, #tpu.memory_space<vmem_shared>> -> memref<64x128xf32, #tpu.memory_space<vmem_shared>>
      tpu.enqueue_dma source(%dma_start3A_54 : memref<64x128xf32, #tpu.memory_space<vmem_shared>>) target(%dma_start3A_52 : memref<64x128xf32, #tpu.memory_space<vmem>>) target_semaphore(%run_scoped3A : memref<!tpu.dma_semaphore, #tpu.memory_space<semaphore_mem>>)
      %dma_wait3A = arith.constant 0 : i32
      %dma_wait3A_55 = arith.constant 0 : i32
      %dma_wait3A_56 = tpu.memref_slice %arg9[%dma_wait3A, %dma_wait3A_55] : memref<128x128xf32, #tpu.memory_space<vmem>> -> memref<64x128xf32, #tpu.memory_space<vmem>>
      %dma_wait3A_57 = arith.constant 0 : i32
      %dma_wait3A_58 = tpu.memref_slice %arg11[%add3A_39, %dma_wait3A_57] : memref<5120x128xf32, #tpu.memory_space<vmem_shared>> -> memref<64x128xf32, #tpu.memory_space<vmem_shared>>
      %dma_wait3A_59 = arith.constant 0 : i32
      %dma_wait3A_60 = arith.constant 0 : i32
      %dma_wait3A_61 = tpu.memref_slice %arg9[%dma_wait3A_59, %dma_wait3A_60] : memref<128x128xf32, #tpu.memory_space<vmem>> -> memref<64x128xf32, #tpu.memory_space<vmem>>
      %dma_wait3A_62 = arith.constant 0 : i32
      %dma_wait3A_63 = tpu.memref_slice %arg11[%add3A_39, %dma_wait3A_62] : memref<5120x128xf32, #tpu.memory_space<vmem_shared>> -> memref<64x128xf32, #tpu.memory_space<vmem_shared>>
      tpu.wait_dma2 semaphore(%run_scoped3A : memref<!tpu.dma_semaphore, #tpu.memory_space<semaphore_mem>>) src(%dma_wait3A_63 : memref<64x128xf32, #tpu.memory_space<vmem_shared>>) dst(%dma_wait3A_61 : memref<64x128xf32, #tpu.memory_space<vmem>>)
      tpu.yield
    }) : () -> ()
    "tpu.region"() ({
      %run_scoped3A = tpu.sem_alloc : memref<!tpu.dma_semaphore, #tpu.memory_space<semaphore_mem>>
      %dma_start3A = arith.constant 0 : i32
      %dma_start3A_46 = arith.constant 0 : i32
      %dma_start3A_47 = tpu.memref_slice %arg9[%dma_start3A, %dma_start3A_46] : memref<128x128xf32, #tpu.memory_space<vmem>> -> memref<64x128xf32, #tpu.memory_space<vmem>>
      %dma_start3A_48 = arith.constant 0 : i32
      %dma_start3A_49 = tpu.memref_slice %arg5[%arg0, %add3A_39, %dma_start3A_48] : memref<2x5120x128xf32, #tpu.memory_space<hbm>> -> memref<1x64x128xf32, #tpu.memory_space<hbm>>
      %dma_start3A_50 = tpu.memref_squeeze %dma_start3A_49 : memref<1x64x128xf32, #tpu.memory_space<hbm>> -> memref<64x128xf32, #tpu.memory_space<hbm>>
      %dma_start3A_51 = arith.constant 0 : i32
      %dma_start3A_52 = tpu.memref_slice %arg5[%arg0, %add3A_39, %dma_start3A_51] : memref<2x5120x128xf32, #tpu.memory_space<hbm>> -> memref<1x64x128xf32, #tpu.memory_space<hbm>>
      %dma_start3A_53 = tpu.memref_squeeze %dma_start3A_52 : memref<1x64x128xf32, #tpu.memory_space<hbm>> -> memref<64x128xf32, #tpu.memory_space<hbm>>
      %dma_start3A_54 = arith.constant 0 : i32
      %dma_start3A_55 = arith.constant 0 : i32
      %dma_start3A_56 = tpu.memref_slice %arg9[%dma_start3A_54, %dma_start3A_55] : memref<128x128xf32, #tpu.memory_space<vmem>> -> memref<64x128xf32, #tpu.memory_space<vmem>>
      tpu.enqueue_dma source(%dma_start3A_56 : memref<64x128xf32, #tpu.memory_space<vmem>>) target(%dma_start3A_53 : memref<64x128xf32, #tpu.memory_space<hbm>>) target_semaphore(%run_scoped3A : memref<!tpu.dma_semaphore, #tpu.memory_space<semaphore_mem>>)
      %dma_wait3A = arith.constant 0 : i32
      %dma_wait3A_57 = arith.constant 0 : i32
      %dma_wait3A_58 = tpu.memref_slice %arg9[%dma_wait3A, %dma_wait3A_57] : memref<128x128xf32, #tpu.memory_space<vmem>> -> memref<64x128xf32, #tpu.memory_space<vmem>>
      %dma_wait3A_59 = arith.constant 0 : i32
      %dma_wait3A_60 = tpu.memref_slice %arg5[%arg0, %add3A_39, %dma_wait3A_59] : memref<2x5120x128xf32, #tpu.memory_space<hbm>> -> memref<1x64x128xf32, #tpu.memory_space<hbm>>
      %dma_wait3A_61 = tpu.memref_squeeze %dma_wait3A_60 : memref<1x64x128xf32, #tpu.memory_space<hbm>> -> memref<64x128xf32, #tpu.memory_space<hbm>>
      %dma_wait3A_62 = arith.constant 0 : i32
      %dma_wait3A_63 = tpu.memref_slice %arg5[%arg0, %add3A_39, %dma_wait3A_62] : memref<2x5120x128xf32, #tpu.memory_space<hbm>> -> memref<1x64x128xf32, #tpu.memory_space<hbm>>
      %dma_wait3A_64 = tpu.memref_squeeze %dma_wait3A_63 : memref<1x64x128xf32, #tpu.memory_space<hbm>> -> memref<64x128xf32, #tpu.memory_space<hbm>>
      %dma_wait3A_65 = arith.constant 0 : i32
      %dma_wait3A_66 = arith.constant 0 : i32
      %dma_wait3A_67 = tpu.memref_slice %arg9[%dma_wait3A_65, %dma_wait3A_66] : memref<128x128xf32, #tpu.memory_space<vmem>> -> memref<64x128xf32, #tpu.memory_space<vmem>>
      tpu.wait_dma2 semaphore(%run_scoped3A : memref<!tpu.dma_semaphore, #tpu.memory_space<semaphore_mem>>) src(%dma_wait3A_67 : memref<64x128xf32, #tpu.memory_space<vmem>>) dst(%dma_wait3A_64 : memref<64x128xf32, #tpu.memory_space<hbm>>)
      tpu.yield
    }) : () -> ()
    "tpu.region"() ({
      %run_scoped3A = tpu.sem_alloc : memref<!tpu.dma_semaphore, #tpu.memory_space<semaphore_mem>>
      %dma_start3A = arith.constant 0 : i32
      %dma_start3A_46 = arith.constant 0 : i32
      %dma_start3A_47 = tpu.memref_slice %arg10[%dma_start3A, %dma_start3A_46] : memref<128x128xf32, #tpu.memory_space<vmem>> -> memref<64x128xf32, #tpu.memory_space<vmem>>
      %dma_start3A_48 = arith.constant 0 : i32
      %dma_start3A_49 = tpu.memref_slice %arg12[%add3A_39, %dma_start3A_48] : memref<5120x128xf32, #tpu.memory_space<vmem_shared>> -> memref<64x128xf32, #tpu.memory_space<vmem_shared>>
      %dma_start3A_50 = arith.constant 0 : i32
      %dma_start3A_51 = arith.constant 0 : i32
      %dma_start3A_52 = tpu.memref_slice %arg10[%dma_start3A_50, %dma_start3A_51] : memref<128x128xf32, #tpu.memory_space<vmem>> -> memref<64x128xf32, #tpu.memory_space<vmem>>
      %dma_start3A_53 = arith.constant 0 : i32
      %dma_start3A_54 = tpu.memref_slice %arg12[%add3A_39, %dma_start3A_53] : memref<5120x128xf32, #tpu.memory_space<vmem_shared>> -> memref<64x128xf32, #tpu.memory_space<vmem_shared>>
      tpu.enqueue_dma source(%dma_start3A_54 : memref<64x128xf32, #tpu.memory_space<vmem_shared>>) target(%dma_start3A_52 : memref<64x128xf32, #tpu.memory_space<vmem>>) target_semaphore(%run_scoped3A : memref<!tpu.dma_semaphore, #tpu.memory_space<semaphore_mem>>)
      %dma_wait3A = arith.constant 0 : i32
      %dma_wait3A_55 = arith.constant 0 : i32
      %dma_wait3A_56 = tpu.memref_slice %arg10[%dma_wait3A, %dma_wait3A_55] : memref<128x128xf32, #tpu.memory_space<vmem>> -> memref<64x128xf32, #tpu.memory_space<vmem>>
      %dma_wait3A_57 = arith.constant 0 : i32
      %dma_wait3A_58 = tpu.memref_slice %arg12[%add3A_39, %dma_wait3A_57] : memref<5120x128xf32, #tpu.memory_space<vmem_shared>> -> memref<64x128xf32, #tpu.memory_space<vmem_shared>>
      %dma_wait3A_59 = arith.constant 0 : i32
      %dma_wait3A_60 = arith.constant 0 : i32
      %dma_wait3A_61 = tpu.memref_slice %arg10[%dma_wait3A_59, %dma_wait3A_60] : memref<128x128xf32, #tpu.memory_space<vmem>> -> memref<64x128xf32, #tpu.memory_space<vmem>>
      %dma_wait3A_62 = arith.constant 0 : i32
      %dma_wait3A_63 = tpu.memref_slice %arg12[%add3A_39, %dma_wait3A_62] : memref<5120x128xf32, #tpu.memory_space<vmem_shared>> -> memref<64x128xf32, #tpu.memory_space<vmem_shared>>
      tpu.wait_dma2 semaphore(%run_scoped3A : memref<!tpu.dma_semaphore, #tpu.memory_space<semaphore_mem>>) src(%dma_wait3A_63 : memref<64x128xf32, #tpu.memory_space<vmem_shared>>) dst(%dma_wait3A_61 : memref<64x128xf32, #tpu.memory_space<vmem>>)
      tpu.yield
    }) : () -> ()
    "tpu.region"() ({
      %run_scoped3A = tpu.sem_alloc : memref<!tpu.dma_semaphore, #tpu.memory_space<semaphore_mem>>
      %dma_start3A = arith.constant 0 : i32
      %dma_start3A_46 = arith.constant 0 : i32
      %dma_start3A_47 = tpu.memref_slice %arg10[%dma_start3A, %dma_start3A_46] : memref<128x128xf32, #tpu.memory_space<vmem>> -> memref<64x128xf32, #tpu.memory_space<vmem>>
      %dma_start3A_48 = arith.constant 0 : i32
      %dma_start3A_49 = tpu.memref_slice %arg6[%arg0, %add3A_39, %dma_start3A_48] : memref<2x5120x128xf32, #tpu.memory_space<hbm>> -> memref<1x64x128xf32, #tpu.memory_space<hbm>>
      %dma_start3A_50 = tpu.memref_squeeze %dma_start3A_49 : memref<1x64x128xf32, #tpu.memory_space<hbm>> -> memref<64x128xf32, #tpu.memory_space<hbm>>
      %dma_start3A_51 = arith.constant 0 : i32
      %dma_start3A_52 = tpu.memref_slice %arg6[%arg0, %add3A_39, %dma_start3A_51] : memref<2x5120x128xf32, #tpu.memory_space<hbm>> -> memref<1x64x128xf32, #tpu.memory_space<hbm>>
      %dma_start3A_53 = tpu.memref_squeeze %dma_start3A_52 : memref<1x64x128xf32, #tpu.memory_space<hbm>> -> memref<64x128xf32, #tpu.memory_space<hbm>>
      %dma_start3A_54 = arith.constant 0 : i32
      %dma_start3A_55 = arith.constant 0 : i32
      %dma_start3A_56 = tpu.memref_slice %arg10[%dma_start3A_54, %dma_start3A_55] : memref<128x128xf32, #tpu.memory_space<vmem>> -> memref<64x128xf32, #tpu.memory_space<vmem>>
      tpu.enqueue_dma source(%dma_start3A_56 : memref<64x128xf32, #tpu.memory_space<vmem>>) target(%dma_start3A_53 : memref<64x128xf32, #tpu.memory_space<hbm>>) target_semaphore(%run_scoped3A : memref<!tpu.dma_semaphore, #tpu.memory_space<semaphore_mem>>)
      %dma_wait3A = arith.constant 0 : i32
      %dma_wait3A_57 = arith.constant 0 : i32
      %dma_wait3A_58 = tpu.memref_slice %arg10[%dma_wait3A, %dma_wait3A_57] : memref<128x128xf32, #tpu.memory_space<vmem>> -> memref<64x128xf32, #tpu.memory_space<vmem>>
      %dma_wait3A_59 = arith.constant 0 : i32
      %dma_wait3A_60 = tpu.memref_slice %arg6[%arg0, %add3A_39, %dma_wait3A_59] : memref<2x5120x128xf32, #tpu.memory_space<hbm>> -> memref<1x64x128xf32, #tpu.memory_space<hbm>>
      %dma_wait3A_61 = tpu.memref_squeeze %dma_wait3A_60 : memref<1x64x128xf32, #tpu.memory_space<hbm>> -> memref<64x128xf32, #tpu.memory_space<hbm>>
      %dma_wait3A_62 = arith.constant 0 : i32
      %dma_wait3A_63 = tpu.memref_slice %arg6[%arg0, %add3A_39, %dma_wait3A_62] : memref<2x5120x128xf32, #tpu.memory_space<hbm>> -> memref<1x64x128xf32, #tpu.memory_space<hbm>>
      %dma_wait3A_64 = tpu.memref_squeeze %dma_wait3A_63 : memref<1x64x128xf32, #tpu.memory_space<hbm>> -> memref<64x128xf32, #tpu.memory_space<hbm>>
      %dma_wait3A_65 = arith.constant 0 : i32
      %dma_wait3A_66 = arith.constant 0 : i32
      %dma_wait3A_67 = tpu.memref_slice %arg10[%dma_wait3A_65, %dma_wait3A_66] : memref<128x128xf32, #tpu.memory_space<vmem>> -> memref<64x128xf32, #tpu.memory_space<vmem>>
      tpu.wait_dma2 semaphore(%run_scoped3A : memref<!tpu.dma_semaphore, #tpu.memory_space<semaphore_mem>>) src(%dma_wait3A_67 : memref<64x128xf32, #tpu.memory_space<vmem>>) dst(%dma_wait3A_64 : memref<64x128xf32, #tpu.memory_space<hbm>>)
      tpu.yield
    }) : () -> ()
    %add3A_40 = arith.constant 128 : i32
    %add3A_41 = arith.addi %mul3A_7, %add3A_40 : i32
    "tpu.region"() ({
      %run_scoped3A = tpu.sem_alloc : memref<!tpu.dma_semaphore, #tpu.memory_space<semaphore_mem>>
      %dma_start3A = arith.constant 0 : i32
      %dma_start3A_46 = arith.constant 0 : i32
      %dma_start3A_47 = tpu.memref_slice %arg9[%dma_start3A, %dma_start3A_46] : memref<128x128xf32, #tpu.memory_space<vmem>> -> memref<64x128xf32, #tpu.memory_space<vmem>>
      %dma_start3A_48 = arith.constant 0 : i32
      %dma_start3A_49 = tpu.memref_slice %arg11[%add3A_41, %dma_start3A_48] : memref<5120x128xf32, #tpu.memory_space<vmem_shared>> -> memref<64x128xf32, #tpu.memory_space<vmem_shared>>
      %dma_start3A_50 = arith.constant 0 : i32
      %dma_start3A_51 = arith.constant 0 : i32
      %dma_start3A_52 = tpu.memref_slice %arg9[%dma_start3A_50, %dma_start3A_51] : memref<128x128xf32, #tpu.memory_space<vmem>> -> memref<64x128xf32, #tpu.memory_space<vmem>>
      %dma_start3A_53 = arith.constant 0 : i32
      %dma_start3A_54 = tpu.memref_slice %arg11[%add3A_41, %dma_start3A_53] : memref<5120x128xf32, #tpu.memory_space<vmem_shared>> -> memref<64x128xf32, #tpu.memory_space<vmem_shared>>
      tpu.enqueue_dma source(%dma_start3A_54 : memref<64x128xf32, #tpu.memory_space<vmem_shared>>) target(%dma_start3A_52 : memref<64x128xf32, #tpu.memory_space<vmem>>) target_semaphore(%run_scoped3A : memref<!tpu.dma_semaphore, #tpu.memory_space<semaphore_mem>>)
      %dma_wait3A = arith.constant 0 : i32
      %dma_wait3A_55 = arith.constant 0 : i32
      %dma_wait3A_56 = tpu.memref_slice %arg9[%dma_wait3A, %dma_wait3A_55] : memref<128x128xf32, #tpu.memory_space<vmem>> -> memref<64x128xf32, #tpu.memory_space<vmem>>
      %dma_wait3A_57 = arith.constant 0 : i32
      %dma_wait3A_58 = tpu.memref_slice %arg11[%add3A_41, %dma_wait3A_57] : memref<5120x128xf32, #tpu.memory_space<vmem_shared>> -> memref<64x128xf32, #tpu.memory_space<vmem_shared>>
      %dma_wait3A_59 = arith.constant 0 : i32
      %dma_wait3A_60 = arith.constant 0 : i32
      %dma_wait3A_61 = tpu.memref_slice %arg9[%dma_wait3A_59, %dma_wait3A_60] : memref<128x128xf32, #tpu.memory_space<vmem>> -> memref<64x128xf32, #tpu.memory_space<vmem>>
      %dma_wait3A_62 = arith.constant 0 : i32
      %dma_wait3A_63 = tpu.memref_slice %arg11[%add3A_41, %dma_wait3A_62] : memref<5120x128xf32, #tpu.memory_space<vmem_shared>> -> memref<64x128xf32, #tpu.memory_space<vmem_shared>>
      tpu.wait_dma2 semaphore(%run_scoped3A : memref<!tpu.dma_semaphore, #tpu.memory_space<semaphore_mem>>) src(%dma_wait3A_63 : memref<64x128xf32, #tpu.memory_space<vmem_shared>>) dst(%dma_wait3A_61 : memref<64x128xf32, #tpu.memory_space<vmem>>)
      tpu.yield
    }) : () -> ()
    "tpu.region"() ({
      %run_scoped3A = tpu.sem_alloc : memref<!tpu.dma_semaphore, #tpu.memory_space<semaphore_mem>>
      %dma_start3A = arith.constant 0 : i32
      %dma_start3A_46 = arith.constant 0 : i32
      %dma_start3A_47 = tpu.memref_slice %arg9[%dma_start3A, %dma_start3A_46] : memref<128x128xf32, #tpu.memory_space<vmem>> -> memref<64x128xf32, #tpu.memory_space<vmem>>
      %dma_start3A_48 = arith.constant 0 : i32
      %dma_start3A_49 = tpu.memref_slice %arg5[%arg0, %add3A_41, %dma_start3A_48] : memref<2x5120x128xf32, #tpu.memory_space<hbm>> -> memref<1x64x128xf32, #tpu.memory_space<hbm>>
      %dma_start3A_50 = tpu.memref_squeeze %dma_start3A_49 : memref<1x64x128xf32, #tpu.memory_space<hbm>> -> memref<64x128xf32, #tpu.memory_space<hbm>>
      %dma_start3A_51 = arith.constant 0 : i32
      %dma_start3A_52 = tpu.memref_slice %arg5[%arg0, %add3A_41, %dma_start3A_51] : memref<2x5120x128xf32, #tpu.memory_space<hbm>> -> memref<1x64x128xf32, #tpu.memory_space<hbm>>
      %dma_start3A_53 = tpu.memref_squeeze %dma_start3A_52 : memref<1x64x128xf32, #tpu.memory_space<hbm>> -> memref<64x128xf32, #tpu.memory_space<hbm>>
      %dma_start3A_54 = arith.constant 0 : i32
      %dma_start3A_55 = arith.constant 0 : i32
      %dma_start3A_56 = tpu.memref_slice %arg9[%dma_start3A_54, %dma_start3A_55] : memref<128x128xf32, #tpu.memory_space<vmem>> -> memref<64x128xf32, #tpu.memory_space<vmem>>
      tpu.enqueue_dma source(%dma_start3A_56 : memref<64x128xf32, #tpu.memory_space<vmem>>) target(%dma_start3A_53 : memref<64x128xf32, #tpu.memory_space<hbm>>) target_semaphore(%run_scoped3A : memref<!tpu.dma_semaphore, #tpu.memory_space<semaphore_mem>>)
      %dma_wait3A = arith.constant 0 : i32
      %dma_wait3A_57 = arith.constant 0 : i32
      %dma_wait3A_58 = tpu.memref_slice %arg9[%dma_wait3A, %dma_wait3A_57] : memref<128x128xf32, #tpu.memory_space<vmem>> -> memref<64x128xf32, #tpu.memory_space<vmem>>
      %dma_wait3A_59 = arith.constant 0 : i32
      %dma_wait3A_60 = tpu.memref_slice %arg5[%arg0, %add3A_41, %dma_wait3A_59] : memref<2x5120x128xf32, #tpu.memory_space<hbm>> -> memref<1x64x128xf32, #tpu.memory_space<hbm>>
      %dma_wait3A_61 = tpu.memref_squeeze %dma_wait3A_60 : memref<1x64x128xf32, #tpu.memory_space<hbm>> -> memref<64x128xf32, #tpu.memory_space<hbm>>
      %dma_wait3A_62 = arith.constant 0 : i32
      %dma_wait3A_63 = tpu.memref_slice %arg5[%arg0, %add3A_41, %dma_wait3A_62] : memref<2x5120x128xf32, #tpu.memory_space<hbm>> -> memref<1x64x128xf32, #tpu.memory_space<hbm>>
      %dma_wait3A_64 = tpu.memref_squeeze %dma_wait3A_63 : memref<1x64x128xf32, #tpu.memory_space<hbm>> -> memref<64x128xf32, #tpu.memory_space<hbm>>
      %dma_wait3A_65 = arith.constant 0 : i32
      %dma_wait3A_66 = arith.constant 0 : i32
      %dma_wait3A_67 = tpu.memref_slice %arg9[%dma_wait3A_65, %dma_wait3A_66] : memref<128x128xf32, #tpu.memory_space<vmem>> -> memref<64x128xf32, #tpu.memory_space<vmem>>
      tpu.wait_dma2 semaphore(%run_scoped3A : memref<!tpu.dma_semaphore, #tpu.memory_space<semaphore_mem>>) src(%dma_wait3A_67 : memref<64x128xf32, #tpu.memory_space<vmem>>) dst(%dma_wait3A_64 : memref<64x128xf32, #tpu.memory_space<hbm>>)
      tpu.yield
    }) : () -> ()
    "tpu.region"() ({
      %run_scoped3A = tpu.sem_alloc : memref<!tpu.dma_semaphore, #tpu.memory_space<semaphore_mem>>
      %dma_start3A = arith.constant 0 : i32
      %dma_start3A_46 = arith.constant 0 : i32
      %dma_start3A_47 = tpu.memref_slice %arg10[%dma_start3A, %dma_start3A_46] : memref<128x128xf32, #tpu.memory_space<vmem>> -> memref<64x128xf32, #tpu.memory_space<vmem>>
      %dma_start3A_48 = arith.constant 0 : i32
      %dma_start3A_49 = tpu.memref_slice %arg12[%add3A_41, %dma_start3A_48] : memref<5120x128xf32, #tpu.memory_space<vmem_shared>> -> memref<64x128xf32, #tpu.memory_space<vmem_shared>>
      %dma_start3A_50 = arith.constant 0 : i32
      %dma_start3A_51 = arith.constant 0 : i32
      %dma_start3A_52 = tpu.memref_slice %arg10[%dma_start3A_50, %dma_start3A_51] : memref<128x128xf32, #tpu.memory_space<vmem>> -> memref<64x128xf32, #tpu.memory_space<vmem>>
      %dma_start3A_53 = arith.constant 0 : i32
      %dma_start3A_54 = tpu.memref_slice %arg12[%add3A_41, %dma_start3A_53] : memref<5120x128xf32, #tpu.memory_space<vmem_shared>> -> memref<64x128xf32, #tpu.memory_space<vmem_shared>>
      tpu.enqueue_dma source(%dma_start3A_54 : memref<64x128xf32, #tpu.memory_space<vmem_shared>>) target(%dma_start3A_52 : memref<64x128xf32, #tpu.memory_space<vmem>>) target_semaphore(%run_scoped3A : memref<!tpu.dma_semaphore, #tpu.memory_space<semaphore_mem>>)
      %dma_wait3A = arith.constant 0 : i32
      %dma_wait3A_55 = arith.constant 0 : i32
      %dma_wait3A_56 = tpu.memref_slice %arg10[%dma_wait3A, %dma_wait3A_55] : memref<128x128xf32, #tpu.memory_space<vmem>> -> memref<64x128xf32, #tpu.memory_space<vmem>>
      %dma_wait3A_57 = arith.constant 0 : i32
      %dma_wait3A_58 = tpu.memref_slice %arg12[%add3A_41, %dma_wait3A_57] : memref<5120x128xf32, #tpu.memory_space<vmem_shared>> -> memref<64x128xf32, #tpu.memory_space<vmem_shared>>
      %dma_wait3A_59 = arith.constant 0 : i32
      %dma_wait3A_60 = arith.constant 0 : i32
      %dma_wait3A_61 = tpu.memref_slice %arg10[%dma_wait3A_59, %dma_wait3A_60] : memref<128x128xf32, #tpu.memory_space<vmem>> -> memref<64x128xf32, #tpu.memory_space<vmem>>
      %dma_wait3A_62 = arith.constant 0 : i32
      %dma_wait3A_63 = tpu.memref_slice %arg12[%add3A_41, %dma_wait3A_62] : memref<5120x128xf32, #tpu.memory_space<vmem_shared>> -> memref<64x128xf32, #tpu.memory_space<vmem_shared>>
      tpu.wait_dma2 semaphore(%run_scoped3A : memref<!tpu.dma_semaphore, #tpu.memory_space<semaphore_mem>>) src(%dma_wait3A_63 : memref<64x128xf32, #tpu.memory_space<vmem_shared>>) dst(%dma_wait3A_61 : memref<64x128xf32, #tpu.memory_space<vmem>>)
      tpu.yield
    }) : () -> ()
    "tpu.region"() ({
      %run_scoped3A = tpu.sem_alloc : memref<!tpu.dma_semaphore, #tpu.memory_space<semaphore_mem>>
      %dma_start3A = arith.constant 0 : i32
      %dma_start3A_46 = arith.constant 0 : i32
      %dma_start3A_47 = tpu.memref_slice %arg10[%dma_start3A, %dma_start3A_46] : memref<128x128xf32, #tpu.memory_space<vmem>> -> memref<64x128xf32, #tpu.memory_space<vmem>>
      %dma_start3A_48 = arith.constant 0 : i32
      %dma_start3A_49 = tpu.memref_slice %arg6[%arg0, %add3A_41, %dma_start3A_48] : memref<2x5120x128xf32, #tpu.memory_space<hbm>> -> memref<1x64x128xf32, #tpu.memory_space<hbm>>
      %dma_start3A_50 = tpu.memref_squeeze %dma_start3A_49 : memref<1x64x128xf32, #tpu.memory_space<hbm>> -> memref<64x128xf32, #tpu.memory_space<hbm>>
      %dma_start3A_51 = arith.constant 0 : i32
      %dma_start3A_52 = tpu.memref_slice %arg6[%arg0, %add3A_41, %dma_start3A_51] : memref<2x5120x128xf32, #tpu.memory_space<hbm>> -> memref<1x64x128xf32, #tpu.memory_space<hbm>>
      %dma_start3A_53 = tpu.memref_squeeze %dma_start3A_52 : memref<1x64x128xf32, #tpu.memory_space<hbm>> -> memref<64x128xf32, #tpu.memory_space<hbm>>
      %dma_start3A_54 = arith.constant 0 : i32
      %dma_start3A_55 = arith.constant 0 : i32
      %dma_start3A_56 = tpu.memref_slice %arg10[%dma_start3A_54, %dma_start3A_55] : memref<128x128xf32, #tpu.memory_space<vmem>> -> memref<64x128xf32, #tpu.memory_space<vmem>>
      tpu.enqueue_dma source(%dma_start3A_56 : memref<64x128xf32, #tpu.memory_space<vmem>>) target(%dma_start3A_53 : memref<64x128xf32, #tpu.memory_space<hbm>>) target_semaphore(%run_scoped3A : memref<!tpu.dma_semaphore, #tpu.memory_space<semaphore_mem>>)
      %dma_wait3A = arith.constant 0 : i32
      %dma_wait3A_57 = arith.constant 0 : i32
      %dma_wait3A_58 = tpu.memref_slice %arg10[%dma_wait3A, %dma_wait3A_57] : memref<128x128xf32, #tpu.memory_space<vmem>> -> memref<64x128xf32, #tpu.memory_space<vmem>>
      %dma_wait3A_59 = arith.constant 0 : i32
      %dma_wait3A_60 = tpu.memref_slice %arg6[%arg0, %add3A_41, %dma_wait3A_59] : memref<2x5120x128xf32, #tpu.memory_space<hbm>> -> memref<1x64x128xf32, #tpu.memory_space<hbm>>
      %dma_wait3A_61 = tpu.memref_squeeze %dma_wait3A_60 : memref<1x64x128xf32, #tpu.memory_space<hbm>> -> memref<64x128xf32, #tpu.memory_space<hbm>>
      %dma_wait3A_62 = arith.constant 0 : i32
      %dma_wait3A_63 = tpu.memref_slice %arg6[%arg0, %add3A_41, %dma_wait3A_62] : memref<2x5120x128xf32, #tpu.memory_space<hbm>> -> memref<1x64x128xf32, #tpu.memory_space<hbm>>
      %dma_wait3A_64 = tpu.memref_squeeze %dma_wait3A_63 : memref<1x64x128xf32, #tpu.memory_space<hbm>> -> memref<64x128xf32, #tpu.memory_space<hbm>>
      %dma_wait3A_65 = arith.constant 0 : i32
      %dma_wait3A_66 = arith.constant 0 : i32
      %dma_wait3A_67 = tpu.memref_slice %arg10[%dma_wait3A_65, %dma_wait3A_66] : memref<128x128xf32, #tpu.memory_space<vmem>> -> memref<64x128xf32, #tpu.memory_space<vmem>>
      tpu.wait_dma2 semaphore(%run_scoped3A : memref<!tpu.dma_semaphore, #tpu.memory_space<semaphore_mem>>) src(%dma_wait3A_67 : memref<64x128xf32, #tpu.memory_space<vmem>>) dst(%dma_wait3A_64 : memref<64x128xf32, #tpu.memory_space<hbm>>)
      tpu.yield
    }) : () -> ()
    %add3A_42 = arith.constant 192 : i32
    %add3A_43 = arith.addi %mul3A_7, %add3A_42 : i32
    "tpu.region"() ({
      %run_scoped3A = tpu.sem_alloc : memref<!tpu.dma_semaphore, #tpu.memory_space<semaphore_mem>>
      %dma_start3A = arith.constant 0 : i32
      %dma_start3A_46 = arith.constant 0 : i32
      %dma_start3A_47 = tpu.memref_slice %arg9[%dma_start3A, %dma_start3A_46] : memref<128x128xf32, #tpu.memory_space<vmem>> -> memref<64x128xf32, #tpu.memory_space<vmem>>
      %dma_start3A_48 = arith.constant 0 : i32
      %dma_start3A_49 = tpu.memref_slice %arg11[%add3A_43, %dma_start3A_48] : memref<5120x128xf32, #tpu.memory_space<vmem_shared>> -> memref<64x128xf32, #tpu.memory_space<vmem_shared>>
      %dma_start3A_50 = arith.constant 0 : i32
      %dma_start3A_51 = arith.constant 0 : i32
      %dma_start3A_52 = tpu.memref_slice %arg9[%dma_start3A_50, %dma_start3A_51] : memref<128x128xf32, #tpu.memory_space<vmem>> -> memref<64x128xf32, #tpu.memory_space<vmem>>
      %dma_start3A_53 = arith.constant 0 : i32
      %dma_start3A_54 = tpu.memref_slice %arg11[%add3A_43, %dma_start3A_53] : memref<5120x128xf32, #tpu.memory_space<vmem_shared>> -> memref<64x128xf32, #tpu.memory_space<vmem_shared>>
      tpu.enqueue_dma source(%dma_start3A_54 : memref<64x128xf32, #tpu.memory_space<vmem_shared>>) target(%dma_start3A_52 : memref<64x128xf32, #tpu.memory_space<vmem>>) target_semaphore(%run_scoped3A : memref<!tpu.dma_semaphore, #tpu.memory_space<semaphore_mem>>)
      %dma_wait3A = arith.constant 0 : i32
      %dma_wait3A_55 = arith.constant 0 : i32
      %dma_wait3A_56 = tpu.memref_slice %arg9[%dma_wait3A, %dma_wait3A_55] : memref<128x128xf32, #tpu.memory_space<vmem>> -> memref<64x128xf32, #tpu.memory_space<vmem>>
      %dma_wait3A_57 = arith.constant 0 : i32
      %dma_wait3A_58 = tpu.memref_slice %arg11[%add3A_43, %dma_wait3A_57] : memref<5120x128xf32, #tpu.memory_space<vmem_shared>> -> memref<64x128xf32, #tpu.memory_space<vmem_shared>>
      %dma_wait3A_59 = arith.constant 0 : i32
      %dma_wait3A_60 = arith.constant 0 : i32
      %dma_wait3A_61 = tpu.memref_slice %arg9[%dma_wait3A_59, %dma_wait3A_60] : memref<128x128xf32, #tpu.memory_space<vmem>> -> memref<64x128xf32, #tpu.memory_space<vmem>>
      %dma_wait3A_62 = arith.constant 0 : i32
      %dma_wait3A_63 = tpu.memref_slice %arg11[%add3A_43, %dma_wait3A_62] : memref<5120x128xf32, #tpu.memory_space<vmem_shared>> -> memref<64x128xf32, #tpu.memory_space<vmem_shared>>
      tpu.wait_dma2 semaphore(%run_scoped3A : memref<!tpu.dma_semaphore, #tpu.memory_space<semaphore_mem>>) src(%dma_wait3A_63 : memref<64x128xf32, #tpu.memory_space<vmem_shared>>) dst(%dma_wait3A_61 : memref<64x128xf32, #tpu.memory_space<vmem>>)
      tpu.yield
    }) : () -> ()
    "tpu.region"() ({
      %run_scoped3A = tpu.sem_alloc : memref<!tpu.dma_semaphore, #tpu.memory_space<semaphore_mem>>
      %dma_start3A = arith.constant 0 : i32
      %dma_start3A_46 = arith.constant 0 : i32
      %dma_start3A_47 = tpu.memref_slice %arg9[%dma_start3A, %dma_start3A_46] : memref<128x128xf32, #tpu.memory_space<vmem>> -> memref<64x128xf32, #tpu.memory_space<vmem>>
      %dma_start3A_48 = arith.constant 0 : i32
      %dma_start3A_49 = tpu.memref_slice %arg5[%arg0, %add3A_43, %dma_start3A_48] : memref<2x5120x128xf32, #tpu.memory_space<hbm>> -> memref<1x64x128xf32, #tpu.memory_space<hbm>>
      %dma_start3A_50 = tpu.memref_squeeze %dma_start3A_49 : memref<1x64x128xf32, #tpu.memory_space<hbm>> -> memref<64x128xf32, #tpu.memory_space<hbm>>
      %dma_start3A_51 = arith.constant 0 : i32
      %dma_start3A_52 = tpu.memref_slice %arg5[%arg0, %add3A_43, %dma_start3A_51] : memref<2x5120x128xf32, #tpu.memory_space<hbm>> -> memref<1x64x128xf32, #tpu.memory_space<hbm>>
      %dma_start3A_53 = tpu.memref_squeeze %dma_start3A_52 : memref<1x64x128xf32, #tpu.memory_space<hbm>> -> memref<64x128xf32, #tpu.memory_space<hbm>>
      %dma_start3A_54 = arith.constant 0 : i32
      %dma_start3A_55 = arith.constant 0 : i32
      %dma_start3A_56 = tpu.memref_slice %arg9[%dma_start3A_54, %dma_start3A_55] : memref<128x128xf32, #tpu.memory_space<vmem>> -> memref<64x128xf32, #tpu.memory_space<vmem>>
      tpu.enqueue_dma source(%dma_start3A_56 : memref<64x128xf32, #tpu.memory_space<vmem>>) target(%dma_start3A_53 : memref<64x128xf32, #tpu.memory_space<hbm>>) target_semaphore(%run_scoped3A : memref<!tpu.dma_semaphore, #tpu.memory_space<semaphore_mem>>)
      %dma_wait3A = arith.constant 0 : i32
      %dma_wait3A_57 = arith.constant 0 : i32
      %dma_wait3A_58 = tpu.memref_slice %arg9[%dma_wait3A, %dma_wait3A_57] : memref<128x128xf32, #tpu.memory_space<vmem>> -> memref<64x128xf32, #tpu.memory_space<vmem>>
      %dma_wait3A_59 = arith.constant 0 : i32
      %dma_wait3A_60 = tpu.memref_slice %arg5[%arg0, %add3A_43, %dma_wait3A_59] : memref<2x5120x128xf32, #tpu.memory_space<hbm>> -> memref<1x64x128xf32, #tpu.memory_space<hbm>>
      %dma_wait3A_61 = tpu.memref_squeeze %dma_wait3A_60 : memref<1x64x128xf32, #tpu.memory_space<hbm>> -> memref<64x128xf32, #tpu.memory_space<hbm>>
      %dma_wait3A_62 = arith.constant 0 : i32
      %dma_wait3A_63 = tpu.memref_slice %arg5[%arg0, %add3A_43, %dma_wait3A_62] : memref<2x5120x128xf32, #tpu.memory_space<hbm>> -> memref<1x64x128xf32, #tpu.memory_space<hbm>>
      %dma_wait3A_64 = tpu.memref_squeeze %dma_wait3A_63 : memref<1x64x128xf32, #tpu.memory_space<hbm>> -> memref<64x128xf32, #tpu.memory_space<hbm>>
      %dma_wait3A_65 = arith.constant 0 : i32
      %dma_wait3A_66 = arith.constant 0 : i32
      %dma_wait3A_67 = tpu.memref_slice %arg9[%dma_wait3A_65, %dma_wait3A_66] : memref<128x128xf32, #tpu.memory_space<vmem>> -> memref<64x128xf32, #tpu.memory_space<vmem>>
      tpu.wait_dma2 semaphore(%run_scoped3A : memref<!tpu.dma_semaphore, #tpu.memory_space<semaphore_mem>>) src(%dma_wait3A_67 : memref<64x128xf32, #tpu.memory_space<vmem>>) dst(%dma_wait3A_64 : memref<64x128xf32, #tpu.memory_space<hbm>>)
      tpu.yield
    }) : () -> ()
    "tpu.region"() ({
      %run_scoped3A = tpu.sem_alloc : memref<!tpu.dma_semaphore, #tpu.memory_space<semaphore_mem>>
      %dma_start3A = arith.constant 0 : i32
      %dma_start3A_46 = arith.constant 0 : i32
      %dma_start3A_47 = tpu.memref_slice %arg10[%dma_start3A, %dma_start3A_46] : memref<128x128xf32, #tpu.memory_space<vmem>> -> memref<64x128xf32, #tpu.memory_space<vmem>>
      %dma_start3A_48 = arith.constant 0 : i32
      %dma_start3A_49 = tpu.memref_slice %arg12[%add3A_43, %dma_start3A_48] : memref<5120x128xf32, #tpu.memory_space<vmem_shared>> -> memref<64x128xf32, #tpu.memory_space<vmem_shared>>
      %dma_start3A_50 = arith.constant 0 : i32
      %dma_start3A_51 = arith.constant 0 : i32
      %dma_start3A_52 = tpu.memref_slice %arg10[%dma_start3A_50, %dma_start3A_51] : memref<128x128xf32, #tpu.memory_space<vmem>> -> memref<64x128xf32, #tpu.memory_space<vmem>>
      %dma_start3A_53 = arith.constant 0 : i32
      %dma_start3A_54 = tpu.memref_slice %arg12[%add3A_43, %dma_start3A_53] : memref<5120x128xf32, #tpu.memory_space<vmem_shared>> -> memref<64x128xf32, #tpu.memory_space<vmem_shared>>
      tpu.enqueue_dma source(%dma_start3A_54 : memref<64x128xf32, #tpu.memory_space<vmem_shared>>) target(%dma_start3A_52 : memref<64x128xf32, #tpu.memory_space<vmem>>) target_semaphore(%run_scoped3A : memref<!tpu.dma_semaphore, #tpu.memory_space<semaphore_mem>>)
      %dma_wait3A = arith.constant 0 : i32
      %dma_wait3A_55 = arith.constant 0 : i32
      %dma_wait3A_56 = tpu.memref_slice %arg10[%dma_wait3A, %dma_wait3A_55] : memref<128x128xf32, #tpu.memory_space<vmem>> -> memref<64x128xf32, #tpu.memory_space<vmem>>
      %dma_wait3A_57 = arith.constant 0 : i32
      %dma_wait3A_58 = tpu.memref_slice %arg12[%add3A_43, %dma_wait3A_57] : memref<5120x128xf32, #tpu.memory_space<vmem_shared>> -> memref<64x128xf32, #tpu.memory_space<vmem_shared>>
      %dma_wait3A_59 = arith.constant 0 : i32
      %dma_wait3A_60 = arith.constant 0 : i32
      %dma_wait3A_61 = tpu.memref_slice %arg10[%dma_wait3A_59, %dma_wait3A_60] : memref<128x128xf32, #tpu.memory_space<vmem>> -> memref<64x128xf32, #tpu.memory_space<vmem>>
      %dma_wait3A_62 = arith.constant 0 : i32
      %dma_wait3A_63 = tpu.memref_slice %arg12[%add3A_43, %dma_wait3A_62] : memref<5120x128xf32, #tpu.memory_space<vmem_shared>> -> memref<64x128xf32, #tpu.memory_space<vmem_shared>>
      tpu.wait_dma2 semaphore(%run_scoped3A : memref<!tpu.dma_semaphore, #tpu.memory_space<semaphore_mem>>) src(%dma_wait3A_63 : memref<64x128xf32, #tpu.memory_space<vmem_shared>>) dst(%dma_wait3A_61 : memref<64x128xf32, #tpu.memory_space<vmem>>)
      tpu.yield
    }) : () -> ()
    "tpu.region"() ({
      %run_scoped3A = tpu.sem_alloc : memref<!tpu.dma_semaphore, #tpu.memory_space<semaphore_mem>>
      %dma_start3A = arith.constant 0 : i32
      %dma_start3A_46 = arith.constant 0 : i32
      %dma_start3A_47 = tpu.memref_slice %arg10[%dma_start3A, %dma_start3A_46] : memref<128x128xf32, #tpu.memory_space<vmem>> -> memref<64x128xf32, #tpu.memory_space<vmem>>
      %dma_start3A_48 = arith.constant 0 : i32
      %dma_start3A_49 = tpu.memref_slice %arg6[%arg0, %add3A_43, %dma_start3A_48] : memref<2x5120x128xf32, #tpu.memory_space<hbm>> -> memref<1x64x128xf32, #tpu.memory_space<hbm>>
      %dma_start3A_50 = tpu.memref_squeeze %dma_start3A_49 : memref<1x64x128xf32, #tpu.memory_space<hbm>> -> memref<64x128xf32, #tpu.memory_space<hbm>>
      %dma_start3A_51 = arith.constant 0 : i32
      %dma_start3A_52 = tpu.memref_slice %arg6[%arg0, %add3A_43, %dma_start3A_51] : memref<2x5120x128xf32, #tpu.memory_space<hbm>> -> memref<1x64x128xf32, #tpu.memory_space<hbm>>
      %dma_start3A_53 = tpu.memref_squeeze %dma_start3A_52 : memref<1x64x128xf32, #tpu.memory_space<hbm>> -> memref<64x128xf32, #tpu.memory_space<hbm>>
      %dma_start3A_54 = arith.constant 0 : i32
      %dma_start3A_55 = arith.constant 0 : i32
      %dma_start3A_56 = tpu.memref_slice %arg10[%dma_start3A_54, %dma_start3A_55] : memref<128x128xf32, #tpu.memory_space<vmem>> -> memref<64x128xf32, #tpu.memory_space<vmem>>
      tpu.enqueue_dma source(%dma_start3A_56 : memref<64x128xf32, #tpu.memory_space<vmem>>) target(%dma_start3A_53 : memref<64x128xf32, #tpu.memory_space<hbm>>) target_semaphore(%run_scoped3A : memref<!tpu.dma_semaphore, #tpu.memory_space<semaphore_mem>>)
      %dma_wait3A = arith.constant 0 : i32
      %dma_wait3A_57 = arith.constant 0 : i32
      %dma_wait3A_58 = tpu.memref_slice %arg10[%dma_wait3A, %dma_wait3A_57] : memref<128x128xf32, #tpu.memory_space<vmem>> -> memref<64x128xf32, #tpu.memory_space<vmem>>
      %dma_wait3A_59 = arith.constant 0 : i32
      %dma_wait3A_60 = tpu.memref_slice %arg6[%arg0, %add3A_43, %dma_wait3A_59] : memref<2x5120x128xf32, #tpu.memory_space<hbm>> -> memref<1x64x128xf32, #tpu.memory_space<hbm>>
      %dma_wait3A_61 = tpu.memref_squeeze %dma_wait3A_60 : memref<1x64x128xf32, #tpu.memory_space<hbm>> -> memref<64x128xf32, #tpu.memory_space<hbm>>
      %dma_wait3A_62 = arith.constant 0 : i32
      %dma_wait3A_63 = tpu.memref_slice %arg6[%arg0, %add3A_43, %dma_wait3A_62] : memref<2x5120x128xf32, #tpu.memory_space<hbm>> -> memref<1x64x128xf32, #tpu.memory_space<hbm>>
      %dma_wait3A_64 = tpu.memref_squeeze %dma_wait3A_63 : memref<1x64x128xf32, #tpu.memory_space<hbm>> -> memref<64x128xf32, #tpu.memory_space<hbm>>
      %dma_wait3A_65 = arith.constant 0 : i32
      %dma_wait3A_66 = arith.constant 0 : i32
      %dma_wait3A_67 = tpu.memref_slice %arg10[%dma_wait3A_65, %dma_wait3A_66] : memref<128x128xf32, #tpu.memory_space<vmem>> -> memref<64x128xf32, #tpu.memory_space<vmem>>
      tpu.wait_dma2 semaphore(%run_scoped3A : memref<!tpu.dma_semaphore, #tpu.memory_space<semaphore_mem>>) src(%dma_wait3A_67 : memref<64x128xf32, #tpu.memory_space<vmem>>) dst(%dma_wait3A_64 : memref<64x128xf32, #tpu.memory_space<hbm>>)
      tpu.yield
    }) : () -> ()
    %add3A_44 = arith.constant 256 : i32
    %add3A_45 = arith.addi %mul3A_7, %add3A_44 : i32
    "tpu.region"() ({
      %run_scoped3A = tpu.sem_alloc : memref<!tpu.dma_semaphore, #tpu.memory_space<semaphore_mem>>
      %dma_start3A = arith.constant 0 : i32
      %dma_start3A_46 = arith.constant 0 : i32
      %dma_start3A_47 = tpu.memref_slice %arg9[%dma_start3A, %dma_start3A_46] : memref<128x128xf32, #tpu.memory_space<vmem>> -> memref<64x128xf32, #tpu.memory_space<vmem>>
      %dma_start3A_48 = arith.constant 0 : i32
      %dma_start3A_49 = tpu.memref_slice %arg11[%add3A_45, %dma_start3A_48] : memref<5120x128xf32, #tpu.memory_space<vmem_shared>> -> memref<64x128xf32, #tpu.memory_space<vmem_shared>>
      %dma_start3A_50 = arith.constant 0 : i32
      %dma_start3A_51 = arith.constant 0 : i32
      %dma_start3A_52 = tpu.memref_slice %arg9[%dma_start3A_50, %dma_start3A_51] : memref<128x128xf32, #tpu.memory_space<vmem>> -> memref<64x128xf32, #tpu.memory_space<vmem>>
      %dma_start3A_53 = arith.constant 0 : i32
      %dma_start3A_54 = tpu.memref_slice %arg11[%add3A_45, %dma_start3A_53] : memref<5120x128xf32, #tpu.memory_space<vmem_shared>> -> memref<64x128xf32, #tpu.memory_space<vmem_shared>>
      tpu.enqueue_dma source(%dma_start3A_54 : memref<64x128xf32, #tpu.memory_space<vmem_shared>>) target(%dma_start3A_52 : memref<64x128xf32, #tpu.memory_space<vmem>>) target_semaphore(%run_scoped3A : memref<!tpu.dma_semaphore, #tpu.memory_space<semaphore_mem>>)
      %dma_wait3A = arith.constant 0 : i32
      %dma_wait3A_55 = arith.constant 0 : i32
      %dma_wait3A_56 = tpu.memref_slice %arg9[%dma_wait3A, %dma_wait3A_55] : memref<128x128xf32, #tpu.memory_space<vmem>> -> memref<64x128xf32, #tpu.memory_space<vmem>>
      %dma_wait3A_57 = arith.constant 0 : i32
      %dma_wait3A_58 = tpu.memref_slice %arg11[%add3A_45, %dma_wait3A_57] : memref<5120x128xf32, #tpu.memory_space<vmem_shared>> -> memref<64x128xf32, #tpu.memory_space<vmem_shared>>
      %dma_wait3A_59 = arith.constant 0 : i32
      %dma_wait3A_60 = arith.constant 0 : i32
      %dma_wait3A_61 = tpu.memref_slice %arg9[%dma_wait3A_59, %dma_wait3A_60] : memref<128x128xf32, #tpu.memory_space<vmem>> -> memref<64x128xf32, #tpu.memory_space<vmem>>
      %dma_wait3A_62 = arith.constant 0 : i32
      %dma_wait3A_63 = tpu.memref_slice %arg11[%add3A_45, %dma_wait3A_62] : memref<5120x128xf32, #tpu.memory_space<vmem_shared>> -> memref<64x128xf32, #tpu.memory_space<vmem_shared>>
      tpu.wait_dma2 semaphore(%run_scoped3A : memref<!tpu.dma_semaphore, #tpu.memory_space<semaphore_mem>>) src(%dma_wait3A_63 : memref<64x128xf32, #tpu.memory_space<vmem_shared>>) dst(%dma_wait3A_61 : memref<64x128xf32, #tpu.memory_space<vmem>>)
      tpu.yield
    }) : () -> ()
    "tpu.region"() ({
      %run_scoped3A = tpu.sem_alloc : memref<!tpu.dma_semaphore, #tpu.memory_space<semaphore_mem>>
      %dma_start3A = arith.constant 0 : i32
      %dma_start3A_46 = arith.constant 0 : i32
      %dma_start3A_47 = tpu.memref_slice %arg9[%dma_start3A, %dma_start3A_46] : memref<128x128xf32, #tpu.memory_space<vmem>> -> memref<64x128xf32, #tpu.memory_space<vmem>>
      %dma_start3A_48 = arith.constant 0 : i32
      %dma_start3A_49 = tpu.memref_slice %arg5[%arg0, %add3A_45, %dma_start3A_48] : memref<2x5120x128xf32, #tpu.memory_space<hbm>> -> memref<1x64x128xf32, #tpu.memory_space<hbm>>
      %dma_start3A_50 = tpu.memref_squeeze %dma_start3A_49 : memref<1x64x128xf32, #tpu.memory_space<hbm>> -> memref<64x128xf32, #tpu.memory_space<hbm>>
      %dma_start3A_51 = arith.constant 0 : i32
      %dma_start3A_52 = tpu.memref_slice %arg5[%arg0, %add3A_45, %dma_start3A_51] : memref<2x5120x128xf32, #tpu.memory_space<hbm>> -> memref<1x64x128xf32, #tpu.memory_space<hbm>>
      %dma_start3A_53 = tpu.memref_squeeze %dma_start3A_52 : memref<1x64x128xf32, #tpu.memory_space<hbm>> -> memref<64x128xf32, #tpu.memory_space<hbm>>
      %dma_start3A_54 = arith.constant 0 : i32
      %dma_start3A_55 = arith.constant 0 : i32
      %dma_start3A_56 = tpu.memref_slice %arg9[%dma_start3A_54, %dma_start3A_55] : memref<128x128xf32, #tpu.memory_space<vmem>> -> memref<64x128xf32, #tpu.memory_space<vmem>>
      tpu.enqueue_dma source(%dma_start3A_56 : memref<64x128xf32, #tpu.memory_space<vmem>>) target(%dma_start3A_53 : memref<64x128xf32, #tpu.memory_space<hbm>>) target_semaphore(%run_scoped3A : memref<!tpu.dma_semaphore, #tpu.memory_space<semaphore_mem>>)
      %dma_wait3A = arith.constant 0 : i32
      %dma_wait3A_57 = arith.constant 0 : i32
      %dma_wait3A_58 = tpu.memref_slice %arg9[%dma_wait3A, %dma_wait3A_57] : memref<128x128xf32, #tpu.memory_space<vmem>> -> memref<64x128xf32, #tpu.memory_space<vmem>>
      %dma_wait3A_59 = arith.constant 0 : i32
      %dma_wait3A_60 = tpu.memref_slice %arg5[%arg0, %add3A_45, %dma_wait3A_59] : memref<2x5120x128xf32, #tpu.memory_space<hbm>> -> memref<1x64x128xf32, #tpu.memory_space<hbm>>
      %dma_wait3A_61 = tpu.memref_squeeze %dma_wait3A_60 : memref<1x64x128xf32, #tpu.memory_space<hbm>> -> memref<64x128xf32, #tpu.memory_space<hbm>>
      %dma_wait3A_62 = arith.constant 0 : i32
      %dma_wait3A_63 = tpu.memref_slice %arg5[%arg0, %add3A_45, %dma_wait3A_62] : memref<2x5120x128xf32, #tpu.memory_space<hbm>> -> memref<1x64x128xf32, #tpu.memory_space<hbm>>
      %dma_wait3A_64 = tpu.memref_squeeze %dma_wait3A_63 : memref<1x64x128xf32, #tpu.memory_space<hbm>> -> memref<64x128xf32, #tpu.memory_space<hbm>>
      %dma_wait3A_65 = arith.constant 0 : i32
      %dma_wait3A_66 = arith.constant 0 : i32
      %dma_wait3A_67 = tpu.memref_slice %arg9[%dma_wait3A_65, %dma_wait3A_66] : memref<128x128xf32, #tpu.memory_space<vmem>> -> memref<64x128xf32, #tpu.memory_space<vmem>>
      tpu.wait_dma2 semaphore(%run_scoped3A : memref<!tpu.dma_semaphore, #tpu.memory_space<semaphore_mem>>) src(%dma_wait3A_67 : memref<64x128xf32, #tpu.memory_space<vmem>>) dst(%dma_wait3A_64 : memref<64x128xf32, #tpu.memory_space<hbm>>)
      tpu.yield
    }) : () -> ()
    "tpu.region"() ({
      %run_scoped3A = tpu.sem_alloc : memref<!tpu.dma_semaphore, #tpu.memory_space<semaphore_mem>>
      %dma_start3A = arith.constant 0 : i32
      %dma_start3A_46 = arith.constant 0 : i32
      %dma_start3A_47 = tpu.memref_slice %arg10[%dma_start3A, %dma_start3A_46] : memref<128x128xf32, #tpu.memory_space<vmem>> -> memref<64x128xf32, #tpu.memory_space<vmem>>
      %dma_start3A_48 = arith.constant 0 : i32
      %dma_start3A_49 = tpu.memref_slice %arg12[%add3A_45, %dma_start3A_48] : memref<5120x128xf32, #tpu.memory_space<vmem_shared>> -> memref<64x128xf32, #tpu.memory_space<vmem_shared>>
      %dma_start3A_50 = arith.constant 0 : i32
      %dma_start3A_51 = arith.constant 0 : i32
      %dma_start3A_52 = tpu.memref_slice %arg10[%dma_start3A_50, %dma_start3A_51] : memref<128x128xf32, #tpu.memory_space<vmem>> -> memref<64x128xf32, #tpu.memory_space<vmem>>
      %dma_start3A_53 = arith.constant 0 : i32
      %dma_start3A_54 = tpu.memref_slice %arg12[%add3A_45, %dma_start3A_53] : memref<5120x128xf32, #tpu.memory_space<vmem_shared>> -> memref<64x128xf32, #tpu.memory_space<vmem_shared>>
      tpu.enqueue_dma source(%dma_start3A_54 : memref<64x128xf32, #tpu.memory_space<vmem_shared>>) target(%dma_start3A_52 : memref<64x128xf32, #tpu.memory_space<vmem>>) target_semaphore(%run_scoped3A : memref<!tpu.dma_semaphore, #tpu.memory_space<semaphore_mem>>)
      %dma_wait3A = arith.constant 0 : i32
      %dma_wait3A_55 = arith.constant 0 : i32
      %dma_wait3A_56 = tpu.memref_slice %arg10[%dma_wait3A, %dma_wait3A_55] : memref<128x128xf32, #tpu.memory_space<vmem>> -> memref<64x128xf32, #tpu.memory_space<vmem>>
      %dma_wait3A_57 = arith.constant 0 : i32
      %dma_wait3A_58 = tpu.memref_slice %arg12[%add3A_45, %dma_wait3A_57] : memref<5120x128xf32, #tpu.memory_space<vmem_shared>> -> memref<64x128xf32, #tpu.memory_space<vmem_shared>>
      %dma_wait3A_59 = arith.constant 0 : i32
      %dma_wait3A_60 = arith.constant 0 : i32
      %dma_wait3A_61 = tpu.memref_slice %arg10[%dma_wait3A_59, %dma_wait3A_60] : memref<128x128xf32, #tpu.memory_space<vmem>> -> memref<64x128xf32, #tpu.memory_space<vmem>>
      %dma_wait3A_62 = arith.constant 0 : i32
      %dma_wait3A_63 = tpu.memref_slice %arg12[%add3A_45, %dma_wait3A_62] : memref<5120x128xf32, #tpu.memory_space<vmem_shared>> -> memref<64x128xf32, #tpu.memory_space<vmem_shared>>
      tpu.wait_dma2 semaphore(%run_scoped3A : memref<!tpu.dma_semaphore, #tpu.memory_space<semaphore_mem>>) src(%dma_wait3A_63 : memref<64x128xf32, #tpu.memory_space<vmem_shared>>) dst(%dma_wait3A_61 : memref<64x128xf32, #tpu.memory_space<vmem>>)
      tpu.yield
    }) : () -> ()
    "tpu.region"() ({
      %run_scoped3A = tpu.sem_alloc : memref<!tpu.dma_semaphore, #tpu.memory_space<semaphore_mem>>
      %dma_start3A = arith.constant 0 : i32
      %dma_start3A_46 = arith.constant 0 : i32
      %dma_start3A_47 = tpu.memref_slice %arg10[%dma_start3A, %dma_start3A_46] : memref<128x128xf32, #tpu.memory_space<vmem>> -> memref<64x128xf32, #tpu.memory_space<vmem>>
      %dma_start3A_48 = arith.constant 0 : i32
      %dma_start3A_49 = tpu.memref_slice %arg6[%arg0, %add3A_45, %dma_start3A_48] : memref<2x5120x128xf32, #tpu.memory_space<hbm>> -> memref<1x64x128xf32, #tpu.memory_space<hbm>>
      %dma_start3A_50 = tpu.memref_squeeze %dma_start3A_49 : memref<1x64x128xf32, #tpu.memory_space<hbm>> -> memref<64x128xf32, #tpu.memory_space<hbm>>
      %dma_start3A_51 = arith.constant 0 : i32
      %dma_start3A_52 = tpu.memref_slice %arg6[%arg0, %add3A_45, %dma_start3A_51] : memref<2x5120x128xf32, #tpu.memory_space<hbm>> -> memref<1x64x128xf32, #tpu.memory_space<hbm>>
      %dma_start3A_53 = tpu.memref_squeeze %dma_start3A_52 : memref<1x64x128xf32, #tpu.memory_space<hbm>> -> memref<64x128xf32, #tpu.memory_space<hbm>>
      %dma_start3A_54 = arith.constant 0 : i32
      %dma_start3A_55 = arith.constant 0 : i32
      %dma_start3A_56 = tpu.memref_slice %arg10[%dma_start3A_54, %dma_start3A_55] : memref<128x128xf32, #tpu.memory_space<vmem>> -> memref<64x128xf32, #tpu.memory_space<vmem>>
      tpu.enqueue_dma source(%dma_start3A_56 : memref<64x128xf32, #tpu.memory_space<vmem>>) target(%dma_start3A_53 : memref<64x128xf32, #tpu.memory_space<hbm>>) target_semaphore(%run_scoped3A : memref<!tpu.dma_semaphore, #tpu.memory_space<semaphore_mem>>)
      %dma_wait3A = arith.constant 0 : i32
      %dma_wait3A_57 = arith.constant 0 : i32
      %dma_wait3A_58 = tpu.memref_slice %arg10[%dma_wait3A, %dma_wait3A_57] : memref<128x128xf32, #tpu.memory_space<vmem>> -> memref<64x128xf32, #tpu.memory_space<vmem>>
      %dma_wait3A_59 = arith.constant 0 : i32
      %dma_wait3A_60 = tpu.memref_slice %arg6[%arg0, %add3A_45, %dma_wait3A_59] : memref<2x5120x128xf32, #tpu.memory_space<hbm>> -> memref<1x64x128xf32, #tpu.memory_space<hbm>>
      %dma_wait3A_61 = tpu.memref_squeeze %dma_wait3A_60 : memref<1x64x128xf32, #tpu.memory_space<hbm>> -> memref<64x128xf32, #tpu.memory_space<hbm>>
      %dma_wait3A_62 = arith.constant 0 : i32
      %dma_wait3A_63 = tpu.memref_slice %arg6[%arg0, %add3A_45, %dma_wait3A_62] : memref<2x5120x128xf32, #tpu.memory_space<hbm>> -> memref<1x64x128xf32, #tpu.memory_space<hbm>>
      %dma_wait3A_64 = tpu.memref_squeeze %dma_wait3A_63 : memref<1x64x128xf32, #tpu.memory_space<hbm>> -> memref<64x128xf32, #tpu.memory_space<hbm>>
      %dma_wait3A_65 = arith.constant 0 : i32
      %dma_wait3A_66 = arith.constant 0 : i32
      %dma_wait3A_67 = tpu.memref_slice %arg10[%dma_wait3A_65, %dma_wait3A_66] : memref<128x128xf32, #tpu.memory_space<vmem>> -> memref<64x128xf32, #tpu.memory_space<vmem>>
      tpu.wait_dma2 semaphore(%run_scoped3A : memref<!tpu.dma_semaphore, #tpu.memory_space<semaphore_mem>>) src(%dma_wait3A_67 : memref<64x128xf32, #tpu.memory_space<vmem>>) dst(%dma_wait3A_64 : memref<64x128xf32, #tpu.memory_space<hbm>>)
      tpu.yield
    }) : () -> ()
    return
  }
}

module attributes {stable_mosaic.version = 14 : i64} {
  func.func @_k1_body(%arg0: i32, %arg1: memref<1000x128xf32, #tpu.memory_space<vmem>>, %arg2: memref<1000x48xf32, #tpu.memory_space<vmem>>, %arg3: memref<128x128xf32, #tpu.memory_space<vmem>>, %arg4: memref<128x128xf32, #tpu.memory_space<vmem>>, %arg5: memref<48x128xf32, #tpu.memory_space<vmem>>, %arg6: memref<48x128xf32, #tpu.memory_space<vmem>>, %arg7: memref<1000x256xf32, #tpu.memory_space<vmem>>, %arg8: memref<1000x256xf32, #tpu.memory_space<vmem>>) attributes {dimension_semantics = [#tpu.dimension_semantics<arbitrary>], iteration_bounds = array<i64: 10>, scalar_prefetch = 0 : i64, scratch_operands = 0 : i64, tpu.core_type = #tpu.core_type<tc>, window_params = [{transform_indices = @transform_0, window_bounds = array<i64: 1000, 128>}, {transform_indices = @transform_1, window_bounds = array<i64: 1000, 48>}, {pipeline_mode = #tpu.pipeline_mode<synchronous>, transform_indices = @transform_2, window_bounds = array<i64: 128, 128>}, {pipeline_mode = #tpu.pipeline_mode<synchronous>, transform_indices = @transform_3, window_bounds = array<i64: 128, 128>}, {pipeline_mode = #tpu.pipeline_mode<synchronous>, transform_indices = @transform_4, window_bounds = array<i64: 48, 128>}, {pipeline_mode = #tpu.pipeline_mode<synchronous>, transform_indices = @transform_5, window_bounds = array<i64: 48, 128>}, {transform_indices = @transform_6, window_bounds = array<i64: 1000, 256>}, {transform_indices = @transform_7, window_bounds = array<i64: 1000, 256>}]} {
    %get3A = arith.constant 0 : index
    %get3A_0 = arith.constant 0 : index
    %get3A_1 = vector.load %arg1[%get3A, %get3A_0] : memref<1000x128xf32, #tpu.memory_space<vmem>>, vector<1000x128xf32>
    %get3A_2 = arith.constant 0 : index
    %get3A_3 = arith.constant 0 : index
    %get3A_4 = vector.load %arg2[%get3A_2, %get3A_3] : memref<1000x48xf32, #tpu.memory_space<vmem>>, vector<1000x48xf32>
    %get3A_5 = arith.constant 0 : index
    %get3A_6 = arith.constant 0 : index
    %get3A_7 = vector.load %arg3[%get3A_5, %get3A_6] : memref<128x128xf32, #tpu.memory_space<vmem>>, vector<128x128xf32>
    %dot_general3A = arith.constant dense<0.000000e+00> : vector<1000x128xf32>
    %dot_general3A_8 = tpu.matmul %get3A_1, %get3A_7, %dot_general3A {dimension_numbers = #tpu.dot_dimension_numbers<[1], [0], [0], [1], [0, 0, 1, 1], [], []>, transpose_lhs_hint = false} : vector<1000x128xf32>, vector<128x128xf32>, vector<1000x128xf32> -> vector<1000x128xf32>
    %get3A_9 = arith.constant 0 : index
    %get3A_10 = arith.constant 0 : index
    %get3A_11 = vector.load %arg5[%get3A_9, %get3A_10] : memref<48x128xf32, #tpu.memory_space<vmem>>, vector<48x128xf32>
    %dot_general3A_12 = arith.constant dense<0.000000e+00> : vector<1000x128xf32>
    %dot_general3A_13 = tpu.matmul %get3A_4, %get3A_11, %dot_general3A_12 {dimension_numbers = #tpu.dot_dimension_numbers<[1], [0], [0], [1], [0, 0, 1, 1], [], []>, transpose_lhs_hint = false} : vector<1000x48xf32>, vector<48x128xf32>, vector<1000x128xf32> -> vector<1000x128xf32>
    %concatenate3A = tpu.concatenate %dot_general3A_8, %dot_general3A_13 in 1 : vector<1000x128xf32>, vector<1000x128xf32> -> vector<1000x256xf32>
    %swap3A = arith.constant 0 : index
    %swap3A_14 = arith.constant 0 : index
    %swap3A_15 = vector.load %arg7[%swap3A, %swap3A_14] : memref<1000x256xf32, #tpu.memory_space<vmem>>, vector<1000x256xf32>
    tpu.vector_store %arg7[%swap3A, %swap3A_14], %concatenate3A {strides = array<i32>} : memref<1000x256xf32, #tpu.memory_space<vmem>>, vector<1000x256xf32>,
    %get3A_16 = arith.constant 0 : index
    %get3A_17 = arith.constant 0 : index
    %get3A_18 = vector.load %arg4[%get3A_16, %get3A_17] : memref<128x128xf32, #tpu.memory_space<vmem>>, vector<128x128xf32>
    %dot_general3A_19 = arith.constant dense<0.000000e+00> : vector<1000x128xf32>
    %dot_general3A_20 = tpu.matmul %get3A_1, %get3A_18, %dot_general3A_19 {dimension_numbers = #tpu.dot_dimension_numbers<[1], [0], [0], [1], [0, 0, 1, 1], [], []>, transpose_lhs_hint = false} : vector<1000x128xf32>, vector<128x128xf32>, vector<1000x128xf32> -> vector<1000x128xf32>
    %get3A_21 = arith.constant 0 : index
    %get3A_22 = arith.constant 0 : index
    %get3A_23 = vector.load %arg6[%get3A_21, %get3A_22] : memref<48x128xf32, #tpu.memory_space<vmem>>, vector<48x128xf32>
    %dot_general3A_24 = arith.constant dense<0.000000e+00> : vector<1000x128xf32>
    %dot_general3A_25 = tpu.matmul %get3A_4, %get3A_23, %dot_general3A_24 {dimension_numbers = #tpu.dot_dimension_numbers<[1], [0], [0], [1], [0, 0, 1, 1], [], []>, transpose_lhs_hint = false} : vector<1000x48xf32>, vector<48x128xf32>, vector<1000x128xf32> -> vector<1000x128xf32>
    %concatenate3A_26 = tpu.concatenate %dot_general3A_20, %dot_general3A_25 in 1 : vector<1000x128xf32>, vector<1000x128xf32> -> vector<1000x256xf32>
    %swap3A_27 = arith.constant 0 : index
    %swap3A_28 = arith.constant 0 : index
    %swap3A_29 = vector.load %arg8[%swap3A_27, %swap3A_28] : memref<1000x256xf32, #tpu.memory_space<vmem>>, vector<1000x256xf32>
    tpu.vector_store %arg8[%swap3A_27, %swap3A_28], %concatenate3A_26 {strides = array<i32>} : memref<1000x256xf32, #tpu.memory_space<vmem>>, vector<1000x256xf32>,
    return
  }
  func.func @transform_0(%arg0: i32) -> (i32, i32) {
    %c0_i32 = arith.constant 0 : i32
    %c0_i32_0 = arith.constant 0 : i32
    return %arg0, %c0_i32 : i32, i32
  }
  func.func @transform_1(%arg0: i32) -> (i32, i32) {
    %c0_i32 = arith.constant 0 : i32
    %c0_i32_0 = arith.constant 0 : i32
    return %arg0, %c0_i32 : i32, i32
  }
  func.func @transform_2(%arg0: i32) -> (i32, i32) {
    %c0_i32 = arith.constant 0 : i32
    %c0_i32_0 = arith.constant 0 : i32
    %c0_i32_1 = arith.constant 0 : i32
    return %c0_i32, %c0_i32_0 : i32, i32
  }
  func.func @transform_3(%arg0: i32) -> (i32, i32) {
    %c0_i32 = arith.constant 0 : i32
    %c0_i32_0 = arith.constant 0 : i32
    %c0_i32_1 = arith.constant 0 : i32
    return %c0_i32, %c0_i32_0 : i32, i32
  }
  func.func @transform_4(%arg0: i32) -> (i32, i32) {
    %c0_i32 = arith.constant 0 : i32
    %c0_i32_0 = arith.constant 0 : i32
    %c0_i32_1 = arith.constant 0 : i32
    return %c0_i32, %c0_i32_0 : i32, i32
  }
  func.func @transform_5(%arg0: i32) -> (i32, i32) {
    %c0_i32 = arith.constant 0 : i32
    %c0_i32_0 = arith.constant 0 : i32
    %c0_i32_1 = arith.constant 0 : i32
    return %c0_i32, %c0_i32_0 : i32, i32
  }
  func.func @transform_6(%arg0: i32) -> (i32, i32) {
    %c0_i32 = arith.constant 0 : i32
    %c0_i32_0 = arith.constant 0 : i32
    return %arg0, %c0_i32 : i32, i32
  }
  func.func @transform_7(%arg0: i32) -> (i32, i32) {
    %c0_i32 = arith.constant 0 : i32
    %c0_i32_0 = arith.constant 0 : i32
    return %arg0, %c0_i32 : i32, i32
  }
}

module attributes {stable_mosaic.version = 14 : i64} {
  func.func @_k3_body(%arg0: i32, %arg1: memref<2048x256xf32, #tpu.memory_space<vmem>>, %arg2: memref<2048x16xf32, #tpu.memory_space<vmem>>, %arg3: memref<2048x12xf32, #tpu.memory_space<vmem>>, %arg4: memref<12x128xf32, #tpu.memory_space<vmem>>, %arg5: memref<128x48xf32, #tpu.memory_space<vmem>>, %arg6: memref<128x36xf32, #tpu.memory_space<vmem>>, %arg7: memref<48x16xf32, #tpu.memory_space<vmem>>, %arg8: memref<16x48xf32, #tpu.memory_space<vmem>>, %arg9: memref<16x128xf32, #tpu.memory_space<vmem>>, %arg10: memref<36x128xf32, #tpu.memory_space<vmem>>, %arg11: memref<8x128xf32, #tpu.memory_space<vmem>>, %arg12: memref<2048x128xf32, #tpu.memory_space<vmem>>, %arg13: memref<2048x128xf32, #tpu.memory_space<vmem>>) attributes {dimension_semantics = [#tpu.dimension_semantics<arbitrary>], iteration_bounds = array<i64: 158>, scalar_prefetch = 0 : i64, scratch_operands = 0 : i64, tpu.core_type = #tpu.core_type<tc>, window_params = [{transform_indices = @transform_0, window_bounds = array<i64: 2048, 256>}, {transform_indices = @transform_1, window_bounds = array<i64: 2048, 16>}, {transform_indices = @transform_2, window_bounds = array<i64: 2048, 12>}, {pipeline_mode = #tpu.pipeline_mode<synchronous>, transform_indices = @transform_3, window_bounds = array<i64: 12, 128>}, {pipeline_mode = #tpu.pipeline_mode<synchronous>, transform_indices = @transform_4, window_bounds = array<i64: 128, 48>}, {pipeline_mode = #tpu.pipeline_mode<synchronous>, transform_indices = @transform_5, window_bounds = array<i64: 128, 36>}, {pipeline_mode = #tpu.pipeline_mode<synchronous>, transform_indices = @transform_6, window_bounds = array<i64: 48, 16>}, {pipeline_mode = #tpu.pipeline_mode<synchronous>, transform_indices = @transform_7, window_bounds = array<i64: 16, 48>}, {pipeline_mode = #tpu.pipeline_mode<synchronous>, transform_indices = @transform_8, window_bounds = array<i64: 16, 128>}, {pipeline_mode = #tpu.pipeline_mode<synchronous>, transform_indices = @transform_9, window_bounds = array<i64: 36, 128>}, {pipeline_mode = #tpu.pipeline_mode<synchronous>, transform_indices = @transform_10, window_bounds = array<i64: 8, 128>}, {transform_indices = @transform_11, window_bounds = array<i64: 2048, 128>}, {transform_indices = @transform_12, window_bounds = array<i64: 2048, 128>}]} {
    %get3A = arith.constant 0 : index
    %get3A_0 = arith.constant 0 : index
    %get3A_1 = vector.load %arg1[%get3A, %get3A_0] : memref<2048x256xf32, #tpu.memory_space<vmem>>, vector<2048x256xf32>
    %slice3A = vector.extract_strided_slice %get3A_1 {offsets = [0, 0], sizes = [2048, 128], strides = [1, 1]} : vector<2048x256xf32> to vector<2048x128xf32>
    %slice3A_2 = vector.extract_strided_slice %get3A_1 {offsets = [0, 128], sizes = [2048, 128], strides = [1, 1]} : vector<2048x256xf32> to vector<2048x128xf32>
    %get3A_3 = arith.constant 0 : index
    %get3A_4 = arith.constant 0 : index
    %get3A_5 = vector.load %arg3[%get3A_3, %get3A_4] : memref<2048x12xf32, #tpu.memory_space<vmem>>, vector<2048x12xf32>
    %get3A_6 = arith.constant 0 : index
    %get3A_7 = arith.constant 0 : index
    %get3A_8 = vector.load %arg4[%get3A_6, %get3A_7] : memref<12x128xf32, #tpu.memory_space<vmem>>, vector<12x128xf32>
    %dot_general3A = arith.constant dense<0.000000e+00> : vector<2048x128xf32>
    %dot_general3A_9 = tpu.matmul %get3A_5, %get3A_8, %dot_general3A {dimension_numbers = #tpu.dot_dimension_numbers<[1], [0], [0], [1], [0, 0, 1, 1], [], []>, transpose_lhs_hint = false} : vector<2048x12xf32>, vector<12x128xf32>, vector<2048x128xf32> -> vector<2048x128xf32>
    %add3A = arith.addf %slice3A_2, %dot_general3A_9 : vector<2048x128xf32>
    %mul3A = arith.mulf %add3A, %add3A : vector<2048x128xf32>
    %get3A_10 = arith.constant 0 : index
    %get3A_11 = arith.constant 0 : index
    %get3A_12 = vector.load %arg6[%get3A_10, %get3A_11] : memref<128x36xf32, #tpu.memory_space<vmem>>, vector<128x36xf32>
    %dot_general3A_13 = arith.constant dense<0.000000e+00> : vector<2048x36xf32>
    %dot_general3A_14 = tpu.matmul %mul3A, %get3A_12, %dot_general3A_13 {dimension_numbers = #tpu.dot_dimension_numbers<[1], [0], [0], [1], [0, 0, 1, 1], [], []>, transpose_lhs_hint = false} : vector<2048x128xf32>, vector<128x36xf32>, vector<2048x36xf32> -> vector<2048x36xf32>
    %sqrt3A = math.sqrt %dot_general3A_14 : vector<2048x36xf32>
    %get3A_15 = arith.constant 0 : index
    %get3A_16 = arith.constant 0 : index
    %get3A_17 = vector.load %arg5[%get3A_15, %get3A_16] : memref<128x48xf32, #tpu.memory_space<vmem>>, vector<128x48xf32>
    %dot_general3A_18 = arith.constant dense<0.000000e+00> : vector<2048x48xf32>
    %dot_general3A_19 = tpu.matmul %add3A, %get3A_17, %dot_general3A_18 {dimension_numbers = #tpu.dot_dimension_numbers<[1], [0], [0], [1], [0, 0, 1, 1], [], []>, transpose_lhs_hint = false} : vector<2048x128xf32>, vector<128x48xf32>, vector<2048x48xf32> -> vector<2048x48xf32>
    %mul3A_20 = arith.mulf %dot_general3A_19, %dot_general3A_19 : vector<2048x48xf32>
    %get3A_21 = arith.constant 0 : index
    %get3A_22 = arith.constant 0 : index
    %get3A_23 = vector.load %arg7[%get3A_21, %get3A_22] : memref<48x16xf32, #tpu.memory_space<vmem>>, vector<48x16xf32>
    %dot_general3A_24 = arith.constant dense<0.000000e+00> : vector<2048x16xf32>
    %dot_general3A_25 = tpu.matmul %mul3A_20, %get3A_23, %dot_general3A_24 {dimension_numbers = #tpu.dot_dimension_numbers<[1], [0], [0], [1], [0, 0, 1, 1], [], []>, transpose_lhs_hint = false} : vector<2048x48xf32>, vector<48x16xf32>, vector<2048x16xf32> -> vector<2048x16xf32>
    %sqrt3A_26 = math.sqrt %dot_general3A_25 : vector<2048x16xf32>
    %logistic3A = arith.negf %sqrt3A_26 : vector<2048x16xf32>
    %logistic3A_27 = math.exp %logistic3A : vector<2048x16xf32>
    %logistic3A_28 = arith.constant 1.000000e+00 : f32
    %logistic3A_29 = vector.broadcast %logistic3A_28 : f32 to vector<2048x16xf32>
    %logistic3A_30 = arith.addf %logistic3A_29, %logistic3A_27 : vector<2048x16xf32>
    %logistic3A_31 = arith.divf %logistic3A_29, %logistic3A_30 : vector<2048x16xf32>
    %get3A_32 = arith.constant 0 : index
    %get3A_33 = arith.constant 0 : index
    %get3A_34 = vector.load %arg8[%get3A_32, %get3A_33] : memref<16x48xf32, #tpu.memory_space<vmem>>, vector<16x48xf32>
    %dot_general3A_35 = arith.constant dense<0.000000e+00> : vector<2048x48xf32>
    %dot_general3A_36 = tpu.matmul %logistic3A_31, %get3A_34, %dot_general3A_35 {dimension_numbers = #tpu.dot_dimension_numbers<[1], [0], [0], [1], [0, 0, 1, 1], [], []>, transpose_lhs_hint = false} : vector<2048x16xf32>, vector<16x48xf32>, vector<2048x48xf32> -> vector<2048x48xf32>
    %mul3A_37 = arith.mulf %dot_general3A_19, %dot_general3A_36 : vector<2048x48xf32>
    %get3A_38 = arith.constant 0 : index
    %get3A_39 = arith.constant 0 : index
    %get3A_40 = vector.load %arg2[%get3A_38, %get3A_39] : memref<2048x16xf32, #tpu.memory_space<vmem>>, vector<2048x16xf32>
    %get3A_41 = arith.constant 0 : index
    %get3A_42 = arith.constant 0 : index
    %get3A_43 = vector.load %arg9[%get3A_41, %get3A_42] : memref<16x128xf32, #tpu.memory_space<vmem>>, vector<16x128xf32>
    %dot_general3A_44 = arith.constant dense<0.000000e+00> : vector<2048x128xf32>
    %dot_general3A_45 = tpu.matmul %get3A_40, %get3A_43, %dot_general3A_44 {dimension_numbers = #tpu.dot_dimension_numbers<[1], [0], [0], [1], [0, 0, 1, 1], [], []>, transpose_lhs_hint = false} : vector<2048x16xf32>, vector<16x128xf32>, vector<2048x128xf32> -> vector<2048x128xf32>
    %add3A_46 = arith.addf %slice3A, %dot_general3A_45 : vector<2048x128xf32>
    %get3A_47 = arith.constant 0 : index
    %get3A_48 = arith.constant 0 : index
    %get3A_49 = vector.load %arg10[%get3A_47, %get3A_48] : memref<36x128xf32, #tpu.memory_space<vmem>>, vector<36x128xf32>
    %dot_general3A_50 = arith.constant dense<0.000000e+00> : vector<2048x128xf32>
    %dot_general3A_51 = tpu.matmul %sqrt3A, %get3A_49, %dot_general3A_50 {dimension_numbers = #tpu.dot_dimension_numbers<[1], [0], [0], [1], [0, 0, 1, 1], [], []>, transpose_lhs_hint = false} : vector<2048x36xf32>, vector<36x128xf32>, vector<2048x128xf32> -> vector<2048x128xf32>
    %add3A_52 = arith.addf %add3A_46, %dot_general3A_51 : vector<2048x128xf32>
    %get3A_53 = arith.constant 0 : index
    %get3A_54 = arith.constant 0 : index
    %get3A_55 = vector.load %arg11[%get3A_53, %get3A_54] : memref<8x128xf32, #tpu.memory_space<vmem>>, vector<8x128xf32>
    %slice3A_56 = vector.extract_strided_slice %get3A_55 {offsets = [0, 0], sizes = [1, 128], strides = [1, 1]} : vector<8x128xf32> to vector<1x128xf32>
    %add3A_57 = vector.broadcast %slice3A_56 : vector<1x128xf32> to vector<2048x128xf32>
    %add3A_58 = arith.addf %add3A_52, %add3A_57 : vector<2048x128xf32>
    %max3A = arith.constant 0.000000e+00 : f32
    %max3A_59 = vector.broadcast %max3A : f32 to vector<2048x128xf32>
    %max3A_60 = arith.maximumf %add3A_58, %max3A_59 : vector<2048x128xf32>
    %swap3A = arith.constant 0 : index
    %swap3A_61 = arith.constant 0 : index
    %swap3A_62 = vector.load %arg12[%swap3A, %swap3A_61] : memref<2048x128xf32, #tpu.memory_space<vmem>>, vector<2048x128xf32>
    tpu.vector_store %arg12[%swap3A, %swap3A_61], %max3A_60 {strides = array<i32>} : memref<2048x128xf32, #tpu.memory_space<vmem>>, vector<2048x128xf32>,
    %broadcast_in_dim3A = arith.constant 1.000000e+00 : f32
    %broadcast_in_dim3A_63 = vector.broadcast %broadcast_in_dim3A : f32 to vector<2048x16xf32>
    %broadcast_in_dim3A_64 = arith.constant 0.000000e+00 : f32
    %broadcast_in_dim3A_65 = vector.broadcast %broadcast_in_dim3A_64 : f32 to vector<2048x64xf32>
    %concatenate3A = tpu.concatenate %mul3A_37, %broadcast_in_dim3A_63, %broadcast_in_dim3A_65 in 1 : vector<2048x48xf32>, vector<2048x16xf32>, vector<2048x64xf32> -> vector<2048x128xf32>
    %swap3A_66 = arith.constant 0 : index
    %swap3A_67 = arith.constant 0 : index
    %swap3A_68 = vector.load %arg13[%swap3A_66, %swap3A_67] : memref<2048x128xf32, #tpu.memory_space<vmem>>, vector<2048x128xf32>
    tpu.vector_store %arg13[%swap3A_66, %swap3A_67], %concatenate3A {strides = array<i32>} : memref<2048x128xf32, #tpu.memory_space<vmem>>, vector<2048x128xf32>,
    return
  }
  func.func @transform_0(%arg0: i32) -> (i32, i32) {
    %c0_i32 = arith.constant 0 : i32
    %c0_i32_0 = arith.constant 0 : i32
    return %arg0, %c0_i32 : i32, i32
  }
  func.func @transform_1(%arg0: i32) -> (i32, i32) {
    %c0_i32 = arith.constant 0 : i32
    %c0_i32_0 = arith.constant 0 : i32
    return %arg0, %c0_i32 : i32, i32
  }
  func.func @transform_2(%arg0: i32) -> (i32, i32) {
    %c0_i32 = arith.constant 0 : i32
    %c0_i32_0 = arith.constant 0 : i32
    return %arg0, %c0_i32 : i32, i32
  }
  func.func @transform_3(%arg0: i32) -> (i32, i32) {
    %c0_i32 = arith.constant 0 : i32
    %c0_i32_0 = arith.constant 0 : i32
    %c0_i32_1 = arith.constant 0 : i32
    return %c0_i32, %c0_i32_0 : i32, i32
  }
  func.func @transform_4(%arg0: i32) -> (i32, i32) {
    %c0_i32 = arith.constant 0 : i32
    %c0_i32_0 = arith.constant 0 : i32
    %c0_i32_1 = arith.constant 0 : i32
    return %c0_i32, %c0_i32_0 : i32, i32
  }
  func.func @transform_5(%arg0: i32) -> (i32, i32) {
    %c0_i32 = arith.constant 0 : i32
    %c0_i32_0 = arith.constant 0 : i32
    %c0_i32_1 = arith.constant 0 : i32
    return %c0_i32, %c0_i32_0 : i32, i32
  }
  func.func @transform_6(%arg0: i32) -> (i32, i32) {
    %c0_i32 = arith.constant 0 : i32
    %c0_i32_0 = arith.constant 0 : i32
    %c0_i32_1 = arith.constant 0 : i32
    return %c0_i32, %c0_i32_0 : i32, i32
  }
  func.func @transform_7(%arg0: i32) -> (i32, i32) {
    %c0_i32 = arith.constant 0 : i32
    %c0_i32_0 = arith.constant 0 : i32
    %c0_i32_1 = arith.constant 0 : i32
    return %c0_i32, %c0_i32_0 : i32, i32
  }
  func.func @transform_8(%arg0: i32) -> (i32, i32) {
    %c0_i32 = arith.constant 0 : i32
    %c0_i32_0 = arith.constant 0 : i32
    %c0_i32_1 = arith.constant 0 : i32
    return %c0_i32, %c0_i32_0 : i32, i32
  }
  func.func @transform_9(%arg0: i32) -> (i32, i32) {
    %c0_i32 = arith.constant 0 : i32
    %c0_i32_0 = arith.constant 0 : i32
    %c0_i32_1 = arith.constant 0 : i32
    return %c0_i32, %c0_i32_0 : i32, i32
  }
  func.func @transform_10(%arg0: i32) -> (i32, i32) {
    %c0_i32 = arith.constant 0 : i32
    %c0_i32_0 = arith.constant 0 : i32
    %c0_i32_1 = arith.constant 0 : i32
    return %c0_i32, %c0_i32_0 : i32, i32
  }
  func.func @transform_11(%arg0: i32) -> (i32, i32) {
    %c0_i32 = arith.constant 0 : i32
    %c0_i32_0 = arith.constant 0 : i32
    return %arg0, %c0_i32 : i32, i32
  }
  func.func @transform_12(%arg0: i32) -> (i32, i32) {
    %c0_i32 = arith.constant 0 : i32
    %c0_i32_0 = arith.constant 0 : i32
    return %arg0, %c0_i32 : i32, i32
  }
}

module attributes {stable_mosaic.version = 14 : i64} {
  func.func @_k5_body(%arg0: i32, %arg1: memref<1000x128xf32, #tpu.memory_space<vmem>>, %arg2: memref<1000x128xf32, #tpu.memory_space<vmem>>, %arg3: memref<1000x128xf32, #tpu.memory_space<vmem>>, %arg4: memref<1000x48xf32, #tpu.memory_space<vmem>>, %arg5: memref<48x48xf32, #tpu.memory_space<vmem>>, %arg6: memref<48x48xf32, #tpu.memory_space<vmem>>, %arg7: memref<48x16xf32, #tpu.memory_space<vmem>>, %arg8: memref<16x48xf32, #tpu.memory_space<vmem>>, %arg9: memref<128x128xf32, #tpu.memory_space<vmem>>, %arg10: memref<16x128xf32, #tpu.memory_space<vmem>>, %arg11: memref<8x128xf32, #tpu.memory_space<vmem>>, %arg12: memref<8x128xf32, #tpu.memory_space<vmem>>, %arg13: memref<8x128xf32, #tpu.memory_space<vmem>>, %arg14: memref<1000x128xf32, #tpu.memory_space<vmem>>, %arg15: memref<1000x48xf32, #tpu.memory_space<vmem>>) attributes {dimension_semantics = [#tpu.dimension_semantics<arbitrary>], iteration_bounds = array<i64: 10>, scalar_prefetch = 0 : i64, scratch_operands = 0 : i64, tpu.core_type = #tpu.core_type<tc>, window_params = [{transform_indices = @transform_0, window_bounds = array<i64: 1000, 128>}, {transform_indices = @transform_1, window_bounds = array<i64: 1000, 128>}, {transform_indices = @transform_2, window_bounds = array<i64: 1000, 128>}, {transform_indices = @transform_3, window_bounds = array<i64: 1000, 48>}, {pipeline_mode = #tpu.pipeline_mode<synchronous>, transform_indices = @transform_4, window_bounds = array<i64: 48, 48>}, {pipeline_mode = #tpu.pipeline_mode<synchronous>, transform_indices = @transform_5, window_bounds = array<i64: 48, 48>}, {pipeline_mode = #tpu.pipeline_mode<synchronous>, transform_indices = @transform_6, window_bounds = array<i64: 48, 16>}, {pipeline_mode = #tpu.pipeline_mode<synchronous>, transform_indices = @transform_7, window_bounds = array<i64: 16, 48>}, {pipeline_mode = #tpu.pipeline_mode<synchronous>, transform_indices = @transform_8, window_bounds = array<i64: 128, 128>}, {pipeline_mode = #tpu.pipeline_mode<synchronous>, transform_indices = @transform_9, window_bounds = array<i64: 16, 128>}, {pipeline_mode = #tpu.pipeline_mode<synchronous>, transform_indices = @transform_10, window_bounds = array<i64: 8, 128>}, {pipeline_mode = #tpu.pipeline_mode<synchronous>, transform_indices = @transform_11, window_bounds = array<i64: 8, 128>}, {pipeline_mode = #tpu.pipeline_mode<synchronous>, transform_indices = @transform_12, window_bounds = array<i64: 8, 128>}, {transform_indices = @transform_13, window_bounds = array<i64: 1000, 128>}, {transform_indices = @transform_14, window_bounds = array<i64: 1000, 48>}]} {
    %get3A = arith.constant 0 : index
    %get3A_0 = arith.constant 0 : index
    %get3A_1 = vector.load %arg2[%get3A, %get3A_0] : memref<1000x128xf32, #tpu.memory_space<vmem>>, vector<1000x128xf32>
    %slice3A = vector.extract_strided_slice %get3A_1 {offsets = [0, 48], sizes = [1000, 1], strides = [1, 1]} : vector<1000x128xf32> to vector<1000x1xf32>
    %max3A = arith.constant 1.000000e+00 : f32
    %max3A_2 = vector.broadcast %max3A : f32 to vector<1000x1xf32>
    %max3A_3 = arith.maximumf %slice3A, %max3A_2 : vector<1000x1xf32>
    %div3A = arith.constant 1.000000e+00 : f32
    %div3A_4 = vector.broadcast %div3A : f32 to vector<1000x1xf32>
    %div3A_5 = arith.divf %div3A_4, %max3A_3 : vector<1000x1xf32>
    %get3A_6 = arith.constant 0 : index
    %get3A_7 = arith.constant 0 : index
    %get3A_8 = vector.load %arg1[%get3A_6, %get3A_7] : memref<1000x128xf32, #tpu.memory_space<vmem>>, vector<1000x128xf32>
    %mul3A = vector.broadcast %div3A_5 : vector<1000x1xf32> to vector<1000x128xf32>
    %mul3A_9 = arith.mulf %get3A_8, %mul3A : vector<1000x128xf32>
    %slice3A_10 = vector.extract_strided_slice %get3A_1 {offsets = [0, 0], sizes = [1000, 48], strides = [1, 1]} : vector<1000x128xf32> to vector<1000x48xf32>
    %mul3A_11 = vector.broadcast %div3A_5 : vector<1000x1xf32> to vector<1000x48xf32>
    %mul3A_12 = arith.mulf %slice3A_10, %mul3A_11 : vector<1000x48xf32>
    %get3A_13 = arith.constant 0 : index
    %get3A_14 = arith.constant 0 : index
    %get3A_15 = vector.load %arg5[%get3A_13, %get3A_14] : memref<48x48xf32, #tpu.memory_space<vmem>>, vector<48x48xf32>
    %dot_general3A = arith.constant dense<0.000000e+00> : vector<1000x48xf32>
    %dot_general3A_16 = tpu.matmul %mul3A_12, %get3A_15, %dot_general3A {dimension_numbers = #tpu.dot_dimension_numbers<[1], [0], [0], [1], [0, 0, 1, 1], [], []>, transpose_lhs_hint = false} : vector<1000x48xf32>, vector<48x48xf32>, vector<1000x48xf32> -> vector<1000x48xf32>
    %mul3A_17 = arith.mulf %dot_general3A_16, %dot_general3A_16 : vector<1000x48xf32>
    %get3A_18 = arith.constant 0 : index
    %get3A_19 = arith.constant 0 : index
    %get3A_20 = vector.load %arg7[%get3A_18, %get3A_19] : memref<48x16xf32, #tpu.memory_space<vmem>>, vector<48x16xf32>
    %dot_general3A_21 = arith.constant dense<0.000000e+00> : vector<1000x16xf32>
    %dot_general3A_22 = tpu.matmul %mul3A_17, %get3A_20, %dot_general3A_21 {dimension_numbers = #tpu.dot_dimension_numbers<[1], [0], [0], [1], [0, 0, 1, 1], [], []>, transpose_lhs_hint = false} : vector<1000x48xf32>, vector<48x16xf32>, vector<1000x16xf32> -> vector<1000x16xf32>
    %sqrt3A = math.sqrt %dot_general3A_22 : vector<1000x16xf32>
    %get3A_23 = arith.constant 0 : index
    %get3A_24 = arith.constant 0 : index
    %get3A_25 = vector.load %arg6[%get3A_23, %get3A_24] : memref<48x48xf32, #tpu.memory_space<vmem>>, vector<48x48xf32>
    %dot_general3A_26 = arith.constant dense<0.000000e+00> : vector<1000x48xf32>
    %dot_general3A_27 = tpu.matmul %dot_general3A_16, %get3A_25, %dot_general3A_26 {dimension_numbers = #tpu.dot_dimension_numbers<[1], [0], [0], [1], [0, 0, 1, 1], [], []>, transpose_lhs_hint = false} : vector<1000x48xf32>, vector<48x48xf32>, vector<1000x48xf32> -> vector<1000x48xf32>
    %mul3A_28 = arith.mulf %dot_general3A_27, %dot_general3A_27 : vector<1000x48xf32>
    %get3A_29 = arith.constant 0 : index
    %get3A_30 = arith.constant 0 : index
    %get3A_31 = vector.load %arg7[%get3A_29, %get3A_30] : memref<48x16xf32, #tpu.memory_space<vmem>>, vector<48x16xf32>
    %dot_general3A_32 = arith.constant dense<0.000000e+00> : vector<1000x16xf32>
    %dot_general3A_33 = tpu.matmul %mul3A_28, %get3A_31, %dot_general3A_32 {dimension_numbers = #tpu.dot_dimension_numbers<[1], [0], [0], [1], [0, 0, 1, 1], [], []>, transpose_lhs_hint = false} : vector<1000x48xf32>, vector<48x16xf32>, vector<1000x16xf32> -> vector<1000x16xf32>
    %sqrt3A_34 = math.sqrt %dot_general3A_33 : vector<1000x16xf32>
    %logistic3A = arith.negf %sqrt3A_34 : vector<1000x16xf32>
    %logistic3A_35 = math.exp %logistic3A : vector<1000x16xf32>
    %logistic3A_36 = arith.constant 1.000000e+00 : f32
    %logistic3A_37 = vector.broadcast %logistic3A_36 : f32 to vector<1000x16xf32>
    %logistic3A_38 = arith.addf %logistic3A_37, %logistic3A_35 : vector<1000x16xf32>
    %logistic3A_39 = arith.divf %logistic3A_37, %logistic3A_38 : vector<1000x16xf32>
    %get3A_40 = arith.constant 0 : index
    %get3A_41 = arith.constant 0 : index
    %get3A_42 = vector.load %arg4[%get3A_40, %get3A_41] : memref<1000x48xf32, #tpu.memory_space<vmem>>, vector<1000x48xf32>
    %get3A_43 = arith.constant 0 : index
    %get3A_44 = arith.constant 0 : index
    %get3A_45 = vector.load %arg8[%get3A_43, %get3A_44] : memref<16x48xf32, #tpu.memory_space<vmem>>, vector<16x48xf32>
    %dot_general3A_46 = arith.constant dense<0.000000e+00> : vector<1000x48xf32>
    %dot_general3A_47 = tpu.matmul %logistic3A_39, %get3A_45, %dot_general3A_46 {dimension_numbers = #tpu.dot_dimension_numbers<[1], [0], [0], [1], [0, 0, 1, 1], [], []>, transpose_lhs_hint = false} : vector<1000x16xf32>, vector<16x48xf32>, vector<1000x48xf32> -> vector<1000x48xf32>
    %mul3A_48 = arith.mulf %dot_general3A_27, %dot_general3A_47 : vector<1000x48xf32>
    %add3A = arith.addf %get3A_42, %mul3A_48 : vector<1000x48xf32>
    %swap3A = arith.constant 0 : index
    %swap3A_49 = arith.constant 0 : index
    %swap3A_50 = vector.load %arg15[%swap3A, %swap3A_49] : memref<1000x48xf32, #tpu.memory_space<vmem>>, vector<1000x48xf32>
    tpu.vector_store %arg15[%swap3A, %swap3A_49], %add3A {strides = array<i32>} : memref<1000x48xf32, #tpu.memory_space<vmem>>, vector<1000x48xf32>,
    %get3A_51 = arith.constant 0 : index
    %get3A_52 = arith.constant 0 : index
    %get3A_53 = vector.load %arg9[%get3A_51, %get3A_52] : memref<128x128xf32, #tpu.memory_space<vmem>>, vector<128x128xf32>
    %dot_general3A_54 = arith.constant dense<0.000000e+00> : vector<1000x128xf32>
    %dot_general3A_55 = tpu.matmul %mul3A_9, %get3A_53, %dot_general3A_54 {dimension_numbers = #tpu.dot_dimension_numbers<[1], [0], [0], [1], [0, 0, 1, 1], [], []>, transpose_lhs_hint = false} : vector<1000x128xf32>, vector<128x128xf32>, vector<1000x128xf32> -> vector<1000x128xf32>
    %get3A_56 = arith.constant 0 : index
    %get3A_57 = arith.constant 0 : index
    %get3A_58 = vector.load %arg10[%get3A_56, %get3A_57] : memref<16x128xf32, #tpu.memory_space<vmem>>, vector<16x128xf32>
    %dot_general3A_59 = arith.constant dense<0.000000e+00> : vector<1000x128xf32>
    %dot_general3A_60 = tpu.matmul %sqrt3A, %get3A_58, %dot_general3A_59 {dimension_numbers = #tpu.dot_dimension_numbers<[1], [0], [0], [1], [0, 0, 1, 1], [], []>, transpose_lhs_hint = false} : vector<1000x16xf32>, vector<16x128xf32>, vector<1000x128xf32> -> vector<1000x128xf32>
    %add3A_61 = arith.addf %dot_general3A_55, %dot_general3A_60 : vector<1000x128xf32>
    %get3A_62 = arith.constant 0 : index
    %get3A_63 = arith.constant 0 : index
    %get3A_64 = vector.load %arg11[%get3A_62, %get3A_63] : memref<8x128xf32, #tpu.memory_space<vmem>>, vector<8x128xf32>
    %slice3A_65 = vector.extract_strided_slice %get3A_64 {offsets = [0, 0], sizes = [1, 128], strides = [1, 1]} : vector<8x128xf32> to vector<1x128xf32>
    %add3A_66 = vector.broadcast %slice3A_65 : vector<1x128xf32> to vector<1000x128xf32>
    %add3A_67 = arith.addf %add3A_61, %add3A_66 : vector<1000x128xf32>
    %max3A_68 = arith.constant 0.000000e+00 : f32
    %max3A_69 = vector.broadcast %max3A_68 : f32 to vector<1000x128xf32>
    %max3A_70 = arith.maximumf %add3A_67, %max3A_69 : vector<1000x128xf32>
    %get3A_71 = arith.constant 0 : index
    %get3A_72 = arith.constant 0 : index
    %get3A_73 = vector.load %arg3[%get3A_71, %get3A_72] : memref<1000x128xf32, #tpu.memory_space<vmem>>, vector<1000x128xf32>
    %add3A_74 = arith.addf %get3A_73, %max3A_70 : vector<1000x128xf32>
    %reduce_sum3A = arith.constant dense<0.000000e+00> : vector<1000xf32>
    %reduce_sum3A_75 = vector.multi_reduction <add>, %add3A_74, %reduce_sum3A [1] : vector<1000x128xf32> to vector<1000xf32>
    %broadcast_in_dim3A = vector.shape_cast %reduce_sum3A_75 : vector<1000xf32> to vector<1000x1xf32>
    %div3A_76 = arith.constant 1.280000e+02 : f32
    %div3A_77 = vector.broadcast %div3A_76 : f32 to vector<1000x1xf32>
    %div3A_78 = arith.divf %broadcast_in_dim3A, %div3A_77 : vector<1000x1xf32>
    %sub3A = vector.broadcast %div3A_78 : vector<1000x1xf32> to vector<1000x128xf32>
    %sub3A_79 = arith.subf %add3A_74, %sub3A : vector<1000x128xf32>
    %integer_pow3A = arith.mulf %sub3A_79, %sub3A_79 : vector<1000x128xf32>
    %reduce_sum3A_80 = arith.constant dense<0.000000e+00> : vector<1000xf32>
    %reduce_sum3A_81 = vector.multi_reduction <add>, %integer_pow3A, %reduce_sum3A_80 [1] : vector<1000x128xf32> to vector<1000xf32>
    %broadcast_in_dim3A_82 = vector.shape_cast %reduce_sum3A_81 : vector<1000xf32> to vector<1000x1xf32>
    %div3A_83 = arith.constant 1.280000e+02 : f32
    %div3A_84 = vector.broadcast %div3A_83 : f32 to vector<1000x1xf32>
    %div3A_85 = arith.divf %broadcast_in_dim3A_82, %div3A_84 : vector<1000x1xf32>
    %sub3A_86 = vector.broadcast %div3A_78 : vector<1000x1xf32> to vector<1000x128xf32>
    %sub3A_87 = arith.subf %add3A_74, %sub3A_86 : vector<1000x128xf32>
    %add3A_88 = arith.constant 9.99999974E-6 : f32
    %add3A_89 = vector.broadcast %add3A_88 : f32 to vector<1000x1xf32>
    %add3A_90 = arith.addf %div3A_85, %add3A_89 : vector<1000x1xf32>
    %rsqrt3A = math.rsqrt %add3A_90 : vector<1000x1xf32>
    %mul3A_91 = vector.broadcast %rsqrt3A : vector<1000x1xf32> to vector<1000x128xf32>
    %mul3A_92 = arith.mulf %sub3A_87, %mul3A_91 : vector<1000x128xf32>
    %get3A_93 = arith.constant 0 : index
    %get3A_94 = arith.constant 0 : index
    %get3A_95 = vector.load %arg12[%get3A_93, %get3A_94] : memref<8x128xf32, #tpu.memory_space<vmem>>, vector<8x128xf32>
    %slice3A_96 = vector.extract_strided_slice %get3A_95 {offsets = [0, 0], sizes = [1, 128], strides = [1, 1]} : vector<8x128xf32> to vector<1x128xf32>
    %mul3A_97 = vector.broadcast %slice3A_96 : vector<1x128xf32> to vector<1000x128xf32>
    %mul3A_98 = arith.mulf %mul3A_92, %mul3A_97 : vector<1000x128xf32>
    %get3A_99 = arith.constant 0 : index
    %get3A_100 = arith.constant 0 : index
    %get3A_101 = vector.load %arg13[%get3A_99, %get3A_100] : memref<8x128xf32, #tpu.memory_space<vmem>>, vector<8x128xf32>
    %slice3A_102 = vector.extract_strided_slice %get3A_101 {offsets = [0, 0], sizes = [1, 128], strides = [1, 1]} : vector<8x128xf32> to vector<1x128xf32>
    %add3A_103 = vector.broadcast %slice3A_102 : vector<1x128xf32> to vector<1000x128xf32>
    %add3A_104 = arith.addf %mul3A_98, %add3A_103 : vector<1000x128xf32>
    %swap3A_105 = arith.constant 0 : index
    %swap3A_106 = arith.constant 0 : index
    %swap3A_107 = vector.load %arg14[%swap3A_105, %swap3A_106] : memref<1000x128xf32, #tpu.memory_space<vmem>>, vector<1000x128xf32>
    tpu.vector_store %arg14[%swap3A_105, %swap3A_106], %add3A_104 {strides = array<i32>} : memref<1000x128xf32, #tpu.memory_space<vmem>>, vector<1000x128xf32>,
    return
  }
  func.func @transform_0(%arg0: i32) -> (i32, i32) {
    %c0_i32 = arith.constant 0 : i32
    %c0_i32_0 = arith.constant 0 : i32
    return %arg0, %c0_i32 : i32, i32
  }
  func.func @transform_1(%arg0: i32) -> (i32, i32) {
    %c0_i32 = arith.constant 0 : i32
    %c0_i32_0 = arith.constant 0 : i32
    return %arg0, %c0_i32 : i32, i32
  }
  func.func @transform_2(%arg0: i32) -> (i32, i32) {
    %c0_i32 = arith.constant 0 : i32
    %c0_i32_0 = arith.constant 0 : i32
    return %arg0, %c0_i32 : i32, i32
  }
  func.func @transform_3(%arg0: i32) -> (i32, i32) {
    %c0_i32 = arith.constant 0 : i32
    %c0_i32_0 = arith.constant 0 : i32
    return %arg0, %c0_i32 : i32, i32
  }
  func.func @transform_4(%arg0: i32) -> (i32, i32) {
    %c0_i32 = arith.constant 0 : i32
    %c0_i32_0 = arith.constant 0 : i32
    %c0_i32_1 = arith.constant 0 : i32
    return %c0_i32, %c0_i32_0 : i32, i32
  }
  func.func @transform_5(%arg0: i32) -> (i32, i32) {
    %c0_i32 = arith.constant 0 : i32
    %c0_i32_0 = arith.constant 0 : i32
    %c0_i32_1 = arith.constant 0 : i32
    return %c0_i32, %c0_i32_0 : i32, i32
  }
  func.func @transform_6(%arg0: i32) -> (i32, i32) {
    %c0_i32 = arith.constant 0 : i32
    %c0_i32_0 = arith.constant 0 : i32
    %c0_i32_1 = arith.constant 0 : i32
    return %c0_i32, %c0_i32_0 : i32, i32
  }
  func.func @transform_7(%arg0: i32) -> (i32, i32) {
    %c0_i32 = arith.constant 0 : i32
    %c0_i32_0 = arith.constant 0 : i32
    %c0_i32_1 = arith.constant 0 : i32
    return %c0_i32, %c0_i32_0 : i32, i32
  }
  func.func @transform_8(%arg0: i32) -> (i32, i32) {
    %c0_i32 = arith.constant 0 : i32
    %c0_i32_0 = arith.constant 0 : i32
    %c0_i32_1 = arith.constant 0 : i32
    return %c0_i32, %c0_i32_0 : i32, i32
  }
  func.func @transform_9(%arg0: i32) -> (i32, i32) {
    %c0_i32 = arith.constant 0 : i32
    %c0_i32_0 = arith.constant 0 : i32
    %c0_i32_1 = arith.constant 0 : i32
    return %c0_i32, %c0_i32_0 : i32, i32
  }
  func.func @transform_10(%arg0: i32) -> (i32, i32) {
    %c0_i32 = arith.constant 0 : i32
    %c0_i32_0 = arith.constant 0 : i32
    %c0_i32_1 = arith.constant 0 : i32
    return %c0_i32, %c0_i32_0 : i32, i32
  }
  func.func @transform_11(%arg0: i32) -> (i32, i32) {
    %c0_i32 = arith.constant 0 : i32
    %c0_i32_0 = arith.constant 0 : i32
    %c0_i32_1 = arith.constant 0 : i32
    return %c0_i32, %c0_i32_0 : i32, i32
  }
  func.func @transform_12(%arg0: i32) -> (i32, i32) {
    %c0_i32 = arith.constant 0 : i32
    %c0_i32_0 = arith.constant 0 : i32
    %c0_i32_1 = arith.constant 0 : i32
    return %c0_i32, %c0_i32_0 : i32, i32
  }
  func.func @transform_13(%arg0: i32) -> (i32, i32) {
    %c0_i32 = arith.constant 0 : i32
    %c0_i32_0 = arith.constant 0 : i32
    return %arg0, %c0_i32 : i32, i32
  }
  func.func @transform_14(%arg0: i32) -> (i32, i32) {
    %c0_i32 = arith.constant 0 : i32
    %c0_i32_0 = arith.constant 0 : i32
    return %arg0, %c0_i32 : i32, i32
  }
}

</mosaic_0001>

<sc_bundles>
// kernel: kernel.10.cloned.1.call-start
scs
__scs_entry_jumppad:
0x0: {  	(pc) =	sbr.rel $0x88, $3  }
0x1: {  	(tag) =	ssettag $0x0;
	lr =	simm.s32 $0x1  }
0x2: {  	[smem:$0x3F92] =	sst lr;
	_ =	strace $0xD0000000  }
0x3: {  	_ = 	snop  }
0x4: {  	_ = 	snop  }
0x5: {  	_ = 	snop  }
0x6: {  	_ = 	snop  }
0x7: {  	_ = 	snop  }
__scs_overlays_trampoline_lowered:
0x8: {  	[smem:$0x3FA1] =	sst s0  }
0x9: {  	[smem:$0x3FA2] =	sst s1  }
0xa: {  	[smem:$0x3FA3] =	sst s2  }
0xb: {  	[smem:$0x3FA4] =	sst s3  }
0xc: {  	[smem:$0x3FA5] =	sst s4  }
0xd: {  	[smem:$0x3FA6] =	sst s5  }
0xe: {  	[smem:$0x3FA7] =	sst s6  }
0xf: {  	[smem:$0x3FA8] =	sst s7  }
0x10: {  	[smem:$0x3FA9] =	sst s8  }
0x11: {  	[smem:$0x3FAA] =	sst s9;
	s0 =	simm.s32 @!p0 $0x0  }
0x12: {  	s1 =	sld [smem:$0x3F90];
	s0 =	simm.s32 @p0 $0x1  }
0x13: {  	[smem:$0x3FAB] =	sst s0;
	s0 =	simm.s32 @!p1 $0x0  }
0x14: {  	s2 =	sld [smem:$0x3F8F];
	s0 =	simm.s32 @p1 $0x1  }
0x15: {  	[smem:$0x3FAC] =	sst s0;
	s0 =	simm.s32 @!p2 $0x0  }
0x16: {  	s3 =	sld [smem:$0x3FDB];
	s0 =	simm.s32 @p2 $0x1  }
0x17: {  	s4 =	simm.s32 $0x1BF5;
	[smem:$0x3FAE] =	sst s0  }
0x18: {  	s0 =	sld [smem:$0x3F91];
	_ =	swait.ge [sflag:s4], $0x0  }
0x19: {  	s7 =	sld [smem:$0x3F92]  }
0x1a: {  	s8 =	sadd.s32 $0xFFFFE003, lr  }
0x1b: {  	s9 =	sadd.s32 $0xFFFFFEF7, lr;
	s5 =	simm.s32 $0xFFFFFFFF;
	p2 =	slt.u32 s8, $0xFFFFF086  }
0x1c: {  	p1 =	slt.u32 s9, $0xF7A;
	s5 =	simm.s32 @!p2 $0x0  }
0x1d: {  	s5 =	simm.s32 @p1 $0x1;
	p0 =	seq.s32 s7, s2  }
0x1e: {  	s7 =	smul.u32 @!p0 $0xF7A, s2;
	p2 =	seq.s32 @!p0 s5, $0x0  }
0x1f: {  	s9 =	smul.u32 $0xF7A, s1;
	s8 =	simm.s32 @!p0 $0x1BF5;
	p2 =	por !p2, p0  }
0x20: {  	[sflag:s8] =	ssyncset.s32 @!p0 $0xFFFFF086;
	s6 =	sadd.s32 @!p0 s3, s7;
	s7 =	simm.s32 @!p0 $0x108  }
0x21: {  	s3 =	sadd.s32 s3, s9;
	s6 =	sadd.s32 @!p0 $0x88, s6;
	s7 =	simm.s32 @p2 $0x1082  }
0x22: {  	[simem:s7], [sflag:s8] =	dma.local @!p0 [hbm:s6], $0xF7A  }
0x23: {  	s9 =	sor.u32 $0xD0000000, s2;
	s6 =	simm.s32 $0x108;
	_ =	swait.ge @!p0 [sflag:s8], $0x0  }
0x24: {  	s3 =	sadd.s32 $0x88, s3;
	s6 =	simm.s32 @!p1 $0x1082;
	[sflag:s4] =	ssyncset.s32 $0xFFFFF086  }
0x25: {  	[simem:s6], [sflag:s4] =	dma.local [hbm:s3], $0xF7A  }
0x26: {  	[smem:$0x3F92] =	sst s1;
	(tag) =	ssettag s2;
	_ =	strace s9  }
0x27: {  	s1 =	sld [smem:$0x3FA2]  }
0x28: {  	s2 =	sld [smem:$0x3FA3]  }
0x29: {  	s4 =	sld [smem:$0x3FA5]  }
0x2a: {  	p0 =	seq.s32 s5, $0x0;
	s5 =	sld [smem:$0x3FA6]  }
0x2b: {  	s6 =	sld [smem:$0x3FA7]  }
0x2c: {  	s7 =	sld [smem:$0x3FA8]  }
0x2d: {  	s3 =	simm.s32 $0x108;
	s8 =	sld [smem:$0x3FA9]  }
0x2e: {  	s3 =	simm.s32 @!p0 $0x1082;
	s9 =	sld [smem:$0x3FAA]  }
0x2f: {  	lr =	sadd.s32 s0, s3;
	s0 =	sld [smem:$0x3FA1]  }
0x30: {  	s3 =	sld [smem:$0x3FA4]  }
0x31: {  	[smem:$0x3FAD] =	sst s10  }
0x32: {  	s10 =	sld [smem:$0x3FAB];
	_ =	sdelay $0x3  }
0x33: {  	p0 =	seq.s32 s10, $0x1;
	s10 =	sld [smem:$0x3FAD];
	_ =	sdelay $0x3  }
0x34: {  	[smem:$0x3FAD] =	sst s10  }
0x35: {  	s10 =	sld [smem:$0x3FAC];
	_ =	sdelay $0x3  }
0x36: {  	p1 =	seq.s32 s10, $0x1;
	s10 =	sld [smem:$0x3FAD];
	_ =	sdelay $0x3  }
0x37: {  	[smem:$0x3FAD] =	sst s10  }
0x38: {  	s10 =	sld [smem:$0x3FAE]  }
0x39: {  	_ = 	snop;
	(pc) =	sbr.ind lr, $3  }
0x3a: {  	_ = 	snop  }
0x3b: {  	_ = 	snop  }
0x3c: {  	p2 =	seq.s32 s10, $0x1;
	s10 =	sld [smem:$0x3FAD]  }
0x3d: {  	_ =	shalt  }
0x3e: {  	_ =	shalt  }
0x3f: {  	_ =	shalt  }
0x40: {  	_ =	shalt  }
0x41: {  	_ =	shalt  }
0x42: {  	_ =	shalt  }
0x43: {  	_ =	shalt  }
0x44: {  	_ =	shalt  }
0x45: {  	_ =	shalt  }
0x46: {  	_ =	shalt  }
0x47: {  	_ =	shalt  }
0x48: {  	_ =	shalt  }
0x49: {  	_ =	shalt  }
0x4a: {  	_ =	shalt  }
0x4b: {  	_ =	shalt  }
0x4c: {  	_ =	shalt  }
0x4d: {  	_ =	shalt  }
0x4e: {  	_ =	shalt  }
0x4f: {  	_ =	shalt  }
0x50: {  	_ =	shalt  }
0x51: {  	_ =	shalt  }
0x52: {  	_ =	shalt  }
0x53: {  	_ =	shalt  }
0x54: {  	_ =	shalt  }
0x55: {  	_ =	shalt  }
0x56: {  	_ =	shalt  }
0x57: {  	_ =	shalt  }
0x58: {  	_ =	shalt  }
0x59: {  	_ =	shalt  }
0x5a: {  	_ =	shalt  }
0x5b: {  	_ =	shalt  }
0x5c: {  	_ =	shalt  }
0x5d: {  	_ =	shalt  }
0x5e: {  	_ =	shalt  }
0x5f: {  	_ =	shalt  }
0x60: {  	_ =	shalt  }
0x61: {  	_ =	shalt  }
0x62: {  	_ =	shalt  }
0x63: {  	_ =	shalt  }
0x64: {  	_ =	shalt  }
0x65: {  	_ =	shalt  }
0x66: {  	_ =	shalt  }
0x67: {  	_ =	shalt  }
0x68: {  	_ =	shalt  }
0x69: {  	_ =	shalt  }
0x6a: {  	_ =	shalt  }
0x6b: {  	_ =	shalt  }
0x6c: {  	_ =	shalt  }
0x6d: {  	_ =	shalt  }
0x6e: {  	_ =	shalt  }
0x6f: {  	_ =	shalt  }
0x70: {  	_ =	shalt  }
0x71: {  	_ =	shalt  }
0x72: {  	_ =	shalt  }
0x73: {  	_ =	shalt  }
0x74: {  	_ =	shalt  }
0x75: {  	_ =	shalt  }
0x76: {  	_ =	shalt  }
0x77: {  	_ =	shalt  }
0x78: {  	_ =	shalt  }
0x79: {  	_ =	shalt  }
0x7a: {  	_ =	shalt  }
0x7b: {  	_ =	shalt  }
0x7c: {  	_ =	shalt  }
0x7d: {  	_ =	shalt  }
0x7e: {  	_ =	shalt  }
0x7f: {  	_ =	shalt  }
0x80: {  	_ =	shalt  }
0x81: {  	_ =	shalt  }
0x82: {  	_ =	shalt  }
0x83: {  	_ =	shalt  }
0x84: {  	_ =	shalt  }
0x85: {  	_ =	shalt  }
0x86: {  	_ =	shalt  }
0x87: {  	_ =	shalt  }
.Lfunc_end0:
.L_simem_size_0:
called_computation.1_lowered:
.L_overlay_start_0:
0x88: {  	s2 =	sld [smem:$0x3FD9]  }
0x89: {  	s3 =	sld [smem:$0x3FFE];
	_ =	sdelay $0x1  }
0x8a: {  	s1 =	srdreg.scid  }
0x8b: {  	s0 =	sand.u32 $0x1, s1  }
0x8c: {  	s14 =	sshll.u32 s0, $0xA;
	s2 =	sadd.s32 s3, s2  }
0x8d: {  	s2 =	sadd.s32 s2, s14  }
0x8e: {  	[smem:$0x3FB9] =	sst s2  }
0x8f: {  	_ = 	snop  }
0x90: {  	s2 =	sld [smem:$0x3FD0];
	_ =	sdelay $0x2  }
0x91: {  	s15 =	simm.s32 $0xA;
	s4 =	simm.s32 $0x10  }
0x92: {  	[smem:s4], [sflag:s15] =	dma.local [hbm:s2], $0x1  }
0x93: {  	_ =	swait.eq [sflag:s15], $0x1  }
0x94: {  	[sflag:s15] =	ssyncset.done $0x0  }
0x95: {  	[sflag:s15] =	ssyncadd.s32 $0xFFFFFFFF  }
0x96: {  	s16 =	sld [smem:$0x10];
	(tm) =	ssettm $0x1  }
0x97: {  	s17 =	sld [smem:$0x3FFB];
	_ =	sdelay $0x3  }
0x98: {  	_ =	strace s17  }
0x99: {  	s3 =	sld [smem:$0x3FFC];
	_ =	sdelay $0x3  }
0x9a: {  	_ =	strace s3  }
0x9b: {  	s3 =	sld [smem:$0x3FFD];
	_ =	sdelay $0x3  }
0x9c: {  	_ =	strace s3  }
0x9d: {  	_ =	strace $0x8FFFFFFF  }
0x9e: {  	s18 =	sld [smem:$0x3FDB];
	_ =	sdelay $0x1  }
0x9f: {  	s19 =	simm.s32 $_scs_section_size  }
0xa0: {  	s5 =	simm.s32 $_size__tile_overlayer_lowered;
	s6 =	simm.s32 $_tile_overlayer_lowered  }
0xa1: {  	s22 =	simm.s32 $0x1BFF;
	s21 =	sshll.u32 s6, $0x1;
	s3 =	sadd.s32 s19, s18  }
0xa2: {  	s7 =	simm.s32 $0x0;
	s20 =	sshll.u32 s5, $0x1;
	s5 =	sadd.s32 s21, s3  }
0xa3: {  	[timem:s7], [sflag:s22] =	dma.local [hbm:s5], s20  }
0xa4: {  	_ =	swait.ge [sflag:s22], s20  }
0xa5: {  	s4 =	ssub.s32 $0x0, s20;
	[sflag:s22] =	ssyncset.done $0x0  }
0xa6: {  	[sflag:s22] =	ssyncadd.s32 s4;
	_ =	sdelay $0x1  }
0xa7: {  	s23 =	simm.s32 $0x1B8B  }
0xa8: {  	_ =	swait.ge [sflag:s23], $0x1  }
0xa9: {  	[sflag:s23] =	ssyncset.done $0x0  }
0xaa: {  	s25 =	simm.s32 $0x1B8E;
	s24 =	sld [smem:$0x3FFE];
	[sflag:s23] =	ssyncadd.s32 $0xFFFFFFFF  }
0xab: {  	s26 =	simm.s32 $execute0_lowered;
	[smem:$0x3FD2] =	sst s25  }
0xac: {  	s5 =	sshll.u32 s26, $0x1;
	_ =	strace $0x80000049;
	[dreg:$0x1] =	wrdreg $0xFFFFFFFF  }
0xad: {  	s28 =	simm.s32 $_size_execute0_lowered;
	s3 =	sadd.s32 s3, s5;
	[dreg:$0x0] =	wrdreg $0x0  }
0xae: {  	s5 =	sshll.u32 s28, $0x1;
	[dreg:$0x2] =	wrdreg s3  }
0xaf: {  	[dreg:$0x3] =	wrdreg s5  }
0xb0: {  	[dreg:$0x4] =	wrdreg $0xC0  }
0xb1: {  	_ =	task [dreg:s7], $0x5FFFF  }
0xb2: {  	[dreg:$0x1] =	wrdreg $0xFFFFFFFF  }
0xb3: {  	[dreg:$0x0] =	wrdreg $0x60  }
0xb4: {  	[dreg:$0x2] =	wrdreg s16  }
0xb5: {  	[dreg:$0x3] =	wrdreg s24  }
0xb6: {  	[dreg:$0x4] =	wrdreg $0x81000  }
0xb7: {  	[dreg:$0x5] =	wrdreg $0x121000  }
0xb8: {  	[dreg:$0x6] =	wrdreg $0x9  }
0xb9: {  	_ =	task.clear_ibuf [dreg:s7], $0x7FFFF;
	_ =	strace $0x90000049  }
0xba: {  	s29 =	simm.s32 $0x9;
	_ =	strace $0x8000004B  }
0xbb: {  	_ =	swait.ge [sflag:s29], $0x1  }
0xbc: {  	[sflag:s29] =	ssyncadd.s32 $0xFFFFFFFF  }
0xbd: {  	_ =	strace $0x9000004B  }
0xbe: {  	_ =	sfence  }
0xbf: {  	s30 =	sld [smem:$0x0];
	_ =	sdelay $0x2  }
0xc0: {  	s31 =	sshll.u32 s1, $0xD;
	s1 =	sshrl.u32 s1, $0x2  }
0xc1: {  	s3 =	sand.u32 $0x4000, s31;
	s1 =	sadd.s32 s1, s30  }
0xc2: {  	s0 =	sor.u32 s3, s0;
	s1 =	sshll.u32 s1, $0x11  }
0xc3: {  	s0 =	sor.u32 s1, s0  }
0xc4: {  	s0 =	sadd.s32 $0x8F2B, s0  }
0xc5: {  	[sflag:s0] =	ssyncadd.remote.s32 $0x1  }
0xc6: {  	_ =	sfence.sel $0xFFFF  }
0xc7: {  	[dreg:$0x0] =	wrdreg $0xFFFFFFFF;
	(pc) =	sbr.abs _section_cstart, $3  }
0xc8: {  	[dreg:$0x1] =	wrdreg $0xFFFFFFFF  }
0xc9: {  	_ =	task.clear_ibuf [dreg:s7], $0x2FFFF;
	_ =	strace $0x9FFFFFFF  }
0xca: {  	(tm) =	ssettm $0x7FFFFFFF  }
0xcb: {  	_ =	shalt  }
tec
execute0_lowered:
.L_overlay_start_1:
0x0: {  	(tag) =	ssettag $0x1  }
0x1: {  	s0 =	rddreg [dreg:$0x0]  }
0x2: {  	s1 =	rddreg [dreg:$0x1]  }
0x3: {  	s2 =	rddreg [dreg:$0x2]  }
0x4: {  	s3 =	rddreg [dreg:$0x3];
	s4 =	simm.s32 $0x0;
	s9 =	stileid.u32  }
0x5: {  	s5 =	srdreg.scid;
	s30 =	simm.s32 $0x100;
	s6 =	smul.u32 $0x4F000, s9  }
0x6: {  	s31 =	simm.s32 $0x1;
	s5 =	sand.u32 $0x1, s5;
	s16 =	smul.u32 $0xA000, s9  }
0x7: {  	[smem:$0x7FF] =	sst s4;
	s13 =	sadd.s32 $0x2DA00, s1;
	s12 =	smul.u32 $0xA0000, s5  }
0x8: {  	_ =	strace $0x8000004A;
	s7 =	ssub.s32 $0x2, s5;
	s5 =	smul.u32 $0x13C0, s5  }
0x9: {  	s6 =	sadd.s32 s6, s1;
	s8 =	sshrl.u32 s7, $0x1;
	s1 =	sadd.s32 $0x55A00, s1  }
0xa: {  	s19 =	sadd.s32 $0x2000, s16;
	s21 =	sadd.s32 $0x4000, s16;
	s23 =	sadd.s32 $0x6000, s16  }
0xb: {  	s25 =	sadd.s32 $0x8000, s16;
	s17 =	ssub.s32 s7, s8;
	s10 =	sadd.s32 s16, s12  }
0xc: {  	s14 =	sadd.s32 s12, s19;
	s18 =	sadd.s32 s12, s21;
	s28 =	sadd.s32 $0x1976200, s6  }
0xd: {  	s29 =	sadd.s32 $0x1E66200, s6;
	v0 =	vmov s5;
	s5 =	simm.s32 $0x0;
	s7 =	sshrl.u32 s10, $0x3  }
0xe: {  	s15 =	sshrl.u32 s14, $0x3;
	s20 =	sshrl.u32 s18, $0x3;
	s11 =	sadd.s32 s13, s7  }
0xf: {  	s14 =	sadd.s32 s12, s25;
	s7 =	sadd.s32 s1, s7;
	[dreg:$0x5] =	wrdreg s11  }
0x10: {  	s18 =	smul.u32 $0x9E0, s9;
	s10 =	sadd.s32 s13, s15;
	[dreg:$0x6] =	wrdreg s7  }
0x11: {  	s22 =	sadd.s32 s13, s20;
	s26 =	sshrl.u32 s14, $0x3;
	[dreg:$0x7] =	wrdreg s10  }
0x12: {  	s11 =	sadd.s32 s12, s23;
	s7 =	sadd.s32 s1, s15;
	[dreg:$0x9] =	wrdreg s22  }
0x13: {  	s10 =	sadd.s32 s1, s20;
	s14 =	sadd.s32 s1, s26;
	s15 =	sadd.s32 s16, s2  }
0x14: {  	s16 =	sadd.s32 s16, s3;
	s20 =	sadd.s32 s21, s2;
	s21 =	sadd.s32 s21, s3  }
0x15: {  	s22 =	sadd.s32 s23, s2;
	s23 =	sadd.s32 s23, s3;
	[dreg:$0x8] =	wrdreg s7  }
0x16: {  	s24 =	sshrl.u32 s11, $0x3;
	s7 =	sadd.s32 s18, s0;
	s18 =	sadd.s32 s19, s2  }
0x17: {  	s19 =	sadd.s32 s19, s3;
	s0 =	simm.s32 $0x4100;
	s11 =	sadd.s32 s13, s24  }
0x18: {  	s12 =	sadd.s32 s1, s24;
	s13 =	sadd.s32 s13, s26;
	s24 =	sadd.s32 s25, s2  }
0x19: {  	v1 =	vimm.f32 $0.0e+00;
	s25 =	sadd.s32 s25, s3;
	s26 =	smax.u32 s17, $0x1;
	s1 =	simm.s32 $0x80  }
.LBB2_1:
0x1a: {  	s6 =	simm.s32 $0x0;
	s17 =	simm.s32 $0x200  }
.LBB2_2:
0x1b: {  	p0 =	sne.s32 s17, $0xFE00;
	[tilespmem:s6+$0x170] =	vst v1  }
0x1c: {  	[tilespmem:s6+$0x100] =	vst v1  }
0x1d: {  	[tilespmem:s6+$0x110] =	vst v1  }
.Ltmp0:
0x1e: {  	[tilespmem:s6+$0x120] =	vst v1;
	(pc) =	sbr.rel @p0 .LBB2_2-.Ltmp0, $4  }
0x1f: {  	[tilespmem:s6+$0x130] =	vst v1  }
0x20: {  	[tilespmem:s6+$0x140] =	vst v1  }
0x21: {  	[tilespmem:s6+$0x150] =	vst v1  }
0x22: {  	[tilespmem:s6+$0x160] =	vst v1;
	s6 =	sshra.s32 s17, $0x2;
	s17 =	sadd.s32 $0x200, s17  }
0x23: {  	[tilespmem:s6+$0x170] =	vst v1  }
0x24: {  	[tilespmem:s6+$0x100] =	vst v1  }
0x25: {  	[tilespmem:s6+$0x110] =	vst v1  }
0x26: {  	[tilespmem:s6+$0x120] =	vst v1  }
0x27: {  	[tilespmem:s6+$0x130] =	vst v1  }
0x28: {  	[tilespmem:s6+$0x140] =	vst v1  }
0x29: {  	[tilespmem:s6+$0x150] =	vst v1  }
0x2a: {  	[tilespmem:s6+$0x160] =	vst v1  }
0x2b: {  	[spmem:s15] =	stream.linear.scatter [tilespmem:s30], [sflag:$0x1], $0x2000, $0x38;
	[tilespmem:$0x1C100] =	vst v63  }
0x2c: {  	_ =	swait.ge [sflag:s31], $0x2000  }
0x2d: {  	[sflag:s31] =	ssyncset.done $0x0  }
0x2e: {  	[sflag:s31] =	ssyncadd.s32 $0xFFFFE000  }
0x2f: {  	[spmem:s16] =	stream.linear.scatter [tilespmem:s30], [sflag:$0x1], $0x2000, $0x38;
	[tilespmem:$0x1C100] =	vst v63  }
0x30: {  	_ =	swait.ge [sflag:s31], $0x2000  }
0x31: {  	[sflag:s31] =	ssyncset.done $0x0  }
0x32: {  	[sflag:s31] =	ssyncadd.s32 $0xFFFFE000  }
0x33: {  	[spmem:s18] =	stream.linear.scatter [tilespmem:s30], [sflag:$0x1], $0x2000, $0x38;
	[tilespmem:$0x1C100] =	vst v63  }
0x34: {  	_ =	swait.ge [sflag:s31], $0x2000  }
0x35: {  	[sflag:s31] =	ssyncset.done $0x0  }
0x36: {  	[sflag:s31] =	ssyncadd.s32 $0xFFFFE000  }
0x37: {  	[spmem:s19] =	stream.linear.scatter [tilespmem:s30], [sflag:$0x1], $0x2000, $0x38;
	[tilespmem:$0x1C100] =	vst v63  }
0x38: {  	_ =	swait.ge [sflag:s31], $0x2000  }
0x39: {  	[sflag:s31] =	ssyncset.done $0x0  }
0x3a: {  	[sflag:s31] =	ssyncadd.s32 $0xFFFFE000  }
0x3b: {  	[spmem:s20] =	stream.linear.scatter [tilespmem:s30], [sflag:$0x1], $0x2000, $0x38;
	[tilespmem:$0x1C100] =	vst v63  }
0x3c: {  	_ =	swait.ge [sflag:s31], $0x2000  }
0x3d: {  	[sflag:s31] =	ssyncset.done $0x0  }
0x3e: {  	[sflag:s31] =	ssyncadd.s32 $0xFFFFE000  }
0x3f: {  	[spmem:s21] =	stream.linear.scatter [tilespmem:s30], [sflag:$0x1], $0x2000, $0x38;
	[tilespmem:$0x1C100] =	vst v63  }
0x40: {  	_ =	swait.ge [sflag:s31], $0x2000  }
0x41: {  	[sflag:s31] =	ssyncset.done $0x0  }
0x42: {  	[sflag:s31] =	ssyncadd.s32 $0xFFFFE000  }
0x43: {  	[spmem:s22] =	stream.linear.scatter [tilespmem:s30], [sflag:$0x1], $0x2000, $0x38;
	[tilespmem:$0x1C100] =	vst v63  }
0x44: {  	_ =	swait.ge [sflag:s31], $0x2000  }
0x45: {  	[sflag:s31] =	ssyncset.done $0x0  }
0x46: {  	[sflag:s31] =	ssyncadd.s32 $0xFFFFE000  }
0x47: {  	[spmem:s23] =	stream.linear.scatter [tilespmem:s30], [sflag:$0x1], $0x2000, $0x38;
	[tilespmem:$0x1C100] =	vst v63  }
0x48: {  	_ =	swait.ge [sflag:s31], $0x2000  }
0x49: {  	[sflag:s31] =	ssyncset.done $0x0  }
0x4a: {  	[sflag:s31] =	ssyncadd.s32 $0xFFFFE000  }
0x4b: {  	[spmem:s24] =	stream.linear.scatter [tilespmem:s30], [sflag:$0x1], $0x2000, $0x38;
	[tilespmem:$0x1C100] =	vst v63  }
0x4c: {  	_ =	swait.ge [sflag:s31], $0x2000  }
0x4d: {  	[sflag:s31] =	ssyncset.done $0x0  }
0x4e: {  	[sflag:s31] =	ssyncadd.s32 $0xFFFFE000  }
0x4f: {  	[spmem:s25] =	stream.linear.scatter [tilespmem:s30], [sflag:$0x1], $0x2000, $0x38;
	[tilespmem:$0x1C100] =	vst v63  }
0x50: {  	_ =	swait.ge [sflag:s31], $0x2000  }
0x51: {  	[sflag:s31] =	ssyncset.done $0x0  }
0x52: {  	[sflag:s31] =	ssyncadd.s32 $0xFFFFE000  }
0x53: {  	[bflag:$0x0] =	sbarrier.arrive $0xFFFF  }
0x54: {  	[tilespmem:s4], [sflag:$0x1] =	stream.linear.gather [hbm4b:s7+s4], $0x80, $0x38;
	[tilespmem:$0x1C100] =	vst v63  }
0x55: {  	_ =	swait.ge [sflag:s31], $0x80  }
0x56: {  	[sflag:s31] =	ssyncset.done $0x0  }
0x57: {  	s9 =	sadd.s32 $0x0, s28;
	[sflag:s31] =	ssyncadd.s32 $0xFFFFFF80  }
0x58: {  	[tilespmem:s30], [sflag:$0x1] =	stream.linear.gather [hbm4b:s9+s4], $0x4000, $0x38;
	[tilespmem:$0x1C100] =	vst v63  }
0x59: {  	_ =	swait.ge [sflag:s31], $0x4000  }
0x5a: {  	[sflag:s31] =	ssyncset.done $0x0  }
0x5b: {  	s17 =	sadd.s32 $0x0, s29;
	[sflag:s31] =	ssyncadd.s32 $0xFFFFC000  }
0x5c: {  	[tilespmem:s0], [sflag:$0x1] =	stream.linear.gather [hbm4b:s17+s4], $0x4000, $0x38;
	[tilespmem:$0x1C100] =	vst v63  }
0x5d: {  	_ =	swait.ge [sflag:s31], $0x4000  }
0x5e: {  	[sflag:s31] =	ssyncset.done $0x0  }
0x5f: {  	[sflag:s31] =	ssyncadd.s32 $0xFFFFC000  }
0x60: {  	v2 =	vld [tilespmem:$0x50]  }
0x61: {  	v3 =	vld [tilespmem:$0x30]  }
0x62: {  	v4 =	vld [tilespmem:$0x20]  }
0x63: {  	v5 =	vld [tilespmem:$0x10]  }
0x64: {  	v6 =	vld [tilespmem:$0x40]  }
0x65: {  	v7 =	vld [tilespmem:$0x0];
	v2 =	vsub.s32 v2, v0  }
0x66: {  	v8 =	vld [tilespmem:$0x60];
	v3 =	vsub.s32 v3, v0;
	v2 =	vmin.u32 v2, $0x13C0  }
0x67: {  	v9 =	vld [tilespmem:$0x70];
	v4 =	vsub.s32 v4, v0;
	v3 =	vmin.u32 v3, $0x13C0;
	[tilespmem:$0xD0] =	vst v2  }
0x68: {  	v4 =	vmin.u32 v4, $0x13C0;
	v2 =	vsub.s32 v5, v0;
	[tilespmem:$0xB0] =	vst v3  }
0x69: {  	[tilespmem:$0xA0] =	vst v4;
	v3 =	vsub.s32 v6, v0;
	v2 =	vmin.u32 v2, $0x13C0  }
0x6a: {  	v4 =	vsub.s32 v7, v0;
	[tilespmem:$0x90] =	vst v2;
	v2 =	vmin.u32 v3, $0x13C0  }
0x6b: {  	v3 =	vmin.u32 v4, $0x13C0;
	[tilespmem:$0xC0] =	vst v2;
	v2 =	vsub.s32 v8, v0  }
0x6c: {  	s6 =	simm.s32 $0x800;
	s17 =	smov.u32 s7;
	[tilespmem:$0x80] =	vst v3;
	v3 =	vsub.s32 v9, v0;
	v2 =	vmin.u32 v2, $0x13C0  }
.LBB2_4:
0x6d: {  	p0 =	sne.s32 s6, $0x4E800  }
0x6e: {  	[tilespmem:$0xE0] =	vst v2;
	v2 =	vmin.u32 v3, $0x13C0;
	s17 =	sadd.s32 $0x10, s17;
	s8 =	smov.u32 s6;
	s6 =	sadd.s32 $0x800, s6  }
0x6f: {  	[tilespmem:$0xF0] =	vst v2  }
0x70: {  	[spmem:s2] =	stream.indirect.scatter.add.f32 [tilespmem:s30], [sflag:$0x1], $0x80, s1, s1, $0xb8;
	[tilespmem:$0x1C100] =	vst v63  }
0x71: {  	_ =	swait.ge [sflag:s31], $0x4000  }
0x72: {  	[sflag:s31] =	ssyncset.done $0x0  }
0x73: {  	[sflag:s31] =	ssyncadd.s32 $0xFFFFC000  }
0x74: {  	[spmem:s3] =	stream.indirect.scatter.add.f32 [tilespmem:s0], [sflag:$0x1], $0x80, s1, s1, $0xb8;
	[tilespmem:$0x1C100] =	vst v63  }
0x75: {  	_ =	swait.ge [sflag:s31], $0x4000  }
0x76: {  	[sflag:s31] =	ssyncset.done $0x0  }
0x77: {  	[sflag:s31] =	ssyncadd.s32 $0xFFFFC000  }
0x78: {  	[tilespmem:s4], [sflag:$0x1] =	stream.linear.gather [hbm4b:s17+s4], $0x80, $0x38;
	[tilespmem:$0x1C100] =	vst v63  }
0x79: {  	_ =	swait.ge [sflag:s31], $0x80  }
0x7a: {  	[sflag:s31] =	ssyncset.done $0x0  }
0x7b: {  	s9 =	sadd.s32 s8, s28;
	[sflag:s31] =	ssyncadd.s32 $0xFFFFFF80  }
0x7c: {  	[tilespmem:s30], [sflag:$0x1] =	stream.linear.gather [hbm4b:s9+s4], $0x4000, $0x38;
	[tilespmem:$0x1C100] =	vst v63  }
0x7d: {  	_ =	swait.ge [sflag:s31], $0x4000  }
0x7e: {  	[sflag:s31] =	ssyncset.done $0x0  }
0x7f: {  	s8 =	sadd.s32 s8, s29;
	[sflag:s31] =	ssyncadd.s32 $0xFFFFC000  }
0x80: {  	[tilespmem:s0], [sflag:$0x1] =	stream.linear.gather [hbm4b:s8+s4], $0x4000, $0x38;
	[tilespmem:$0x1C100] =	vst v63  }
0x81: {  	_ =	swait.ge [sflag:s31], $0x4000  }
0x82: {  	[sflag:s31] =	ssyncset.done $0x0  }
0x83: {  	[sflag:s31] =	ssyncadd.s32 $0xFFFFC000  }
0x84: {  	v2 =	vld [tilespmem:$0x50]  }
0x85: {  	v3 =	vld [tilespmem:$0x30]  }
0x86: {  	v4 =	vld [tilespmem:$0x20]  }
0x87: {  	v5 =	vld [tilespmem:$0x10]  }
0x88: {  	v6 =	vld [tilespmem:$0x40]  }
0x89: {  	v7 =	vld [tilespmem:$0x0];
	v2 =	vsub.s32 v2, v0  }
0x8a: {  	v3 =	vsub.s32 v3, v0;
	v2 =	vmin.u32 v2, $0x13C0;
	v8 =	vld [tilespmem:$0x60]  }
0x8b: {  	v4 =	vsub.s32 v4, v0;
	v3 =	vmin.u32 v3, $0x13C0;
	[tilespmem:$0xD0] =	vst v2;
	v9 =	vld [tilespmem:$0x70]  }
.Ltmp1:
0x8c: {  	v2 =	vsub.s32 v5, v0;
	v4 =	vmin.u32 v4, $0x13C0;
	[tilespmem:$0xB0] =	vst v3;
	(pc) =	sbr.rel @p0 .LBB2_4-.Ltmp1, $4  }
0x8d: {  	v2 =	vmin.u32 v2, $0x13C0;
	[tilespmem:$0xA0] =	vst v4;
	v3 =	vsub.s32 v6, v0  }
0x8e: {  	v4 =	vsub.s32 v7, v0;
	[tilespmem:$0x90] =	vst v2;
	v2 =	vmin.u32 v3, $0x13C0  }
0x8f: {  	v3 =	vmin.u32 v4, $0x13C0;
	[tilespmem:$0xC0] =	vst v2;
	v2 =	vsub.s32 v8, v0  }
0x90: {  	[tilespmem:$0x80] =	vst v3;
	v2 =	vmin.u32 v2, $0x13C0;
	v3 =	vsub.s32 v9, v0  }
0x91: {  	[tilespmem:$0xE0] =	vst v2;
	v2 =	vmin.u32 v3, $0x13C0  }
0x92: {  	[tilespmem:$0xF0] =	vst v2  }
0x93: {  	[spmem:s2] =	stream.indirect.scatter.add.f32 [tilespmem:s30], [sflag:$0x1], $0x80, s1, s1, $0xb8;
	[tilespmem:$0x1C100] =	vst v63  }
0x94: {  	_ =	swait.ge [sflag:s31], $0x4000  }
0x95: {  	[sflag:s31] =	ssyncset.done $0x0  }
0x96: {  	[sflag:s31] =	ssyncadd.s32 $0xFFFFC000  }
0x97: {  	[spmem:s3] =	stream.indirect.scatter.add.f32 [tilespmem:s0], [sflag:$0x1], $0x80, s1, s1, $0xb8;
	[tilespmem:$0x1C100] =	vst v63  }
0x98: {  	_ =	swait.ge [sflag:s31], $0x4000  }
0x99: {  	[sflag:s31] =	ssyncset.done $0x0  }
0x9a: {  	[sflag:s31] =	ssyncadd.s32 $0xFFFFC000  }
0x9b: {  	[bflag:$0x0] =	sbarrier.arrive $0xFFFF  }
0x9c: {  	[tilespmem:s30], [sflag:$0x1] =	stream.linear.gather [spmem:s15], $0x2000, $0x38;
	[tilespmem:$0x1C100] =	vst v63  }
0x9d: {  	_ =	swait.ge [sflag:s31], $0x2000  }
0x9e: {  	[sflag:s31] =	ssyncset.done $0x0  }
0x9f: {  	s6 =	rddreg [dreg:$0x5];
	[sflag:s31] =	ssyncadd.s32 $0xFFFFE000  }
0xa0: {  	[hbm4b:s6+s4] =	stream.linear.scatter [tilespmem:s30], [sflag:$0x1], $0x2000, $0x38;
	[tilespmem:$0x1C100] =	vst v63  }
0xa1: {  	_ =	swait.ge [sflag:s31], $0x2000  }
0xa2: {  	[sflag:s31] =	ssyncset.done $0x0  }
0xa3: {  	[sflag:s31] =	ssyncadd.s32 $0xFFFFE000  }
0xa4: {  	[tilespmem:s0], [sflag:$0x1] =	stream.linear.gather [spmem:s16], $0x2000, $0x38;
	[tilespmem:$0x1C100] =	vst v63  }
0xa5: {  	_ =	swait.ge [sflag:s31], $0x2000  }
0xa6: {  	[sflag:s31] =	ssyncset.done $0x0  }
0xa7: {  	s17 =	rddreg [dreg:$0x6];
	[sflag:s31] =	ssyncadd.s32 $0xFFFFE000  }
0xa8: {  	[hbm4b:s17+s4] =	stream.linear.scatter [tilespmem:s0], [sflag:$0x1], $0x2000, $0x38;
	[tilespmem:$0x1C100] =	vst v63  }
0xa9: {  	_ =	swait.ge [sflag:s31], $0x2000  }
0xaa: {  	[sflag:s31] =	ssyncset.done $0x0  }
0xab: {  	[sflag:s31] =	ssyncadd.s32 $0xFFFFE000  }
0xac: {  	[tilespmem:s30], [sflag:$0x1] =	stream.linear.gather [spmem:s18], $0x2000, $0x38;
	[tilespmem:$0x1C100] =	vst v63  }
0xad: {  	_ =	swait.ge [sflag:s31], $0x2000  }
0xae: {  	[sflag:s31] =	ssyncset.done $0x0  }
0xaf: {  	s8 =	rddreg [dreg:$0x7];
	[sflag:s31] =	ssyncadd.s32 $0xFFFFE000  }
0xb0: {  	[hbm4b:s8+s4] =	stream.linear.scatter [tilespmem:s30], [sflag:$0x1], $0x2000, $0x38;
	[tilespmem:$0x1C100] =	vst v63  }
0xb1: {  	_ =	swait.ge [sflag:s31], $0x2000  }
0xb2: {  	[sflag:s31] =	ssyncset.done $0x0  }
0xb3: {  	[sflag:s31] =	ssyncadd.s32 $0xFFFFE000  }
0xb4: {  	[tilespmem:s0], [sflag:$0x1] =	stream.linear.gather [spmem:s19], $0x2000, $0x38;
	[tilespmem:$0x1C100] =	vst v63  }
0xb5: {  	_ =	swait.ge [sflag:s31], $0x2000  }
0xb6: {  	[sflag:s31] =	ssyncset.done $0x0  }
0xb7: {  	s9 =	rddreg [dreg:$0x8];
	[sflag:s31] =	ssyncadd.s32 $0xFFFFE000  }
0xb8: {  	[hbm4b:s9+s4] =	stream.linear.scatter [tilespmem:s0], [sflag:$0x1], $0x2000, $0x38;
	[tilespmem:$0x1C100] =	vst v63  }
0xb9: {  	_ =	swait.ge [sflag:s31], $0x2000  }
0xba: {  	[sflag:s31] =	ssyncset.done $0x0  }
0xbb: {  	[sflag:s31] =	ssyncadd.s32 $0xFFFFE000  }
0xbc: {  	[tilespmem:s30], [sflag:$0x1] =	stream.linear.gather [spmem:s20], $0x2000, $0x38;
	[tilespmem:$0x1C100] =	vst v63  }
0xbd: {  	_ =	swait.ge [sflag:s31], $0x2000  }
0xbe: {  	[sflag:s31] =	ssyncset.done $0x0  }
0xbf: {  	s17 =	rddreg [dreg:$0x9];
	[sflag:s31] =	ssyncadd.s32 $0xFFFFE000  }
0xc0: {  	[hbm4b:s17+s4] =	stream.linear.scatter [tilespmem:s30], [sflag:$0x1], $0x2000, $0x38;
	[tilespmem:$0x1C100] =	vst v63  }
0xc1: {  	_ =	swait.ge [sflag:s31], $0x2000  }
0xc2: {  	[sflag:s31] =	ssyncset.done $0x0  }
0xc3: {  	[sflag:s31] =	ssyncadd.s32 $0xFFFFE000  }
0xc4: {  	[tilespmem:s0], [sflag:$0x1] =	stream.linear.gather [spmem:s21], $0x2000, $0x38;
	[tilespmem:$0x1C100] =	vst v63  }
0xc5: {  	_ =	swait.ge [sflag:s31], $0x2000  }
0xc6: {  	[sflag:s31] =	ssyncset.done $0x0  }
0xc7: {  	[sflag:s31] =	ssyncadd.s32 $0xFFFFE000  }
0xc8: {  	[hbm4b:s10+s4] =	stream.linear.scatter [tilespmem:s0], [sflag:$0x1], $0x2000, $0x38;
	[tilespmem:$0x1C100] =	vst v63  }
0xc9: {  	_ =	swait.ge [sflag:s31], $0x2000  }
0xca: {  	[sflag:s31] =	ssyncset.done $0x0  }
0xcb: {  	[sflag:s31] =	ssyncadd.s32 $0xFFFFE000  }
0xcc: {  	[tilespmem:s30], [sflag:$0x1] =	stream.linear.gather [spmem:s22], $0x2000, $0x38;
	[tilespmem:$0x1C100] =	vst v63  }
0xcd: {  	_ =	swait.ge [sflag:s31], $0x2000  }
0xce: {  	[sflag:s31] =	ssyncset.done $0x0  }
0xcf: {  	[sflag:s31] =	ssyncadd.s32 $0xFFFFE000  }
0xd0: {  	[hbm4b:s11+s4] =	stream.linear.scatter [tilespmem:s30], [sflag:$0x1], $0x2000, $0x38;
	[tilespmem:$0x1C100] =	vst v63  }
0xd1: {  	_ =	swait.ge [sflag:s31], $0x2000  }
0xd2: {  	[sflag:s31] =	ssyncset.done $0x0  }
0xd3: {  	[sflag:s31] =	ssyncadd.s32 $0xFFFFE000  }
0xd4: {  	[tilespmem:s0], [sflag:$0x1] =	stream.linear.gather [spmem:s23], $0x2000, $0x38;
	[tilespmem:$0x1C100] =	vst v63  }
0xd5: {  	_ =	swait.ge [sflag:s31], $0x2000  }
0xd6: {  	[sflag:s31] =	ssyncset.done $0x0  }
0xd7: {  	[sflag:s31] =	ssyncadd.s32 $0xFFFFE000  }
0xd8: {  	[hbm4b:s12+s4] =	stream.linear.scatter [tilespmem:s0], [sflag:$0x1], $0x2000, $0x38;
	[tilespmem:$0x1C100] =	vst v63  }
0xd9: {  	_ =	swait.ge [sflag:s31], $0x2000  }
0xda: {  	[sflag:s31] =	ssyncset.done $0x0  }
0xdb: {  	[sflag:s31] =	ssyncadd.s32 $0xFFFFE000  }
0xdc: {  	[tilespmem:s30], [sflag:$0x1] =	stream.linear.gather [spmem:s24], $0x2000, $0x38;
	[tilespmem:$0x1C100] =	vst v63  }
0xdd: {  	_ =	swait.ge [sflag:s31], $0x2000  }
0xde: {  	[sflag:s31] =	ssyncset.done $0x0  }
0xdf: {  	[sflag:s31] =	ssyncadd.s32 $0xFFFFE000  }
0xe0: {  	[hbm4b:s13+s4] =	stream.linear.scatter [tilespmem:s30], [sflag:$0x1], $0x2000, $0x38;
	[tilespmem:$0x1C100] =	vst v63  }
0xe1: {  	_ =	swait.ge [sflag:s31], $0x2000  }
0xe2: {  	[sflag:s31] =	ssyncset.done $0x0  }
0xe3: {  	[sflag:s31] =	ssyncadd.s32 $0xFFFFE000  }
0xe4: {  	[tilespmem:s0], [sflag:$0x1] =	stream.linear.gather [spmem:s25], $0x2000, $0x38;
	[tilespmem:$0x1C100] =	vst v63  }
0xe5: {  	s5 =	sadd.s32 $0x1, s5;
	_ =	swait.ge [sflag:s31], $0x2000  }
0xe6: {  	p0 =	sne.s32 s5, s26;
	[sflag:s31] =	ssyncset.done $0x0  }
.Ltmp2:
0xe7: {  	[sflag:s31] =	ssyncadd.s32 $0xFFFFE000;
	(pc) =	sbr.rel @p0 .LBB2_1-.Ltmp2, $4  }
0xe8: {  	[hbm4b:s14+s4] =	stream.linear.scatter [tilespmem:s0], [sflag:$0x1], $0x2000, $0x38;
	[tilespmem:$0x1C100] =	vst v63  }
0xe9: {  	_ =	swait.ge [sflag:s31], $0x2000  }
0xea: {  	[sflag:s31] =	ssyncset.done $0x0  }
0xeb: {  	[sflag:s31] =	ssyncadd.s32 $0xFFFFE000  }
0xec: {  	_ =	sfence.sel $0x180000  }
0xed: {  	[bflag:$0x0] =	sbarrier.arrive $0xFFFF  }
0xee: {  	_ =	strace $0x9000004A  }
0xef: {  	s0 =	stileid.u32;
	[bflag:$0x2] =	sbarrier.arrive $0xFFFF  }
0xf0: {  	p0 =	sne.s32 s0, $0x0;
	s0 =	rddreg [dreg:$0x4]  }
0xf1: {  	s0 =	sadd.s32 @!p0 $0x100000, s0  }
0xf2: {  	[sflag:s0] =	ssyncadd.tile.s32 @!p0 $0x1;
	_ =	shalt  }
.Lfunc_end2:
_tile_overlayer_lowered:
.L_overlay_start_2:
0xf3: {  	(tag) =	ssettag $0x2  }
0xf4: {  	s0 =	rddreg [dreg:$0x0];
	s2 =	stileid.u32  }
0xf5: {  	s1 =	rddreg [dreg:$0x1];
	p0 =	sne.s32 s2, $0x0  }
0xf6: {  	s3 =	rddreg [dreg:$0x2];
	[bflag:$0x3] =	sbarrier.arrive $0xFFFF;
	s2 =	simm.s32 @!p0 $0x1C01  }
0xf7: {  	[timem:s3], [sflag:s2] =	dma.local @!p0 [hbm:s0], s1  }
0xf8: {  	s0 =	simm.s32 @!p0 $0x1  }
0xf9: {  	_ =	swait.ge @!p0 [sflag:s0], s1  }
0xfa: {  	s1 =	ssub.s32 @!p0 $0x0, s1;
	[sflag:s0] =	ssyncset.done @!p0 $0x0  }
0xfb: {  	[sflag:s0] =	ssyncadd.s32 @!p0 s1  }
0xfc: {  	[bflag:$0x3] =	sbarrier.arrive $0xFFFF  }
0xfd: {  	_ =	shalt  }

// kernel: kernel.7.cloned.1.call-start
scs
__scs_entry_jumppad:
0x0: {  	(pc) =	sbr.rel $0x88, $3  }
0x1: {  	(tag) =	ssettag $0x0;
	lr =	simm.s32 $0x1  }
0x2: {  	[smem:$0x3F92] =	sst lr;
	_ =	strace $0xD0000000  }
0x3: {  	_ = 	snop  }
0x4: {  	_ = 	snop  }
0x5: {  	_ = 	snop  }
0x6: {  	_ = 	snop  }
0x7: {  	_ = 	snop  }
__scs_overlays_trampoline_lowered:
0x8: {  	[smem:$0x3FA1] =	sst s0  }
0x9: {  	[smem:$0x3FA2] =	sst s1  }
0xa: {  	[smem:$0x3FA3] =	sst s2  }
0xb: {  	[smem:$0x3FA4] =	sst s3  }
0xc: {  	[smem:$0x3FA5] =	sst s4  }
0xd: {  	[smem:$0x3FA6] =	sst s5  }
0xe: {  	[smem:$0x3FA7] =	sst s6  }
0xf: {  	[smem:$0x3FA8] =	sst s7  }
0x10: {  	[smem:$0x3FA9] =	sst s8  }
0x11: {  	[smem:$0x3FAA] =	sst s9;
	s0 =	simm.s32 @!p0 $0x0  }
0x12: {  	s1 =	sld [smem:$0x3F90];
	s0 =	simm.s32 @p0 $0x1  }
0x13: {  	[smem:$0x3FAB] =	sst s0;
	s0 =	simm.s32 @!p1 $0x0  }
0x14: {  	s2 =	sld [smem:$0x3F8F];
	s0 =	simm.s32 @p1 $0x1  }
0x15: {  	[smem:$0x3FAC] =	sst s0;
	s0 =	simm.s32 @!p2 $0x0  }
0x16: {  	s3 =	sld [smem:$0x3FDB];
	s0 =	simm.s32 @p2 $0x1  }
0x17: {  	s4 =	simm.s32 $0x1BF5;
	[smem:$0x3FAE] =	sst s0  }
0x18: {  	s0 =	sld [smem:$0x3F91];
	_ =	swait.ge [sflag:s4], $0x0  }
0x19: {  	s7 =	sld [smem:$0x3F92]  }
0x1a: {  	s8 =	sadd.s32 $0xFFFFE003, lr  }
0x1b: {  	s9 =	sadd.s32 $0xFFFFFEF7, lr;
	s5 =	simm.s32 $0xFFFFFFFF;
	p2 =	slt.u32 s8, $0xFFFFF086  }
0x1c: {  	p1 =	slt.u32 s9, $0xF7A;
	s5 =	simm.s32 @!p2 $0x0  }
0x1d: {  	s5 =	simm.s32 @p1 $0x1;
	p0 =	seq.s32 s7, s2  }
0x1e: {  	s7 =	smul.u32 @!p0 $0xF7A, s2;
	p2 =	seq.s32 @!p0 s5, $0x0  }
0x1f: {  	s9 =	smul.u32 $0xF7A, s1;
	s8 =	simm.s32 @!p0 $0x1BF5;
	p2 =	por !p2, p0  }
0x20: {  	[sflag:s8] =	ssyncset.s32 @!p0 $0xFFFFF086;
	s6 =	sadd.s32 @!p0 s3, s7;
	s7 =	simm.s32 @!p0 $0x108  }
0x21: {  	s3 =	sadd.s32 s3, s9;
	s6 =	sadd.s32 @!p0 $0x88, s6;
	s7 =	simm.s32 @p2 $0x1082  }
0x22: {  	[simem:s7], [sflag:s8] =	dma.local @!p0 [hbm:s6], $0xF7A  }
0x23: {  	s9 =	sor.u32 $0xD0000000, s2;
	s6 =	simm.s32 $0x108;
	_ =	swait.ge @!p0 [sflag:s8], $0x0  }
0x24: {  	s3 =	sadd.s32 $0x88, s3;
	s6 =	simm.s32 @!p1 $0x1082;
	[sflag:s4] =	ssyncset.s32 $0xFFFFF086  }
0x25: {  	[simem:s6], [sflag:s4] =	dma.local [hbm:s3], $0xF7A  }
0x26: {  	[smem:$0x3F92] =	sst s1;
	(tag) =	ssettag s2;
	_ =	strace s9  }
0x27: {  	s1 =	sld [smem:$0x3FA2]  }
0x28: {  	s2 =	sld [smem:$0x3FA3]  }
0x29: {  	s4 =	sld [smem:$0x3FA5]  }
0x2a: {  	p0 =	seq.s32 s5, $0x0;
	s5 =	sld [smem:$0x3FA6]  }
0x2b: {  	s6 =	sld [smem:$0x3FA7]  }
0x2c: {  	s7 =	sld [smem:$0x3FA8]  }
0x2d: {  	s3 =	simm.s32 $0x108;
	s8 =	sld [smem:$0x3FA9]  }
0x2e: {  	s3 =	simm.s32 @!p0 $0x1082;
	s9 =	sld [smem:$0x3FAA]  }
0x2f: {  	lr =	sadd.s32 s0, s3;
	s0 =	sld [smem:$0x3FA1]  }
0x30: {  	s3 =	sld [smem:$0x3FA4]  }
0x31: {  	[smem:$0x3FAD] =	sst s10  }
0x32: {  	s10 =	sld [smem:$0x3FAB];
	_ =	sdelay $0x3  }
0x33: {  	p0 =	seq.s32 s10, $0x1;
	s10 =	sld [smem:$0x3FAD];
	_ =	sdelay $0x3  }
0x34: {  	[smem:$0x3FAD] =	sst s10  }
0x35: {  	s10 =	sld [smem:$0x3FAC];
	_ =	sdelay $0x3  }
0x36: {  	p1 =	seq.s32 s10, $0x1;
	s10 =	sld [smem:$0x3FAD];
	_ =	sdelay $0x3  }
0x37: {  	[smem:$0x3FAD] =	sst s10  }
0x38: {  	s10 =	sld [smem:$0x3FAE]  }
0x39: {  	_ = 	snop;
	(pc) =	sbr.ind lr, $3  }
0x3a: {  	_ = 	snop  }
0x3b: {  	_ = 	snop  }
0x3c: {  	p2 =	seq.s32 s10, $0x1;
	s10 =	sld [smem:$0x3FAD]  }
0x3d: {  	_ =	shalt  }
0x3e: {  	_ =	shalt  }
0x3f: {  	_ =	shalt  }
0x40: {  	_ =	shalt  }
0x41: {  	_ =	shalt  }
0x42: {  	_ =	shalt  }
0x43: {  	_ =	shalt  }
0x44: {  	_ =	shalt  }
0x45: {  	_ =	shalt  }
0x46: {  	_ =	shalt  }
0x47: {  	_ =	shalt  }
0x48: {  	_ =	shalt  }
0x49: {  	_ =	shalt  }
0x4a: {  	_ =	shalt  }
0x4b: {  	_ =	shalt  }
0x4c: {  	_ =	shalt  }
0x4d: {  	_ =	shalt  }
0x4e: {  	_ =	shalt  }
0x4f: {  	_ =	shalt  }
0x50: {  	_ =	shalt  }
0x51: {  	_ =	shalt  }
0x52: {  	_ =	shalt  }
0x53: {  	_ =	shalt  }
0x54: {  	_ =	shalt  }
0x55: {  	_ =	shalt  }
0x56: {  	_ =	shalt  }
0x57: {  	_ =	shalt  }
0x58: {  	_ =	shalt  }
0x59: {  	_ =	shalt  }
0x5a: {  	_ =	shalt  }
0x5b: {  	_ =	shalt  }
0x5c: {  	_ =	shalt  }
0x5d: {  	_ =	shalt  }
0x5e: {  	_ =	shalt  }
0x5f: {  	_ =	shalt  }
0x60: {  	_ =	shalt  }
0x61: {  	_ =	shalt  }
0x62: {  	_ =	shalt  }
0x63: {  	_ =	shalt  }
0x64: {  	_ =	shalt  }
0x65: {  	_ =	shalt  }
0x66: {  	_ =	shalt  }
0x67: {  	_ =	shalt  }
0x68: {  	_ =	shalt  }
0x69: {  	_ =	shalt  }
0x6a: {  	_ =	shalt  }
0x6b: {  	_ =	shalt  }
0x6c: {  	_ =	shalt  }
0x6d: {  	_ =	shalt  }
0x6e: {  	_ =	shalt  }
0x6f: {  	_ =	shalt  }
0x70: {  	_ =	shalt  }
0x71: {  	_ =	shalt  }
0x72: {  	_ =	shalt  }
0x73: {  	_ =	shalt  }
0x74: {  	_ =	shalt  }
0x75: {  	_ =	shalt  }
0x76: {  	_ =	shalt  }
0x77: {  	_ =	shalt  }
0x78: {  	_ =	shalt  }
0x79: {  	_ =	shalt  }
0x7a: {  	_ =	shalt  }
0x7b: {  	_ =	shalt  }
0x7c: {  	_ =	shalt  }
0x7d: {  	_ =	shalt  }
0x7e: {  	_ =	shalt  }
0x7f: {  	_ =	shalt  }
0x80: {  	_ =	shalt  }
0x81: {  	_ =	shalt  }
0x82: {  	_ =	shalt  }
0x83: {  	_ =	shalt  }
0x84: {  	_ =	shalt  }
0x85: {  	_ =	shalt  }
0x86: {  	_ =	shalt  }
0x87: {  	_ =	shalt  }
.Lfunc_end0:
.L_simem_size_0:
called_computation_lowered:
.L_overlay_start_0:
0x88: {  	s2 =	sld [smem:$0x3FD9]  }
0x89: {  	s3 =	sld [smem:$0x3FFE];
	_ =	sdelay $0x1  }
0x8a: {  	s1 =	srdreg.scid  }
0x8b: {  	s0 =	sand.u32 $0x1, s1  }
0x8c: {  	s14 =	sshll.u32 s0, $0xA;
	s2 =	sadd.s32 s3, s2  }
0x8d: {  	s2 =	sadd.s32 s2, s14  }
0x8e: {  	[smem:$0x3FB9] =	sst s2  }
0x8f: {  	_ = 	snop  }
0x90: {  	s2 =	sld [smem:$0x3FD0];
	_ =	sdelay $0x2  }
0x91: {  	s15 =	simm.s32 $0xA;
	s4 =	simm.s32 $0x10  }
0x92: {  	[smem:s4], [sflag:s15] =	dma.local [hbm:s2], $0x1  }
0x93: {  	_ =	swait.eq [sflag:s15], $0x1  }
0x94: {  	[sflag:s15] =	ssyncset.done $0x0  }
0x95: {  	[sflag:s15] =	ssyncadd.s32 $0xFFFFFFFF  }
0x96: {  	s16 =	sld [smem:$0x11];
	(tm) =	ssettm $0x1  }
0x97: {  	s17 =	sld [smem:$0x3FFB];
	_ =	sdelay $0x3  }
0x98: {  	_ =	strace s17  }
0x99: {  	s3 =	sld [smem:$0x3FFC];
	_ =	sdelay $0x3  }
0x9a: {  	_ =	strace s3  }
0x9b: {  	s3 =	sld [smem:$0x3FFD];
	_ =	sdelay $0x3  }
0x9c: {  	_ =	strace s3  }
0x9d: {  	_ =	strace $0x8FFFFFFF  }
0x9e: {  	s18 =	sld [smem:$0x3FDB];
	_ =	sdelay $0x1  }
0x9f: {  	s19 =	simm.s32 $_scs_section_size  }
0xa0: {  	s5 =	simm.s32 $_size__tile_overlayer_lowered;
	s6 =	simm.s32 $_tile_overlayer_lowered  }
0xa1: {  	s22 =	simm.s32 $0x1BFF;
	s21 =	sshll.u32 s6, $0x1;
	s3 =	sadd.s32 s19, s18  }
0xa2: {  	s7 =	simm.s32 $0x0;
	s20 =	sshll.u32 s5, $0x1;
	s5 =	sadd.s32 s21, s3  }
0xa3: {  	[timem:s7], [sflag:s22] =	dma.local [hbm:s5], s20  }
0xa4: {  	_ =	swait.ge [sflag:s22], s20  }
0xa5: {  	s4 =	ssub.s32 $0x0, s20;
	[sflag:s22] =	ssyncset.done $0x0  }
0xa6: {  	[sflag:s22] =	ssyncadd.s32 s4;
	_ =	sdelay $0x1  }
0xa7: {  	s23 =	simm.s32 $0x1B8B  }
0xa8: {  	_ =	swait.ge [sflag:s23], $0x1  }
0xa9: {  	[sflag:s23] =	ssyncset.done $0x0  }
0xaa: {  	s25 =	simm.s32 $0x1B8E;
	s24 =	sld [smem:$0x3FFE];
	[sflag:s23] =	ssyncadd.s32 $0xFFFFFFFF  }
0xab: {  	s26 =	simm.s32 $execute0_lowered;
	[smem:$0x3FD2] =	sst s25  }
0xac: {  	s5 =	sshll.u32 s26, $0x1;
	_ =	strace $0x80000046;
	[dreg:$0x1] =	wrdreg $0xFFFFFFFF  }
0xad: {  	s28 =	simm.s32 $_size_execute0_lowered;
	s3 =	sadd.s32 s3, s5;
	[dreg:$0x0] =	wrdreg $0x0  }
0xae: {  	s5 =	sshll.u32 s28, $0x1;
	[dreg:$0x2] =	wrdreg s3  }
0xaf: {  	[dreg:$0x3] =	wrdreg s5  }
0xb0: {  	[dreg:$0x4] =	wrdreg $0xC0  }
0xb1: {  	_ =	task [dreg:s7], $0x5FFFF  }
0xb2: {  	[dreg:$0x1] =	wrdreg $0xFFFFFFFF  }
0xb3: {  	[dreg:$0x0] =	wrdreg $0x60  }
0xb4: {  	[dreg:$0x2] =	wrdreg s24  }
0xb5: {  	[dreg:$0x3] =	wrdreg s16  }
0xb6: {  	[dreg:$0x4] =	wrdreg $0x9  }
0xb7: {  	_ =	task.clear_ibuf [dreg:s7], $0x5FFFF;
	_ =	strace $0x90000046  }
0xb8: {  	s29 =	simm.s32 $0x9;
	_ =	strace $0x80000048  }
0xb9: {  	_ =	swait.ge [sflag:s29], $0x1  }
0xba: {  	[sflag:s29] =	ssyncadd.s32 $0xFFFFFFFF  }
0xbb: {  	_ =	strace $0x90000048  }
0xbc: {  	_ =	sfence  }
0xbd: {  	s30 =	sld [smem:$0x0];
	_ =	sdelay $0x2  }
0xbe: {  	s31 =	sshll.u32 s1, $0xD;
	s1 =	sshrl.u32 s1, $0x2  }
0xbf: {  	s3 =	sand.u32 $0x4000, s31;
	s1 =	sadd.s32 s1, s30  }
0xc0: {  	s0 =	sor.u32 s3, s0;
	s1 =	sshll.u32 s1, $0x11  }
0xc1: {  	s0 =	sor.u32 s1, s0  }
0xc2: {  	s0 =	sadd.s32 $0x8F2B, s0  }
0xc3: {  	[sflag:s0] =	ssyncadd.remote.s32 $0x1  }
0xc4: {  	_ =	sfence.sel $0xFFFF  }
0xc5: {  	[dreg:$0x0] =	wrdreg $0xFFFFFFFF;
	(pc) =	sbr.abs _section_cstart, $3  }
0xc6: {  	[dreg:$0x1] =	wrdreg $0xFFFFFFFF  }
0xc7: {  	_ =	task.clear_ibuf [dreg:s7], $0x2FFFF;
	_ =	strace $0x9FFFFFFF  }
0xc8: {  	(tm) =	ssettm $0x7FFFFFFF  }
0xc9: {  	_ =	shalt  }
tec
execute0_lowered:
.L_overlay_start_1:
0x0: {  	(tag) =	ssettag $0x1  }
0x1: {  	s0 =	rddreg [dreg:$0x0];
	s1 =	simm.s32 $0x0;
	s28 =	srdreg.scid  }
0x2: {  	s7 =	stileid.u32;
	s10 =	simm.s32 $0x3;
	s12 =	simm.s32 $0x100  }
0x3: {  	s30 =	simm.s32 $0x8900;
	s31 =	simm.s32 $0x9100;
	s9 =	simm.s32 $0xA900  }
0x4: {  	s11 =	simm.s32 $0xC100;
	s13 =	simm.s32 $0xC900;
	s14 =	simm.s32 $0xD100  }
0x5: {  	s15 =	simm.s32 $0xD900;
	s16 =	simm.s32 $0xE100;
	s17 =	simm.s32 $0xE900  }
0x6: {  	s18 =	simm.s32 $0xF100;
	s19 =	simm.s32 $0xF900;
	s20 =	simm.s32 $0x1  }
0x7: {  	s21 =	simm.s32 $0x2;
	s23 =	simm.s32 $0x0;
	[smem:$0x7FF] =	sst s1  }
0x8: {  	s4 =	sadd.s32 $0x2DA00, s0;
	s1 =	sand.u32 $0x1, s28;
	s5 =	sadd.s32 $0x85A00, s0  }
0x9: {  	s6 =	sadd.s32 $0x37800, s0;
	s8 =	sshll.u32 s7, $0x1;
	s2 =	ssub.s32 $0x2, s1  }
0xa: {  	s7 =	sadd.s32 $0xD3C00, s0;
	s1 =	sor.u32 s1, s8;
	s3 =	sshrl.u32 s2, $0x1  }
0xb: {  	v2 =	vlaneseq.u32;
	_ =	strace $0x80000047;
	s8 =	smul.u32 $0x2780, s1;
	s29 =	ssub.s32 s2, s3  }
0xc: {  	vm0 =	vmmov $0xffff;
	v1 =	vshrl.u32 v2, $0x3;
	s1 =	simm.s32 $0xB100;
	s3 =	simm.s32 $0xA100;
	s0 =	smax.u32 s29, $0x1  }
0xd: {  	v0 =	vand.u32 $0x7, v2;
	v2 =	vor.u32 $0x8, v2;
	v1 =	vmul.u32 $0x8, v1;
	s2 =	simm.s32 $0xB900;
	[dreg:$0x3] =	wrdreg s0;
	s0 =	simm.s32 $0x9900  }
.LBB2_1:
0xe: {  	[dreg:$0x4] =	wrdreg s23;
	s22 =	simm.s32 $0x0  }
.LBB2_2:
0xf: {  	s23 =	sshll.u32 s22, $0x7  }
0x10: {  	s23 =	sadd.s32 s8, s23  }
0x11: {  	s25 =	sshrl.u32 s23, $0x3  }
0x12: {  	s24 =	simm.s32 $0x0;
	s26 =	sadd.s32 s4, s25  }
0x13: {  	[tilespmem:s24], [sflag:$0x3] =	stream.linear.gather [hbm4b:s26+s24], $0x80, $0x38;
	[tilespmem:$0x10100] =	vst v63  }
0x14: {  	_ =	swait.ge [sflag:s10], $0x80  }
0x15: {  	[sflag:s10] =	ssyncset.done $0x0  }
0x16: {  	[sflag:s10] =	ssyncadd.s32 $0xFFFFFF80  }
0x17: {  	s28 =	rddreg [dreg:$0x1]  }
0x18: {  	s29 =	simm.s32 $0x80;
	s25 =	sadd.s32 s28, s25  }
0x19: {  	[tilespmem:s29], [sflag:$0x3] =	stream.linear.gather [hbm4b:s25+s24], $0x80, $0x38;
	[tilespmem:$0x10100] =	vst v63  }
0x1a: {  	_ =	swait.ge [sflag:s10], $0x80  }
0x1b: {  	[sflag:s10] =	ssyncset.done $0x0  }
0x1c: {  	[sflag:s10] =	ssyncadd.s32 $0xFFFFFF80  }
0x1d: {  	v3 =	vld [tilespmem:$0x0];
	_ =	sdelay $0x4  }
0x1e: {  	v4 =	vshll.u32 v3, $0x1  }
0x1f: {  	v3 =	vand.u32 $0x7, v3;
	v4 =	vand.u32 $0xFFFFFFF0, v4  }
0x20: {  	v3 =	vor.u32 v3, v4  }
0x21: {  	v4 =	vperm.xlane v3, v0;
	_ =	sdelay $0x1  }
0x22: {  	v3 =	vperm.xlane v3, v2;
	v4 =	vadd.s32 v1, v4;
	_ =	sdelay $0x1  }
0x23: {  	v3 =	vadd.s32 v1, v3;
	_ =	sdelay $0x2  }
0x24: {  	[tilespmem:s12], [sflag:$0x1] =	stream.indirect_vreg.gather [hbm4b:s5+s24], $0x80, v4, vm0, $0xb8;
	[tilespmem:$0x10100] =	vst v63  }
0x25: {  	s28 =	simm.s32 $0x900  }
0x26: {  	[tilespmem:s28], [sflag:$0x1] =	stream.indirect_vreg.gather [hbm4b:s5+s24], $0x80, v3, vm0, $0xb8;
	[tilespmem:$0x10100] =	vst v63  }
0x27: {  	v3 =	vld [tilespmem:$0x10];
	_ =	sdelay $0x4  }
0x28: {  	v4 =	vshll.u32 v3, $0x1  }
0x29: {  	v3 =	vand.u32 $0x7, v3;
	v4 =	vand.u32 $0xFFFFFFF0, v4  }
0x2a: {  	v3 =	vor.u32 v3, v4  }
0x2b: {  	v4 =	vperm.xlane v3, v0;
	_ =	sdelay $0x1  }
0x2c: {  	v3 =	vperm.xlane v3, v2;
	v4 =	vadd.s32 v1, v4;
	_ =	sdelay $0x1  }
0x2d: {  	v3 =	vadd.s32 v1, v3;
	_ =	sdelay $0x1  }
0x2e: {  	s29 =	simm.s32 $0x1100  }
0x2f: {  	[tilespmem:s29], [sflag:$0x1] =	stream.indirect_vreg.gather [hbm4b:s5+s24], $0x80, v4, vm0, $0xb8;
	[tilespmem:$0x10100] =	vst v63  }
0x30: {  	s26 =	simm.s32 $0x1900  }
0x31: {  	[tilespmem:s26], [sflag:$0x1] =	stream.indirect_vreg.gather [hbm4b:s5+s24], $0x80, v3, vm0, $0xb8;
	[tilespmem:$0x10100] =	vst v63  }
0x32: {  	v3 =	vld [tilespmem:$0x20];
	_ =	sdelay $0x4  }
0x33: {  	v4 =	vshll.u32 v3, $0x1  }
0x34: {  	v3 =	vand.u32 $0x7, v3;
	v4 =	vand.u32 $0xFFFFFFF0, v4  }
0x35: {  	v3 =	vor.u32 v3, v4  }
0x36: {  	v4 =	vperm.xlane v3, v0;
	_ =	sdelay $0x1  }
0x37: {  	v3 =	vperm.xlane v3, v2;
	v4 =	vadd.s32 v1, v4;
	_ =	sdelay $0x1  }
0x38: {  	v3 =	vadd.s32 v1, v3;
	_ =	sdelay $0x1  }
0x39: {  	s28 =	simm.s32 $0x2100  }
0x3a: {  	[tilespmem:s28], [sflag:$0x1] =	stream.indirect_vreg.gather [hbm4b:s5+s24], $0x80, v4, vm0, $0xb8;
	[tilespmem:$0x10100] =	vst v63  }
0x3b: {  	s29 =	simm.s32 $0x2900  }
0x3c: {  	[tilespmem:s29], [sflag:$0x1] =	stream.indirect_vreg.gather [hbm4b:s5+s24], $0x80, v3, vm0, $0xb8;
	[tilespmem:$0x10100] =	vst v63  }
0x3d: {  	v3 =	vld [tilespmem:$0x30];
	_ =	sdelay $0x4  }
0x3e: {  	v4 =	vshll.u32 v3, $0x1  }
0x3f: {  	v3 =	vand.u32 $0x7, v3;
	v4 =	vand.u32 $0xFFFFFFF0, v4  }
0x40: {  	v3 =	vor.u32 v3, v4  }
0x41: {  	v4 =	vperm.xlane v3, v0;
	_ =	sdelay $0x1  }
0x42: {  	v3 =	vperm.xlane v3, v2;
	v4 =	vadd.s32 v1, v4;
	_ =	sdelay $0x1  }
0x43: {  	v3 =	vadd.s32 v1, v3;
	_ =	sdelay $0x1  }
0x44: {  	s26 =	simm.s32 $0x3100  }
0x45: {  	[tilespmem:s26], [sflag:$0x1] =	stream.indirect_vreg.gather [hbm4b:s5+s24], $0x80, v4, vm0, $0xb8;
	[tilespmem:$0x10100] =	vst v63  }
0x46: {  	s28 =	simm.s32 $0x3900  }
0x47: {  	[tilespmem:s28], [sflag:$0x1] =	stream.indirect_vreg.gather [hbm4b:s5+s24], $0x80, v3, vm0, $0xb8;
	[tilespmem:$0x10100] =	vst v63  }
0x48: {  	v3 =	vld [tilespmem:$0x40];
	_ =	sdelay $0x4  }
0x49: {  	v4 =	vshll.u32 v3, $0x1  }
0x4a: {  	v3 =	vand.u32 $0x7, v3;
	v4 =	vand.u32 $0xFFFFFFF0, v4  }
0x4b: {  	v3 =	vor.u32 v3, v4  }
0x4c: {  	v4 =	vperm.xlane v3, v0;
	_ =	sdelay $0x1  }
0x4d: {  	v3 =	vperm.xlane v3, v2;
	v4 =	vadd.s32 v1, v4;
	_ =	sdelay $0x1  }
0x4e: {  	v3 =	vadd.s32 v1, v3;
	_ =	sdelay $0x1  }
0x4f: {  	s29 =	simm.s32 $0x4100  }
0x50: {  	[tilespmem:s29], [sflag:$0x1] =	stream.indirect_vreg.gather [hbm4b:s5+s24], $0x80, v4, vm0, $0xb8;
	[tilespmem:$0x10100] =	vst v63  }
0x51: {  	s26 =	simm.s32 $0x4900  }
0x52: {  	[tilespmem:s26], [sflag:$0x1] =	stream.indirect_vreg.gather [hbm4b:s5+s24], $0x80, v3, vm0, $0xb8;
	[tilespmem:$0x10100] =	vst v63  }
0x53: {  	v3 =	vld [tilespmem:$0x50];
	_ =	sdelay $0x4  }
0x54: {  	v4 =	vshll.u32 v3, $0x1  }
0x55: {  	v3 =	vand.u32 $0x7, v3;
	v4 =	vand.u32 $0xFFFFFFF0, v4  }
0x56: {  	v3 =	vor.u32 v3, v4  }
0x57: {  	v4 =	vperm.xlane v3, v0;
	_ =	sdelay $0x1  }
0x58: {  	v3 =	vperm.xlane v3, v2;
	v4 =	vadd.s32 v1, v4;
	_ =	sdelay $0x1  }
0x59: {  	v3 =	vadd.s32 v1, v3;
	_ =	sdelay $0x1  }
0x5a: {  	s28 =	simm.s32 $0x5100  }
0x5b: {  	[tilespmem:s28], [sflag:$0x1] =	stream.indirect_vreg.gather [hbm4b:s5+s24], $0x80, v4, vm0, $0xb8;
	[tilespmem:$0x10100] =	vst v63  }
0x5c: {  	s29 =	simm.s32 $0x5900  }
0x5d: {  	[tilespmem:s29], [sflag:$0x1] =	stream.indirect_vreg.gather [hbm4b:s5+s24], $0x80, v3, vm0, $0xb8;
	[tilespmem:$0x10100] =	vst v63  }
0x5e: {  	v3 =	vld [tilespmem:$0x60];
	_ =	sdelay $0x4  }
0x5f: {  	v4 =	vshll.u32 v3, $0x1  }
0x60: {  	v3 =	vand.u32 $0x7, v3;
	v4 =	vand.u32 $0xFFFFFFF0, v4  }
0x61: {  	v3 =	vor.u32 v3, v4  }
0x62: {  	v4 =	vperm.xlane v3, v0;
	_ =	sdelay $0x1  }
0x63: {  	v3 =	vperm.xlane v3, v2;
	v4 =	vadd.s32 v1, v4;
	_ =	sdelay $0x1  }
0x64: {  	v3 =	vadd.s32 v1, v3;
	_ =	sdelay $0x1  }
0x65: {  	s26 =	simm.s32 $0x6100  }
0x66: {  	[tilespmem:s26], [sflag:$0x1] =	stream.indirect_vreg.gather [hbm4b:s5+s24], $0x80, v4, vm0, $0xb8;
	[tilespmem:$0x10100] =	vst v63  }
0x67: {  	s28 =	simm.s32 $0x6900  }
0x68: {  	[tilespmem:s28], [sflag:$0x1] =	stream.indirect_vreg.gather [hbm4b:s5+s24], $0x80, v3, vm0, $0xb8;
	[tilespmem:$0x10100] =	vst v63  }
0x69: {  	v3 =	vld [tilespmem:$0x70];
	_ =	sdelay $0x4  }
0x6a: {  	v4 =	vshll.u32 v3, $0x1  }
0x6b: {  	v3 =	vand.u32 $0x7, v3;
	v4 =	vand.u32 $0xFFFFFFF0, v4  }
0x6c: {  	v3 =	vor.u32 v3, v4  }
0x6d: {  	v4 =	vperm.xlane v3, v0;
	_ =	sdelay $0x1  }
0x6e: {  	v3 =	vperm.xlane v3, v2;
	v4 =	vadd.s32 v1, v4;
	_ =	sdelay $0x1  }
0x6f: {  	v3 =	vadd.s32 v1, v3;
	_ =	sdelay $0x1  }
0x70: {  	s29 =	simm.s32 $0x7100  }
0x71: {  	[tilespmem:s29], [sflag:$0x1] =	stream.indirect_vreg.gather [hbm4b:s5+s24], $0x80, v4, vm0, $0xb8;
	[tilespmem:$0x10100] =	vst v63  }
0x72: {  	s26 =	simm.s32 $0x7900  }
0x73: {  	[tilespmem:s26], [sflag:$0x1] =	stream.indirect_vreg.gather [hbm4b:s5+s24], $0x80, v3, vm0, $0xb8;
	[tilespmem:$0x10100] =	vst v63  }
0x74: {  	v3 =	vld [tilespmem:$0x80];
	_ =	sdelay $0x4  }
0x75: {  	v4 =	vshll.u32 v3, $0x1  }
0x76: {  	v3 =	vand.u32 $0x7, v3;
	v4 =	vand.u32 $0xFFFFFFF0, v4  }
0x77: {  	v3 =	vor.u32 v3, v4  }
0x78: {  	v4 =	vperm.xlane v3, v0;
	_ =	sdelay $0x1  }
0x79: {  	v3 =	vperm.xlane v3, v2;
	v4 =	vadd.s32 v1, v4;
	_ =	sdelay $0x1  }
0x7a: {  	v3 =	vadd.s32 v1, v3;
	_ =	sdelay $0x1  }
0x7b: {  	s28 =	simm.s32 $0x8100  }
0x7c: {  	[tilespmem:s28], [sflag:$0x2] =	stream.indirect_vreg.gather [hbm4b:s6+s24], $0x80, v4, vm0, $0xb8;
	[tilespmem:$0x10100] =	vst v63  }
0x7d: {  	_ = 	snop  }
0x7e: {  	[tilespmem:s30], [sflag:$0x2] =	stream.indirect_vreg.gather [hbm4b:s6+s24], $0x80, v3, vm0, $0xb8;
	[tilespmem:$0x10100] =	vst v63  }
0x7f: {  	v3 =	vld [tilespmem:$0x90];
	_ =	sdelay $0x4  }
0x80: {  	v4 =	vshll.u32 v3, $0x1  }
0x81: {  	v3 =	vand.u32 $0x7, v3;
	v4 =	vand.u32 $0xFFFFFFF0, v4  }
0x82: {  	v3 =	vor.u32 v3, v4  }
0x83: {  	v4 =	vperm.xlane v3, v0;
	_ =	sdelay $0x1  }
0x84: {  	v3 =	vperm.xlane v3, v2;
	v4 =	vadd.s32 v1, v4;
	_ =	sdelay $0x1  }
0x85: {  	v3 =	vadd.s32 v1, v3;
	_ =	sdelay $0x2  }
0x86: {  	[tilespmem:s31], [sflag:$0x2] =	stream.indirect_vreg.gather [hbm4b:s6+s24], $0x80, v4, vm0, $0xb8;
	[tilespmem:$0x10100] =	vst v63  }
0x87: {  	_ = 	snop  }
0x88: {  	[tilespmem:s0], [sflag:$0x2] =	stream.indirect_vreg.gather [hbm4b:s6+s24], $0x80, v3, vm0, $0xb8;
	[tilespmem:$0x10100] =	vst v63  }
0x89: {  	v3 =	vld [tilespmem:$0xA0];
	_ =	sdelay $0x4  }
0x8a: {  	v4 =	vshll.u32 v3, $0x1  }
0x8b: {  	v3 =	vand.u32 $0x7, v3;
	v4 =	vand.u32 $0xFFFFFFF0, v4  }
0x8c: {  	v3 =	vor.u32 v3, v4  }
0x8d: {  	v4 =	vperm.xlane v3, v0;
	_ =	sdelay $0x1  }
0x8e: {  	v3 =	vperm.xlane v3, v2;
	v4 =	vadd.s32 v1, v4;
	_ =	sdelay $0x1  }
0x8f: {  	v3 =	vadd.s32 v1, v3;
	_ =	sdelay $0x2  }
0x90: {  	[tilespmem:s3], [sflag:$0x2] =	stream.indirect_vreg.gather [hbm4b:s6+s24], $0x80, v4, vm0, $0xb8;
	[tilespmem:$0x10100] =	vst v63  }
0x91: {  	_ = 	snop  }
0x92: {  	[tilespmem:s9], [sflag:$0x2] =	stream.indirect_vreg.gather [hbm4b:s6+s24], $0x80, v3, vm0, $0xb8;
	[tilespmem:$0x10100] =	vst v63  }
0x93: {  	v3 =	vld [tilespmem:$0xB0];
	_ =	sdelay $0x4  }
0x94: {  	v4 =	vshll.u32 v3, $0x1  }
0x95: {  	v3 =	vand.u32 $0x7, v3;
	v4 =	vand.u32 $0xFFFFFFF0, v4  }
0x96: {  	v3 =	vor.u32 v3, v4  }
0x97: {  	v4 =	vperm.xlane v3, v0;
	_ =	sdelay $0x1  }
0x98: {  	v3 =	vperm.xlane v3, v2;
	v4 =	vadd.s32 v1, v4;
	_ =	sdelay $0x1  }
0x99: {  	v3 =	vadd.s32 v1, v3;
	_ =	sdelay $0x2  }
0x9a: {  	[tilespmem:s1], [sflag:$0x2] =	stream.indirect_vreg.gather [hbm4b:s6+s24], $0x80, v4, vm0, $0xb8;
	[tilespmem:$0x10100] =	vst v63  }
0x9b: {  	_ = 	snop  }
0x9c: {  	[tilespmem:s2], [sflag:$0x2] =	stream.indirect_vreg.gather [hbm4b:s6+s24], $0x80, v3, vm0, $0xb8;
	[tilespmem:$0x10100] =	vst v63  }
0x9d: {  	v3 =	vld [tilespmem:$0xC0];
	_ =	sdelay $0x4  }
0x9e: {  	v4 =	vshll.u32 v3, $0x1  }
0x9f: {  	v3 =	vand.u32 $0x7, v3;
	v4 =	vand.u32 $0xFFFFFFF0, v4  }
0xa0: {  	v3 =	vor.u32 v3, v4  }
0xa1: {  	v4 =	vperm.xlane v3, v0;
	_ =	sdelay $0x1  }
0xa2: {  	v3 =	vperm.xlane v3, v2;
	v4 =	vadd.s32 v1, v4;
	_ =	sdelay $0x1  }
0xa3: {  	v3 =	vadd.s32 v1, v3;
	_ =	sdelay $0x2  }
0xa4: {  	[tilespmem:s11], [sflag:$0x2] =	stream.indirect_vreg.gather [hbm4b:s6+s24], $0x80, v4, vm0, $0xb8;
	[tilespmem:$0x10100] =	vst v63  }
0xa5: {  	_ = 	snop  }
0xa6: {  	[tilespmem:s13], [sflag:$0x2] =	stream.indirect_vreg.gather [hbm4b:s6+s24], $0x80, v3, vm0, $0xb8;
	[tilespmem:$0x10100] =	vst v63  }
0xa7: {  	v3 =	vld [tilespmem:$0xD0];
	_ =	sdelay $0x4  }
0xa8: {  	v4 =	vshll.u32 v3, $0x1  }
0xa9: {  	v3 =	vand.u32 $0x7, v3;
	v4 =	vand.u32 $0xFFFFFFF0, v4  }
0xaa: {  	v3 =	vor.u32 v3, v4  }
0xab: {  	v4 =	vperm.xlane v3, v0;
	_ =	sdelay $0x1  }
0xac: {  	v3 =	vperm.xlane v3, v2;
	v4 =	vadd.s32 v1, v4;
	_ =	sdelay $0x1  }
0xad: {  	v3 =	vadd.s32 v1, v3;
	_ =	sdelay $0x2  }
0xae: {  	[tilespmem:s14], [sflag:$0x2] =	stream.indirect_vreg.gather [hbm4b:s6+s24], $0x80, v4, vm0, $0xb8;
	[tilespmem:$0x10100] =	vst v63  }
0xaf: {  	_ = 	snop  }
0xb0: {  	[tilespmem:s15], [sflag:$0x2] =	stream.indirect_vreg.gather [hbm4b:s6+s24], $0x80, v3, vm0, $0xb8;
	[tilespmem:$0x10100] =	vst v63  }
0xb1: {  	v3 =	vld [tilespmem:$0xE0];
	_ =	sdelay $0x4  }
0xb2: {  	v4 =	vshll.u32 v3, $0x1  }
0xb3: {  	v3 =	vand.u32 $0x7, v3;
	v4 =	vand.u32 $0xFFFFFFF0, v4  }
0xb4: {  	v3 =	vor.u32 v3, v4  }
0xb5: {  	v4 =	vperm.xlane v3, v0;
	_ =	sdelay $0x1  }
0xb6: {  	v3 =	vperm.xlane v3, v2;
	v4 =	vadd.s32 v1, v4;
	_ =	sdelay $0x1  }
0xb7: {  	v3 =	vadd.s32 v1, v3;
	_ =	sdelay $0x2  }
0xb8: {  	[tilespmem:s16], [sflag:$0x2] =	stream.indirect_vreg.gather [hbm4b:s6+s24], $0x80, v4, vm0, $0xb8;
	[tilespmem:$0x10100] =	vst v63  }
0xb9: {  	_ = 	snop  }
0xba: {  	[tilespmem:s17], [sflag:$0x2] =	stream.indirect_vreg.gather [hbm4b:s6+s24], $0x80, v3, vm0, $0xb8;
	[tilespmem:$0x10100] =	vst v63  }
0xbb: {  	v3 =	vld [tilespmem:$0xF0];
	_ =	sdelay $0x4  }
0xbc: {  	v4 =	vshll.u32 v3, $0x1  }
0xbd: {  	v3 =	vand.u32 $0x7, v3;
	v4 =	vand.u32 $0xFFFFFFF0, v4  }
0xbe: {  	v3 =	vor.u32 v3, v4  }
0xbf: {  	v4 =	vperm.xlane v3, v0;
	_ =	sdelay $0x1  }
0xc0: {  	v3 =	vperm.xlane v3, v2;
	v4 =	vadd.s32 v1, v4;
	_ =	sdelay $0x1  }
0xc1: {  	v3 =	vadd.s32 v1, v3;
	_ =	sdelay $0x2  }
0xc2: {  	[tilespmem:s18], [sflag:$0x2] =	stream.indirect_vreg.gather [hbm4b:s6+s24], $0x80, v4, vm0, $0xb8;
	[tilespmem:$0x10100] =	vst v63  }
0xc3: {  	_ = 	snop  }
0xc4: {  	[tilespmem:s19], [sflag:$0x2] =	stream.indirect_vreg.gather [hbm4b:s6+s24], $0x80, v3, vm0, $0xb8;
	[tilespmem:$0x10100] =	vst v63  }
0xc5: {  	_ =	swait.ge [sflag:s20], $0x8000  }
0xc6: {  	[sflag:s20] =	ssyncset.done $0x0  }
0xc7: {  	[sflag:s20] =	ssyncadd.s32 $0xFFFF8000  }
0xc8: {  	_ =	swait.ge [sflag:s21], $0x8000  }
0xc9: {  	s29 =	sand.u32 $0x7800, s24;
	s24 =	sand.u32 $0x380, s24;
	[sflag:s21] =	ssyncset.done $0x0  }
0xca: {  	s24 =	sor.u32 s24, s29;
	[sflag:s21] =	ssyncadd.s32 $0xFFFF8000  }
0xcb: {  	v10 =	vld [tilespmem:s24+$0x8100]  }
0xcc: {  	v11 =	vld [tilespmem:s24+$0x8110]  }
0xcd: {  	v12 =	vld [tilespmem:s24+$0x8120]  }
0xce: {  	v13 =	vld [tilespmem:s24+$0x8130]  }
0xcf: {  	v14 =	vld [tilespmem:s24+$0x8140]  }
0xd0: {  	v15 =	vld [tilespmem:s24+$0x8150]  }
0xd1: {  	v16 =	vld [tilespmem:s24+$0x8160]  }
0xd2: {  	v17 =	vld [tilespmem:s24+$0x8170]  }
0xd3: {  	v18 =	vld [tilespmem:s24+$0x8500]  }
0xd4: {  	v9 =	vld [tilespmem:s24+$0x8510]  }
0xd5: {  	v8 =	vld [tilespmem:s24+$0x8520]  }
0xd6: {  	v7 =	vld [tilespmem:s24+$0x8530]  }
0xd7: {  	v6 =	vld [tilespmem:s24+$0x8540]  }
0xd8: {  	v5 =	vld [tilespmem:s24+$0x8550]  }
0xd9: {  	v4 =	vld [tilespmem:s24+$0x8560]  }
0xda: {  	v3 =	vld [tilespmem:s24+$0x8570]  }
0xdb: {  	v19 =	vld [tilespmem:s24+$0x100]  }
0xdc: {  	v20 =	vld [tilespmem:s24+$0x110]  }
0xdd: {  	v21 =	vld [tilespmem:s24+$0x120]  }
0xde: {  	v22 =	vld [tilespmem:s24+$0x130]  }
0xdf: {  	v23 =	vld [tilespmem:s24+$0x140]  }
0xe0: {  	v10 =	vadd.f32 v10, v19;
	v19 =	vld [tilespmem:s24+$0x150]  }
0xe1: {  	v61 =	vld [tilespmem:s24+$0x160];
	v11 =	vadd.f32 v11, v20  }
0xe2: {  	v62 =	vld [tilespmem:s24+$0x170];
	[tilespmem:s24+$0x100] =	vst v10;
	v10 =	vadd.f32 v12, v21  }
0xe3: {  	v63 =	vld [tilespmem:s24+$0x500];
	[tilespmem:s24+$0x110] =	vst v11;
	v11 =	vadd.f32 v13, v22  }
0xe4: {  	v13 =	vld [tilespmem:s24+$0x510];
	[tilespmem:s24+$0x120] =	vst v10;
	v10 =	vadd.f32 v14, v23  }
0xe5: {  	v12 =	vld [tilespmem:s24+$0x520];
	[tilespmem:s24+$0x130] =	vst v11;
	v11 =	vadd.f32 v15, v19  }
0xe6: {  	v14 =	vadd.f32 v16, v61;
	[tilespmem:s24+$0x140] =	vst v10;
	v10 =	vld [tilespmem:s24+$0x530]  }
0xe7: {  	v16 =	vadd.f32 v17, v62;
	[tilespmem:s24+$0x150] =	vst v11;
	v11 =	vld [tilespmem:s24+$0x540]  }
0xe8: {  	s25 =	simm.s32 $0x80;
	s26 =	simm.s32 $0x100;
	v15 =	vadd.f32 v18, v63;
	[tilespmem:s24+$0x160] =	vst v14;
	v14 =	vld [tilespmem:s24+$0x550]  }
.LBB2_3:
0xe9: {  	s28 =	sand.u32 $0x7800, s26;
	s29 =	sand.u32 $0x380, s25;
	p0 =	sne.s32 s26, $0x7F00;
	[tilespmem:s24+$0x170] =	vst v16;
	v9 =	vadd.f32 v9, v13;
	v13 =	vld [tilespmem:s24+$0x560]  }
0xea: {  	s28 =	sor.u32 s29, s28;
	[tilespmem:s24+$0x500] =	vst v15;
	v8 =	vadd.f32 v8, v12;
	v12 =	vld [tilespmem:s24+$0x570]  }
0xeb: {  	v15 =	vld [tilespmem:s28+$0x8100];
	[tilespmem:s24+$0x510] =	vst v9;
	v7 =	vadd.f32 v7, v10  }
0xec: {  	v10 =	vld [tilespmem:s28+$0x8110];
	[tilespmem:s24+$0x520] =	vst v8;
	v6 =	vadd.f32 v6, v11  }
0xed: {  	v11 =	vld [tilespmem:s28+$0x8120];
	[tilespmem:s24+$0x530] =	vst v7;
	v5 =	vadd.f32 v5, v14  }
0xee: {  	v14 =	vld [tilespmem:s28+$0x8130];
	[tilespmem:s24+$0x540] =	vst v6;
	v4 =	vadd.f32 v4, v13  }
0xef: {  	v13 =	vld [tilespmem:s28+$0x8140];
	[tilespmem:s24+$0x550] =	vst v5;
	v3 =	vadd.f32 v3, v12  }
0xf0: {  	v12 =	vld [tilespmem:s28+$0x8150];
	[tilespmem:s24+$0x560] =	vst v4  }
0xf1: {  	v16 =	vld [tilespmem:s28+$0x8160];
	[tilespmem:s24+$0x570] =	vst v3;
	s24 =	smov.u32 s28  }
0xf2: {  	v17 =	vld [tilespmem:s24+$0x8170]  }
0xf3: {  	v18 =	vld [tilespmem:s24+$0x8500]  }
0xf4: {  	v9 =	vld [tilespmem:s24+$0x8510]  }
0xf5: {  	v8 =	vld [tilespmem:s24+$0x8520]  }
0xf6: {  	v7 =	vld [tilespmem:s24+$0x8530]  }
0xf7: {  	v6 =	vld [tilespmem:s24+$0x8540]  }
0xf8: {  	v5 =	vld [tilespmem:s24+$0x8550]  }
0xf9: {  	v4 =	vld [tilespmem:s24+$0x8560]  }
0xfa: {  	v3 =	vld [tilespmem:s24+$0x8570]  }
0xfb: {  	v19 =	vld [tilespmem:s24+$0x100]  }
0xfc: {  	v20 =	vld [tilespmem:s24+$0x110]  }
0xfd: {  	v21 =	vld [tilespmem:s24+$0x120]  }
0xfe: {  	v22 =	vld [tilespmem:s24+$0x130]  }
0xff: {  	v23 =	vld [tilespmem:s24+$0x140]  }
0x100: {  	v15 =	vadd.f32 v15, v19;
	v19 =	vld [tilespmem:s24+$0x150]  }
0x101: {  	v10 =	vadd.f32 v10, v20;
	v20 =	vld [tilespmem:s24+$0x160]  }
0x102: {  	[tilespmem:s24+$0x100] =	vst v15;
	v11 =	vadd.f32 v11, v21;
	v15 =	vld [tilespmem:s24+$0x170]  }
0x103: {  	[tilespmem:s24+$0x110] =	vst v10;
	v10 =	vadd.f32 v14, v22;
	v14 =	vld [tilespmem:s24+$0x500]  }
.Ltmp0:
0x104: {  	[tilespmem:s24+$0x120] =	vst v11;
	v11 =	vadd.f32 v13, v23;
	v13 =	vld [tilespmem:s24+$0x510];
	(pc) =	sbr.rel @p0 .LBB2_3-.Ltmp0, $4  }
0x105: {  	[tilespmem:s24+$0x130] =	vst v10;
	v19 =	vadd.f32 v12, v19;
	v12 =	vld [tilespmem:s24+$0x520]  }
0x106: {  	[tilespmem:s24+$0x140] =	vst v11;
	v20 =	vadd.f32 v16, v20;
	v10 =	vld [tilespmem:s24+$0x530]  }
0x107: {  	[tilespmem:s24+$0x150] =	vst v19;
	v16 =	vadd.f32 v17, v15;
	v11 =	vld [tilespmem:s24+$0x540]  }
0x108: {  	s25 =	sadd.s32 $0x80, s25;
	s26 =	sadd.s32 $0x100, s26;
	[tilespmem:s24+$0x160] =	vst v20;
	v15 =	vadd.f32 v18, v14;
	v14 =	vld [tilespmem:s24+$0x550]  }
0x109: {  	[tilespmem:s24+$0x170] =	vst v16;
	v9 =	vadd.f32 v9, v13;
	v62 =	vld [tilespmem:s24+$0x560]  }
0x10a: {  	v63 =	vld [tilespmem:s24+$0x570];
	[tilespmem:s24+$0x500] =	vst v15;
	v8 =	vadd.f32 v8, v12  }
0x10b: {  	[tilespmem:s24+$0x510] =	vst v9;
	v7 =	vadd.f32 v7, v10  }
0x10c: {  	[tilespmem:s24+$0x520] =	vst v8;
	v6 =	vadd.f32 v6, v11  }
0x10d: {  	[tilespmem:s24+$0x530] =	vst v7;
	v5 =	vadd.f32 v5, v14  }
0x10e: {  	[tilespmem:s24+$0x540] =	vst v6;
	v4 =	vadd.f32 v4, v62  }
0x10f: {  	s22 =	sadd.s32 $0x1, s22;
	v3 =	vadd.f32 v3, v63;
	[tilespmem:s24+$0x550] =	vst v5  }
0x110: {  	s23 =	sshll.u32 s23, $0x5;
	p0 =	sne.s32 s22, $0x4F;
	[tilespmem:s24+$0x560] =	vst v4  }
.Ltmp1:
0x111: {  	s29 =	simm.s32 $0x0;
	s23 =	sadd.s32 s7, s23;
	[tilespmem:s24+$0x570] =	vst v3;
	(pc) =	sbr.rel @p0 .LBB2_2-.Ltmp1, $4  }
0x112: {  	[hbm4b:s23+s29] =	stream.linear.scatter [tilespmem:s12], [sflag:$0x3], $0x8000, $0x38;
	[tilespmem:$0x10100] =	vst v63  }
0x113: {  	_ =	swait.ge [sflag:s10], $0x8000  }
0x114: {  	[sflag:s10] =	ssyncset.done $0x0  }
0x115: {  	[sflag:s10] =	ssyncadd.s32 $0xFFFF8000  }
0x116: {  	s23 =	rddreg [dreg:$0x4]  }
0x117: {  	s22 =	rddreg [dreg:$0x3];
	s23 =	sadd.s32 $0x1, s23  }
0x118: {  	p0 =	sne.s32 s23, s22  }
.Ltmp2:
0x119: {  	_ = 	snop;
	(pc) =	sbr.rel @p0 .LBB2_1-.Ltmp2, $1  }
0x11a: {  	_ =	sdelay $0x3  }
0x11b: {  	_ =	sfence.sel $0x180000  }
0x11c: {  	[bflag:$0x0] =	sbarrier.arrive $0xFFFF  }
0x11d: {  	_ =	strace $0x90000047  }
0x11e: {  	s0 =	stileid.u32;
	[bflag:$0x2] =	sbarrier.arrive $0xFFFF  }
0x11f: {  	p0 =	sne.s32 s0, $0x0;
	s0 =	rddreg [dreg:$0x2]  }
0x120: {  	s0 =	sadd.s32 @!p0 $0x100000, s0  }
0x121: {  	[sflag:s0] =	ssyncadd.tile.s32 @!p0 $0x1;
	_ =	shalt  }
.Lfunc_end2:
_tile_overlayer_lowered:
.L_overlay_start_2:
0x122: {  	(tag) =	ssettag $0x2  }
0x123: {  	s0 =	rddreg [dreg:$0x0];
	s2 =	stileid.u32  }
0x124: {  	s1 =	rddreg [dreg:$0x1];
	p0 =	sne.s32 s2, $0x0  }
0x125: {  	s3 =	rddreg [dreg:$0x2];
	[bflag:$0x3] =	sbarrier.arrive $0xFFFF;
	s2 =	simm.s32 @!p0 $0x1C03  }
0x126: {  	[timem:s3], [sflag:s2] =	dma.local @!p0 [hbm:s0], s1  }
0x127: {  	s0 =	simm.s32 @!p0 $0x3  }
0x128: {  	_ =	swait.ge @!p0 [sflag:s0], s1  }
0x129: {  	s1 =	ssub.s32 @!p0 $0x0, s1;
	[sflag:s0] =	ssyncset.done @!p0 $0x0  }
0x12a: {  	[sflag:s0] =	ssyncadd.s32 @!p0 s1  }
0x12b: {  	[bflag:$0x3] =	sbarrier.arrive $0xFFFF  }
0x12c: {  	_ =	shalt  }

</sc_bundles>
